<compile_context>
chip_gen: v7x
topology: tpu7x:2x2x1
jax: 0.10.2.dev20260603
libtpu: 0.0.44.dev20260713+nightly
codegen_flags: <defaults>
</compile_context>

<pallas_src>
import functools

import jax
import jax.numpy as jnp
from jax import lax
from jax.experimental import pallas as pl
from jax.experimental.pallas import tpu as pltpu
from jax.experimental.pallas import tpu_sc as plsc

N_NODES = 10000
N_PAD = 10240
E_EDGES = 160000
E_PAD = 163840
DUMP_ROW = N_NODES
IN_DIM = 256
HID = 256
HALF = 128
CODE_PAD = 32


def _zero_vmem(ref, rows, width):
    z16 = jnp.zeros((16,), jnp.float32)

    def row(i, _):
        def col(k, _):
            ref[i, pl.ds(k * 16, 16)] = z16
            return 0
        return lax.fori_loop(0, width // 16, col, 0)

    lax.fori_loop(0, rows, row, 0)


def _zero_vmem_1d(ref, n):
    z16 = jnp.zeros((16,), jnp.float32)

    def body(i, _):
        ref[pl.ds(i * 16, 16)] = z16
        return 0

    lax.fori_loop(0, n // 16, body, 0)


def _zero_vmem_bf16(ref, rows, width):
    z32 = jnp.zeros((32,), jnp.bfloat16)

    def row(i, _):
        def col(k, _):
            ref[i, pl.ds(k * 32, 32)] = z32
            return 0
        return lax.fori_loop(0, width // 32, col, 0)

    lax.fori_loop(0, rows, row, 0)


def _make_wide_aggr(with_deg):
    mesh = plsc.VectorSubcoreMesh(core_axis_name="c", subcore_axis_name="s",
                                  num_cores=2, num_subcores=16)

    out_type = [jax.ShapeDtypeStruct((2, N_PAD, HALF), jnp.bfloat16)]
    if with_deg:
        out_type.append(jax.ShapeDtypeStruct((2, 16, N_PAD), jnp.float32))

    scratch = [
        pltpu.VMEM((80, 128), jnp.int32),
        pltpu.VMEM((80, 128), jnp.int32),
        [pltpu.VMEM((128, HALF), jnp.bfloat16) for _ in range(4)],
        pltpu.VMEM((128, HALF), jnp.bfloat16),
        pltpu.VMEM_SHARED((N_PAD, HALF), jnp.bfloat16),
        pltpu.SemaphoreType.DMA,
        pltpu.SemaphoreType.DMA,
    ]
    if with_deg:
        scratch.append(pltpu.VMEM((N_PAD,), jnp.float32))

    def body(h0_hbm, h1_hbm, sidx_hbm, didx_hbm, aggr_out, *rest):
        if with_deg:
            deg_out = rest[0]
            sidx_v, didx_v, rows, zbuf_v, table_sh, gsem, ssem, deg_v = rest[1:]
        else:
            sidx_v, didx_v, rows, zbuf_v, table_sh, gsem, ssem = rest
        c = lax.axis_index("c")
        s = lax.axis_index("s")

        _zero_vmem_bf16(zbuf_v, 128, HALF)
        if with_deg:
            _zero_vmem_1d(deg_v, N_PAD)

        pltpu.sync_copy(sidx_hbm.at[s], sidx_v)
        pltpu.sync_copy(didx_hbm.at[s], didx_v)

        ones16 = jnp.ones((16,), jnp.float32)

        for k in range(5):
            pltpu.sync_copy(zbuf_v, table_sh.at[pl.ds((s * 5 + k) * 128, 128)])
        plsc.subcore_barrier()

        def grp(g, _):
            for hbm, cc in ((h0_hbm, 0), (h1_hbm, 1)):
                @pl.when(c == cc)
                def _(hbm=hbm):
                    descs = [
                        pltpu.async_copy(
                            hbm.at[sidx_v.at[g * 4 + b]], rows[b], gsem)
                        for b in range(4)]
                    for d in descs:
                        d.wait()
            sdescs = [
                pltpu.async_copy(
                    rows[b], table_sh.at[didx_v.at[g * 4 + b]], ssem,
                    add=True)
                for b in range(4)]
            for d in sdescs:
                d.wait()
            if with_deg:
                def dcount(k, _):
                    idx16 = didx_v[g * 4 + k // 8, pl.ds((k % 8) * 16, 16)]
                    plsc.addupdate_scatter(deg_v, [idx16], ones16)
                    return 0
                lax.fori_loop(0, 32, dcount, 0)
            return 0

        lax.fori_loop(0, 20, grp, 0)

        plsc.subcore_barrier()
        pltpu.sync_copy(table_sh.at[pl.ds(s * 640, 640)],
                        aggr_out.at[c].at[pl.ds(s * 640, 640)])
        if with_deg:
            pltpu.sync_copy(deg_v, deg_out.at[c].at[s])

    return pl.kernel(
        body, out_type=out_type, mesh=mesh, scratch_types=scratch,
        compiler_params=pltpu.CompilerParams(needs_layout_passes=False,
                                             use_tc_tiling_on_sc=False))


def _make_narrow_aggr():
    mesh = plsc.VectorSubcoreMesh(core_axis_name="c", subcore_axis_name="s",
                                  num_cores=2, num_subcores=16)

    scratch = [
        pltpu.VMEM((40, 128), jnp.int32),
        pltpu.VMEM((40, 128), jnp.int32),
        [pltpu.VMEM((128, CODE_PAD), jnp.bfloat16) for _ in range(4)],
        pltpu.VMEM((320, CODE_PAD), jnp.bfloat16),
        pltpu.VMEM_SHARED((N_PAD, CODE_PAD), jnp.bfloat16),
        pltpu.SemaphoreType.DMA,
        pltpu.SemaphoreType.DMA,
    ]

    def body(tbl_hbm, sidx_hbm, didx_hbm, aggr_out,
             sidx_v, didx_v, rows, zbuf_v, table_sh, gsem, ssem):
        c = lax.axis_index("c")
        s = lax.axis_index("s")
        w = c * 16 + s

        _zero_vmem_bf16(zbuf_v, 320, CODE_PAD)
        pltpu.sync_copy(zbuf_v, table_sh.at[pl.ds(s * 320, 320)])
        pltpu.sync_copy(zbuf_v, table_sh.at[pl.ds(5120 + s * 320, 320)])

        pltpu.sync_copy(sidx_hbm.at[w], sidx_v)
        pltpu.sync_copy(didx_hbm.at[w], didx_v)
        plsc.subcore_barrier()

        def grp(g, _):
            descs = [
                pltpu.async_copy(tbl_hbm.at[sidx_v.at[g * 4 + b]], rows[b],
                                 gsem)
                for b in range(4)]
            for d in descs:
                d.wait()
            sdescs = [
                pltpu.async_copy(rows[b], table_sh.at[didx_v.at[g * 4 + b]],
                                 ssem, add=True)
                for b in range(4)]
            for d in sdescs:
                d.wait()
            return 0

        lax.fori_loop(0, 10, grp, 0)

        plsc.subcore_barrier()
        pltpu.sync_copy(table_sh.at[pl.ds(s * 640, 640)],
                        aggr_out.at[c].at[pl.ds(s * 640, 640)])

    return pl.kernel(
        body,
        out_type=[jax.ShapeDtypeStruct((2, N_PAD, CODE_PAD), jnp.bfloat16)],
        mesh=mesh, scratch_types=scratch,
        compiler_params=pltpu.CompilerParams(needs_layout_passes=False,
                                             use_tc_tiling_on_sc=False))



def _t1_body(x_ref, a_ref, degs_ref, wl1_ref, wr1_ref, b1_ref,
             wl2_ref, wr2_ref, b2_ref, p2_ref, r2_ref, invd_ref):
    deg = jnp.sum(degs_ref[...], axis=0)
    invd = 1.0 / jnp.clip(deg, 1.0, None)
    invd2 = invd[:, None]
    aggr = sum(jnp.dot(a_ref[i].astype(jnp.float32), wl1_ref[i],
                       preferred_element_type=jnp.float32)
               for i in range(2))
    h1 = jax.nn.relu(aggr * invd2
                     + jnp.dot(x_ref[...], wr1_ref[...],
                               preferred_element_type=jnp.float32)
                     + b1_ref[...])
    p2_ref[...] = jnp.dot(h1, wl2_ref[...],
                          preferred_element_type=jnp.float32
                          ).astype(jnp.bfloat16)
    r2_ref[...] = (jnp.dot(h1, wr2_ref[...], preferred_element_type=jnp.float32)
                   + b2_ref[...])
    invd_ref[...] = invd2


def _t2_body(a2_ref, r2_ref, invd_ref, g_ref, z_ref, zb_ref):
    a2 = a2_ref[0].astype(jnp.float32) + a2_ref[1].astype(jnp.float32)
    t = a2 * invd_ref[...] + r2_ref[...] + g_ref[...]
    parts = []
    for grp in range(2):
        sl = t[:, grp * 10:(grp + 1) * 10]
        m = jnp.max(sl, axis=1, keepdims=True)
        e = jnp.exp(sl - m)
        parts.append(e / jnp.sum(e, axis=1, keepdims=True))
    parts.append(jnp.zeros((N_PAD, CODE_PAD - 20), jnp.float32))
    z = jnp.concatenate(parts, axis=1)
    z_ref[...] = z
    zb_ref[...] = z.astype(jnp.bfloat16)


def _t3_body(a3_ref, z_ref, invd_ref, wl3_ref, wr3_ref, b3_ref,
             h3f_ref, h3b_ref):
    a3 = a3_ref[0].astype(jnp.float32) + a3_ref[1].astype(jnp.float32)
    aggr = jnp.dot(a3 * invd_ref[...], wl3_ref[...],
                   preferred_element_type=jnp.float32)
    h3 = jax.nn.relu(aggr
                     + jnp.dot(z_ref[...], wr3_ref[...],
                               preferred_element_type=jnp.float32)
                     + b3_ref[...])
    h3f_ref[...] = h3
    for i in range(2):
        h3b_ref[i] = h3[:, i * HALF:(i + 1) * HALF].astype(jnp.bfloat16)


def _t4_body(a4_ref, h3f_ref, invd_ref, wl4_ref, wr4_ref, b4_ref, out_ref):
    aggr = sum(jnp.dot(a4_ref[i].astype(jnp.float32), wl4_ref[i],
                       preferred_element_type=jnp.float32)
               for i in range(2))
    rec = jnp.dot(h3f_ref[...], wr4_ref[...],
                  preferred_element_type=jnp.float32)
    out_ref[...] = aggr * invd_ref[...] + rec + b4_ref[...]


def _tc_call(body, out_shapes):
    return pl.pallas_call(body, out_shape=out_shapes)


ROWB = 2560


def _full(shape):
    nd = len(shape)
    return pl.BlockSpec(shape, lambda i: (0,) * nd)


def _rows(shape):
    nd = len(shape)
    if nd == 2:
        return pl.BlockSpec((ROWB, shape[1]), lambda i: (i, 0))
    return pl.BlockSpec((shape[0], ROWB, shape[2]), lambda i: (0, i, 0))


def kernel(x, edge_index, W_l1, W_r1, b1, W_l2, W_r2, b2,
           W_l3, W_r3, b3, W_l4, W_r4, b4):
    f32 = jnp.float32
    src = edge_index[0].astype(jnp.int32)
    dst = edge_index[1].astype(jnp.int32)
    src_p = jnp.concatenate(
        [src, jnp.zeros((E_PAD - E_EDGES,), jnp.int32)])
    dst_p = jnp.concatenate(
        [dst, jnp.full((E_PAD - E_EDGES,), DUMP_ROW, jnp.int32)])
    sidx16 = src_p.reshape(16, 80, 128)
    didx16 = dst_p.reshape(16, 80, 128)
    sidx32 = src_p.reshape(32, 40, 128)
    didx32 = dst_p.reshape(32, 40, 128)

    x_p = jnp.pad(x.astype(f32), ((0, N_PAD - N_NODES), (0, 0)))
    x_b = x_p.astype(jnp.bfloat16)
    xh = [x_b[:, :HALF], x_b[:, HALF:]]

    wl1s = W_l1.reshape(2, HALF, HID)
    wl2p = jnp.pad(W_l2, ((0, 0), (0, CODE_PAD - 20)))
    wr2p = jnp.pad(W_r2, ((0, 0), (0, CODE_PAD - 20)))
    b2p = jnp.pad(b2, (0, CODE_PAD - 20))[None, :]
    wl3p = jnp.pad(W_l3, ((0, CODE_PAD - 20), (0, 0)))
    wr3p = jnp.pad(W_r3, ((0, CODE_PAD - 20), (0, 0)))
    wl4s = W_l4.reshape(2, HALF, IN_DIM)

    u = jax.random.uniform(jax.random.key(42), (N_NODES, 2, 10), dtype=f32)
    g = -jnp.log(-jnp.log(u + 1e-20)).reshape(N_NODES, 20)
    g_p = jnp.pad(g, ((0, N_PAD - N_NODES), (0, CODE_PAD - 20)))

    wide_deg = _make_wide_aggr(with_deg=True)
    narrow = _make_narrow_aggr()
    wide = _make_wide_aggr(with_deg=False)

    aggr1, degs = wide_deg(xh[0], xh[1], sidx16, didx16)

    p2, r2, invd = pl.pallas_call(
        _t1_body,
        grid=(N_PAD // ROWB,),
        in_specs=[_rows((N_PAD, HID)), _rows((2, N_PAD, HALF)),
                  pl.BlockSpec((16, ROWB), lambda i: (0, i)),
                  _full((2, HALF, HID)), _full((HID, HID)), _full((1, HID)),
                  _full((HID, CODE_PAD)), _full((HID, CODE_PAD)),
                  _full((1, CODE_PAD))],
        out_specs=[_rows((N_PAD, CODE_PAD)), _rows((N_PAD, CODE_PAD)),
                   _rows((N_PAD, 1))],
        out_shape=[jax.ShapeDtypeStruct((N_PAD, CODE_PAD), jnp.bfloat16),
                   jax.ShapeDtypeStruct((N_PAD, CODE_PAD), f32),
                   jax.ShapeDtypeStruct((N_PAD, 1), f32)],
    )(x_p, aggr1, degs[0], wl1s, W_r1, b1[None, :], wl2p, wr2p, b2p)

    (a2,) = narrow(p2, sidx32, didx32)

    z, z_b = _tc_call(
        _t2_body, [jax.ShapeDtypeStruct((N_PAD, CODE_PAD), f32),
                   jax.ShapeDtypeStruct((N_PAD, CODE_PAD), jnp.bfloat16)]
    )(a2, r2, invd, g_p)

    (a3,) = narrow(z_b, sidx32, didx32)

    h3f, h3b = _tc_call(
        _t3_body, [jax.ShapeDtypeStruct((N_PAD, HID), f32),
                   jax.ShapeDtypeStruct((2, N_PAD, HALF), jnp.bfloat16)]
    )(a3, z, invd, wl3p, wr3p, b3[None, :])

    (aggr4,) = wide(h3b[0], h3b[1], sidx16, didx16)

    (out,) = pl.pallas_call(
        _t4_body,
        grid=(N_PAD // ROWB,),
        in_specs=[_rows((2, N_PAD, HALF)), _rows((N_PAD, HID)),
                  _rows((N_PAD, 1)), _full((2, HALF, IN_DIM)),
                  _full((HID, IN_DIM)), _full((1, IN_DIM))],
        out_specs=[_rows((N_PAD, IN_DIM))],
        out_shape=[jax.ShapeDtypeStruct((N_PAD, IN_DIM), f32)],
    )(aggr4, h3f, invd, wl4s, W_r4, b4[None, :])

    return out[:N_NODES]

# --- scband reference (transcript-rebuilt; emitter-appended) ---
"""Pipeline reference for scband-ssl-13589276524807 (READ-ONLY COPY).

The authoritative reference and input builder live on the scoring server;
editing this copy changes nothing except your own understanding.
"""

import jax, jax.numpy as jnp
import numpy as np

N_NODES = 10000
IN_DIM = 256
HID = 256
KK = 10
NN = 2
TEMP = 1.0


def sage_conv(x, src, dst, W_l, W_r, b, n):
    # PyG SAGEConv with mean aggregation:
    # out_i = lin_l(mean_{j in N(i)} x_j) + lin_r(x_i)
    deg = jax.ops.segment_sum(jnp.ones(src.shape[0], dtype=x.dtype), dst, num_segments=n)
    aggr = jax.ops.segment_sum(x[src], dst, num_segments=n)
    aggr = aggr / jnp.clip(deg, 1.0, None)[:, None]
    return aggr @ W_l + x @ W_r + b


def sample_gumbel_softmax(logits, temperature, key):
    eps = 1e-20
    unif = jax.random.uniform(key, logits.shape, dtype=logits.dtype)
    g = -jnp.log(-jnp.log(unif + eps))
    h = (g + logits) / temperature
    h = h - jnp.max(h, axis=-1, keepdims=True)
    cache = jnp.exp(h)
    return cache / jnp.sum(cache, axis=-1, keepdims=True)


def _glorot(key, shape):
    fan_in, fan_out = shape[0], shape[1]
    s = jnp.sqrt(6.0 / (fan_in + fan_out))
    return jax.random.uniform(key, shape, minval=-s, maxval=s, dtype=jnp.float32)


def setup_inputs(seed: int = 0) -> dict:
    key = jax.random.key(seed)
    ks = jax.random.split(key, 20)
    x = jax.random.normal(ks[0], (N_NODES, IN_DIM), dtype=jnp.float32)
    edge_index = jax.random.randint(ks[1], (2, 160000), 0, N_NODES, dtype=jnp.int64)
    code = KK * NN
    params = {
        # encoder: SAGEConv(IN_DIM -> HID), SAGEConv(HID -> K*N)
        'W_l1': _glorot(ks[2], (IN_DIM, HID)), 'W_r1': _glorot(ks[3], (IN_DIM, HID)), 'b1': jnp.zeros((HID,), jnp.float32),
        'W_l2': _glorot(ks[4], (HID, code)), 'W_r2': _glorot(ks[5], (HID, code)), 'b2': jnp.zeros((code,), jnp.float32),
        # decoder: SAGEConv(K*N -> HID), SAGEConv(HID -> IN_DIM)
        'W_l3': _glorot(ks[6], (code, HID)), 'W_r3': _glorot(ks[7], (code, HID)), 'b3': jnp.zeros((HID,), jnp.float32),
        'W_l4': _glorot(ks[8], (HID, IN_DIM)), 'W_r4': _glorot(ks[9], (HID, IN_DIM)), 'b4': jnp.zeros((IN_DIM,), jnp.float32),
    }
    return {'x': x, 'edge_index': edge_index, **params}


def reference(x, edge_index, W_l1, W_r1, b1, W_l2, W_r2, b2, W_l3, W_r3, b3, W_l4, W_r4, b4):
    src = edge_index[0]
    dst = edge_index[1]
    n = x.shape[0]
    # shared_encoder (GraphSAGE, 2 layers, relu between, no act after last)
    h = jax.nn.relu(sage_conv(x, src, dst, W_l1, W_r1, b1, n))
    h = sage_conv(h, src, dst, W_l2, W_r2, b2, n)
    # log_softmax over K groups, gumbel-softmax sample
    h = jax.nn.log_softmax(h.reshape(-1, NN, KK), axis=-1)
    h = sample_gumbel_softmax(h, TEMP, jax.random.key(42)).reshape(-1, NN * KK)
    # attr_decoder (GraphSAGE, 2 layers)
    h = jax.nn.relu(sage_conv(h, src, dst, W_l3, W_r3, b3, n))
    x_ = sage_conv(h, src, dst, W_l4, W_r4, b4, n)
    return x_

if __name__ == "__main__":
    import jax
    _d = setup_inputs()
    print(jax.jit(kernel)(*tuple(_d.values())))

</pallas_src>

<mosaic_0001>
#map = affine_map<(d0, d1) -> (0, 0)>
#map1 = affine_map<(d0, d1) -> (0, 0, 0)>
module attributes {stable_mosaic.version = 14 : i64} {
  func.func @body(%arg0: i32, %arg1: i32, %arg2: memref<10240x32xbf16, #tpu.memory_space<hbm>>, %arg3: memref<32x40x128xi32, #tpu.memory_space<hbm>>, %arg4: memref<32x40x128xi32, #tpu.memory_space<hbm>>, %arg5: memref<2x10240x32xbf16, #tpu.memory_space<hbm>>, %arg6: memref<40x128xi32, #tpu.memory_space<vmem>>, %arg7: memref<40x128xi32, #tpu.memory_space<vmem>>, %arg8: memref<128x32xbf16, #tpu.memory_space<vmem>>, %arg9: memref<128x32xbf16, #tpu.memory_space<vmem>>, %arg10: memref<128x32xbf16, #tpu.memory_space<vmem>>, %arg11: memref<128x32xbf16, #tpu.memory_space<vmem>>, %arg12: memref<320x32xbf16, #tpu.memory_space<vmem>>, %arg13: memref<10240x32xbf16, #tpu.memory_space<vmem_shared>>, %arg14: memref<!tpu.dma_semaphore, #tpu.memory_space<semaphore_mem>>, %arg15: memref<!tpu.dma_semaphore, #tpu.memory_space<semaphore_mem>>) attributes {dimension_semantics = [#tpu.dimension_semantics<core_parallel>, #tpu.dimension_semantics<subcore_parallel>], iteration_bounds = array<i64: 2, 16>, scalar_prefetch = 0 : i64, scratch_operands = 10 : i64, tpu.core_type = #tpu.core_type<sc_vector_subcore>, window_params = [{transform_indices = #map}, {transform_indices = #map1}, {transform_indices = #map1}, {transform_indices = #map1}]} {
    %mul3A = arith.constant 16 : i32
    %mul3A_0 = arith.muli %arg0, %mul3A : i32
    %add3A = arith.addi %mul3A_0, %arg1 : i32
    %broadcast_in_dim3A = arith.constant 0.000000e+00 : bf16
    %broadcast_in_dim3A_1 = vector.broadcast %broadcast_in_dim3A : bf16 to vector<32xbf16>
    %scan3A = arith.constant 0 : i32
    %scan3A_2 = arith.constant 0 : i32
    %scan3A_3 = arith.constant 320 : i32
    %scan3A_4 = arith.addi %scan3A_2, %scan3A_3 : i32
    %scan3A_5 = arith.constant 1 : i32
    %scan3A_6 = scf.for %scan3A_26 = %scan3A_2 to %scan3A_4 step %scan3A_5 iter_args(%scan3A_27 = %scan3A) -> (i32)  : i32 {
      %scan3A_28 = arith.constant 0 : i32
      %scan3A_29 = arith.constant 0 : i32
      %mul3A_30 = arith.constant 32 : i32
      %mul3A_31 = arith.muli %scan3A_29, %mul3A_30 : i32
      %swap3A = arith.index_cast %scan3A_26 : i32 to index
      %swap3A_32 = arith.index_cast %mul3A_31 : i32 to index
      %swap3A_33 = tpu.vector_load %arg12[%swap3A, %swap3A_32] {strides = array<i32>} : memref<320x32xbf16, #tpu.memory_space<vmem>>, vector<32xbf16>,
      tpu.vector_store %arg12[%swap3A, %swap3A_32], %broadcast_in_dim3A_1 {strides = array<i32>} : memref<320x32xbf16, #tpu.memory_space<vmem>>, vector<32xbf16>,
      %scan3A_34 = arith.constant 0 : i32
      %scan3A_35 = arith.constant 1 : i32
      scf.yield %scan3A_34 : i32
    }
    %scan3A_7 = arith.constant 320 : i32
    %mul3A_8 = arith.constant 320 : i32
    %mul3A_9 = arith.muli %arg1, %mul3A_8 : i32
    "tpu.region"() ({
      %run_scoped3A = tpu.sem_alloc : memref<!tpu.dma_semaphore, #tpu.memory_space<semaphore_mem>>
      %dma_start3A = arith.constant 0 : i32
      %dma_start3A_26 = tpu.memref_slice %arg13[%mul3A_9, %dma_start3A] : memref<10240x32xbf16, #tpu.memory_space<vmem_shared>> -> memref<320x32xbf16, #tpu.memory_space<vmem_shared>>
      %dma_start3A_27 = arith.constant 0 : i32
      %dma_start3A_28 = tpu.memref_slice %arg13[%mul3A_9, %dma_start3A_27] : memref<10240x32xbf16, #tpu.memory_space<vmem_shared>> -> memref<320x32xbf16, #tpu.memory_space<vmem_shared>>
      tpu.enqueue_dma source(%arg12 : memref<320x32xbf16, #tpu.memory_space<vmem>>) target(%dma_start3A_28 : memref<320x32xbf16, #tpu.memory_space<vmem_shared>>) target_semaphore(%run_scoped3A : memref<!tpu.dma_semaphore, #tpu.memory_space<semaphore_mem>>)
      %dma_wait3A = arith.constant 0 : i32
      %dma_wait3A_29 = tpu.memref_slice %arg13[%mul3A_9, %dma_wait3A] : memref<10240x32xbf16, #tpu.memory_space<vmem_shared>> -> memref<320x32xbf16, #tpu.memory_space<vmem_shared>>
      %dma_wait3A_30 = arith.constant 0 : i32
      %dma_wait3A_31 = tpu.memref_slice %arg13[%mul3A_9, %dma_wait3A_30] : memref<10240x32xbf16, #tpu.memory_space<vmem_shared>> -> memref<320x32xbf16, #tpu.memory_space<vmem_shared>>
      tpu.wait_dma2 semaphore(%run_scoped3A : memref<!tpu.dma_semaphore, #tpu.memory_space<semaphore_mem>>) src(%arg12 : memref<320x32xbf16, #tpu.memory_space<vmem>>) dst(%dma_wait3A_31 : memref<320x32xbf16, #tpu.memory_space<vmem_shared>>)
      tpu.yield
    }) : () -> ()
    %mul3A_10 = arith.constant 320 : i32
    %mul3A_11 = arith.muli %arg1, %mul3A_10 : i32
    %add3A_12 = arith.constant 5120 : i32
    %add3A_13 = arith.addi %add3A_12, %mul3A_11 : i32
    "tpu.region"() ({
      %run_scoped3A = tpu.sem_alloc : memref<!tpu.dma_semaphore, #tpu.memory_space<semaphore_mem>>
      %dma_start3A = arith.constant 0 : i32
      %dma_start3A_26 = tpu.memref_slice %arg13[%add3A_13, %dma_start3A] : memref<10240x32xbf16, #tpu.memory_space<vmem_shared>> -> memref<320x32xbf16, #tpu.memory_space<vmem_shared>>
      %dma_start3A_27 = arith.constant 0 : i32
      %dma_start3A_28 = tpu.memref_slice %arg13[%add3A_13, %dma_start3A_27] : memref<10240x32xbf16, #tpu.memory_space<vmem_shared>> -> memref<320x32xbf16, #tpu.memory_space<vmem_shared>>
      tpu.enqueue_dma source(%arg12 : memref<320x32xbf16, #tpu.memory_space<vmem>>) target(%dma_start3A_28 : memref<320x32xbf16, #tpu.memory_space<vmem_shared>>) target_semaphore(%run_scoped3A : memref<!tpu.dma_semaphore, #tpu.memory_space<semaphore_mem>>)
      %dma_wait3A = arith.constant 0 : i32
      %dma_wait3A_29 = tpu.memref_slice %arg13[%add3A_13, %dma_wait3A] : memref<10240x32xbf16, #tpu.memory_space<vmem_shared>> -> memref<320x32xbf16, #tpu.memory_space<vmem_shared>>
      %dma_wait3A_30 = arith.constant 0 : i32
      %dma_wait3A_31 = tpu.memref_slice %arg13[%add3A_13, %dma_wait3A_30] : memref<10240x32xbf16, #tpu.memory_space<vmem_shared>> -> memref<320x32xbf16, #tpu.memory_space<vmem_shared>>
      tpu.wait_dma2 semaphore(%run_scoped3A : memref<!tpu.dma_semaphore, #tpu.memory_space<semaphore_mem>>) src(%arg12 : memref<320x32xbf16, #tpu.memory_space<vmem>>) dst(%dma_wait3A_31 : memref<320x32xbf16, #tpu.memory_space<vmem_shared>>)
      tpu.yield
    }) : () -> ()
    "tpu.region"() ({
      %run_scoped3A = tpu.sem_alloc : memref<!tpu.dma_semaphore, #tpu.memory_space<semaphore_mem>>
      %dma_start3A = arith.constant 0 : i32
      %dma_start3A_26 = arith.constant 0 : i32
      %dma_start3A_27 = tpu.memref_slice %arg3[%add3A, %dma_start3A, %dma_start3A_26] : memref<32x40x128xi32, #tpu.memory_space<hbm>> -> memref<1x40x128xi32, #tpu.memory_space<hbm>>
      %dma_start3A_28 = tpu.memref_squeeze %dma_start3A_27 : memref<1x40x128xi32, #tpu.memory_space<hbm>> -> memref<40x128xi32, #tpu.memory_space<hbm>>
      %dma_start3A_29 = arith.constant 0 : i32
      %dma_start3A_30 = arith.constant 0 : i32
      %dma_start3A_31 = tpu.memref_slice %arg3[%add3A, %dma_start3A_29, %dma_start3A_30] : memref<32x40x128xi32, #tpu.memory_space<hbm>> -> memref<1x40x128xi32, #tpu.memory_space<hbm>>
      %dma_start3A_32 = tpu.memref_squeeze %dma_start3A_31 : memref<1x40x128xi32, #tpu.memory_space<hbm>> -> memref<40x128xi32, #tpu.memory_space<hbm>>
      tpu.enqueue_dma source(%dma_start3A_32 : memref<40x128xi32, #tpu.memory_space<hbm>>) target(%arg6 : memref<40x128xi32, #tpu.memory_space<vmem>>) target_semaphore(%run_scoped3A : memref<!tpu.dma_semaphore, #tpu.memory_space<semaphore_mem>>)
      %dma_wait3A = arith.constant 0 : i32
      %dma_wait3A_33 = arith.constant 0 : i32
      %dma_wait3A_34 = tpu.memref_slice %arg3[%add3A, %dma_wait3A, %dma_wait3A_33] : memref<32x40x128xi32, #tpu.memory_space<hbm>> -> memref<1x40x128xi32, #tpu.memory_space<hbm>>
      %dma_wait3A_35 = tpu.memref_squeeze %dma_wait3A_34 : memref<1x40x128xi32, #tpu.memory_space<hbm>> -> memref<40x128xi32, #tpu.memory_space<hbm>>
      %dma_wait3A_36 = arith.constant 0 : i32
      %dma_wait3A_37 = arith.constant 0 : i32
      %dma_wait3A_38 = tpu.memref_slice %arg3[%add3A, %dma_wait3A_36, %dma_wait3A_37] : memref<32x40x128xi32, #tpu.memory_space<hbm>> -> memref<1x40x128xi32, #tpu.memory_space<hbm>>
      %dma_wait3A_39 = tpu.memref_squeeze %dma_wait3A_38 : memref<1x40x128xi32, #tpu.memory_space<hbm>> -> memref<40x128xi32, #tpu.memory_space<hbm>>
      tpu.wait_dma2 semaphore(%run_scoped3A : memref<!tpu.dma_semaphore, #tpu.memory_space<semaphore_mem>>) src(%dma_wait3A_39 : memref<40x128xi32, #tpu.memory_space<hbm>>) dst(%arg6 : memref<40x128xi32, #tpu.memory_space<vmem>>)
      tpu.yield
    }) : () -> ()
    "tpu.region"() ({
      %run_scoped3A = tpu.sem_alloc : memref<!tpu.dma_semaphore, #tpu.memory_space<semaphore_mem>>
      %dma_start3A = arith.constant 0 : i32
      %dma_start3A_26 = arith.constant 0 : i32
      %dma_start3A_27 = tpu.memref_slice %arg4[%add3A, %dma_start3A, %dma_start3A_26] : memref<32x40x128xi32, #tpu.memory_space<hbm>> -> memref<1x40x128xi32, #tpu.memory_space<hbm>>
      %dma_start3A_28 = tpu.memref_squeeze %dma_start3A_27 : memref<1x40x128xi32, #tpu.memory_space<hbm>> -> memref<40x128xi32, #tpu.memory_space<hbm>>
      %dma_start3A_29 = arith.constant 0 : i32
      %dma_start3A_30 = arith.constant 0 : i32
      %dma_start3A_31 = tpu.memref_slice %arg4[%add3A, %dma_start3A_29, %dma_start3A_30] : memref<32x40x128xi32, #tpu.memory_space<hbm>> -> memref<1x40x128xi32, #tpu.memory_space<hbm>>
      %dma_start3A_32 = tpu.memref_squeeze %dma_start3A_31 : memref<1x40x128xi32, #tpu.memory_space<hbm>> -> memref<40x128xi32, #tpu.memory_space<hbm>>
      tpu.enqueue_dma source(%dma_start3A_32 : memref<40x128xi32, #tpu.memory_space<hbm>>) target(%arg7 : memref<40x128xi32, #tpu.memory_space<vmem>>) target_semaphore(%run_scoped3A : memref<!tpu.dma_semaphore, #tpu.memory_space<semaphore_mem>>)
      %dma_wait3A = arith.constant 0 : i32
      %dma_wait3A_33 = arith.constant 0 : i32
      %dma_wait3A_34 = tpu.memref_slice %arg4[%add3A, %dma_wait3A, %dma_wait3A_33] : memref<32x40x128xi32, #tpu.memory_space<hbm>> -> memref<1x40x128xi32, #tpu.memory_space<hbm>>
      %dma_wait3A_35 = tpu.memref_squeeze %dma_wait3A_34 : memref<1x40x128xi32, #tpu.memory_space<hbm>> -> memref<40x128xi32, #tpu.memory_space<hbm>>
      %dma_wait3A_36 = arith.constant 0 : i32
      %dma_wait3A_37 = arith.constant 0 : i32
      %dma_wait3A_38 = tpu.memref_slice %arg4[%add3A, %dma_wait3A_36, %dma_wait3A_37] : memref<32x40x128xi32, #tpu.memory_space<hbm>> -> memref<1x40x128xi32, #tpu.memory_space<hbm>>
      %dma_wait3A_39 = tpu.memref_squeeze %dma_wait3A_38 : memref<1x40x128xi32, #tpu.memory_space<hbm>> -> memref<40x128xi32, #tpu.memory_space<hbm>>
      tpu.wait_dma2 semaphore(%run_scoped3A : memref<!tpu.dma_semaphore, #tpu.memory_space<semaphore_mem>>) src(%dma_wait3A_39 : memref<40x128xi32, #tpu.memory_space<hbm>>) dst(%arg7 : memref<40x128xi32, #tpu.memory_space<vmem>>)
      tpu.yield
    }) : () -> ()
    %barrier3A = arith.constant 0 : index
    tpu.barrier barrier_id(%barrier3A)
    %scan3A_14 = arith.constant 0 : i32
    %scan3A_15 = arith.constant 0 : i32
    %scan3A_16 = arith.constant 10 : i32
    %scan3A_17 = arith.addi %scan3A_15, %scan3A_16 : i32
    %scan3A_18 = arith.constant 1 : i32
    %scan3A_19 = scf.for %scan3A_26 = %scan3A_15 to %scan3A_17 step %scan3A_18 iter_args(%scan3A_27 = %scan3A_14) -> (i32)  : i32 {
      %mul3A_28 = arith.constant 4 : i32
      %mul3A_29 = arith.muli %scan3A_26, %mul3A_28 : i32
      %add3A_30 = arith.constant 0 : i32
      %add3A_31 = arith.addi %mul3A_29, %add3A_30 : i32
      %dma_start3A = arith.constant 0 : i32
      %dma_start3A_32 = tpu.memref_slice %arg6[%add3A_31, %dma_start3A] : memref<40x128xi32, #tpu.memory_space<vmem>> -> memref<1x128xi32, #tpu.memory_space<vmem>>
      %dma_start3A_33 = tpu.memref_squeeze %dma_start3A_32 : memref<1x128xi32, #tpu.memory_space<vmem>> -> memref<128xi32, #tpu.memory_space<vmem>>
      %dma_start3A_34 = arith.constant 0 : i32
      %dma_start3A_35 = arith.constant 0 : i32
      %dma_start3A_36 = tpu.memref_slice %arg2[%dma_start3A_34, %dma_start3A_35] : memref<10240x32xbf16, #tpu.memory_space<hbm>> -> memref<10240x32xbf16, #tpu.memory_space<hbm>>
      tpu.enqueue_indirect_dma source(%dma_start3A_36 : memref<10240x32xbf16, #tpu.memory_space<hbm>>) target(%arg8 : memref<128x32xbf16, #tpu.memory_space<vmem>>) offsets(%dma_start3A_33 : memref<128xi32, #tpu.memory_space<vmem>>) semaphore(%arg14 : memref<!tpu.dma_semaphore, #tpu.memory_space<semaphore_mem>>)
      %mul3A_37 = arith.constant 4 : i32
      %mul3A_38 = arith.muli %scan3A_26, %mul3A_37 : i32
      %add3A_39 = arith.constant 1 : i32
      %add3A_40 = arith.addi %mul3A_38, %add3A_39 : i32
      %dma_start3A_41 = arith.constant 0 : i32
      %dma_start3A_42 = tpu.memref_slice %arg6[%add3A_40, %dma_start3A_41] : memref<40x128xi32, #tpu.memory_space<vmem>> -> memref<1x128xi32, #tpu.memory_space<vmem>>
      %dma_start3A_43 = tpu.memref_squeeze %dma_start3A_42 : memref<1x128xi32, #tpu.memory_space<vmem>> -> memref<128xi32, #tpu.memory_space<vmem>>
      %dma_start3A_44 = arith.constant 0 : i32
      %dma_start3A_45 = arith.constant 0 : i32
      %dma_start3A_46 = tpu.memref_slice %arg2[%dma_start3A_44, %dma_start3A_45] : memref<10240x32xbf16, #tpu.memory_space<hbm>> -> memref<10240x32xbf16, #tpu.memory_space<hbm>>
      tpu.enqueue_indirect_dma source(%dma_start3A_46 : memref<10240x32xbf16, #tpu.memory_space<hbm>>) target(%arg9 : memref<128x32xbf16, #tpu.memory_space<vmem>>) offsets(%dma_start3A_43 : memref<128xi32, #tpu.memory_space<vmem>>) semaphore(%arg14 : memref<!tpu.dma_semaphore, #tpu.memory_space<semaphore_mem>>)
      %mul3A_47 = arith.constant 4 : i32
      %mul3A_48 = arith.muli %scan3A_26, %mul3A_47 : i32
      %add3A_49 = arith.constant 2 : i32
      %add3A_50 = arith.addi %mul3A_48, %add3A_49 : i32
      %dma_start3A_51 = arith.constant 0 : i32
      %dma_start3A_52 = tpu.memref_slice %arg6[%add3A_50, %dma_start3A_51] : memref<40x128xi32, #tpu.memory_space<vmem>> -> memref<1x128xi32, #tpu.memory_space<vmem>>
      %dma_start3A_53 = tpu.memref_squeeze %dma_start3A_52 : memref<1x128xi32, #tpu.memory_space<vmem>> -> memref<128xi32, #tpu.memory_space<vmem>>
      %dma_start3A_54 = arith.constant 0 : i32
      %dma_start3A_55 = arith.constant 0 : i32
      %dma_start3A_56 = tpu.memref_slice %arg2[%dma_start3A_54, %dma_start3A_55] : memref<10240x32xbf16, #tpu.memory_space<hbm>> -> memref<10240x32xbf16, #tpu.memory_space<hbm>>
      tpu.enqueue_indirect_dma source(%dma_start3A_56 : memref<10240x32xbf16, #tpu.memory_space<hbm>>) target(%arg10 : memref<128x32xbf16, #tpu.memory_space<vmem>>) offsets(%dma_start3A_53 : memref<128xi32, #tpu.memory_space<vmem>>) semaphore(%arg14 : memref<!tpu.dma_semaphore, #tpu.memory_space<semaphore_mem>>)
      %mul3A_57 = arith.constant 4 : i32
      %mul3A_58 = arith.muli %scan3A_26, %mul3A_57 : i32
      %add3A_59 = arith.constant 3 : i32
      %add3A_60 = arith.addi %mul3A_58, %add3A_59 : i32
      %dma_start3A_61 = arith.constant 0 : i32
      %dma_start3A_62 = tpu.memref_slice %arg6[%add3A_60, %dma_start3A_61] : memref<40x128xi32, #tpu.memory_space<vmem>> -> memref<1x128xi32, #tpu.memory_space<vmem>>
      %dma_start3A_63 = tpu.memref_squeeze %dma_start3A_62 : memref<1x128xi32, #tpu.memory_space<vmem>> -> memref<128xi32, #tpu.memory_space<vmem>>
      %dma_start3A_64 = arith.constant 0 : i32
      %dma_start3A_65 = arith.constant 0 : i32
      %dma_start3A_66 = tpu.memref_slice %arg2[%dma_start3A_64, %dma_start3A_65] : memref<10240x32xbf16, #tpu.memory_space<hbm>> -> memref<10240x32xbf16, #tpu.memory_space<hbm>>
      tpu.enqueue_indirect_dma source(%dma_start3A_66 : memref<10240x32xbf16, #tpu.memory_space<hbm>>) target(%arg11 : memref<128x32xbf16, #tpu.memory_space<vmem>>) offsets(%dma_start3A_63 : memref<128xi32, #tpu.memory_space<vmem>>) semaphore(%arg14 : memref<!tpu.dma_semaphore, #tpu.memory_space<semaphore_mem>>)
      %dma_wait3A = arith.constant 0 : i32
      %dma_wait3A_67 = tpu.memref_slice %arg6[%add3A_31, %dma_wait3A] : memref<40x128xi32, #tpu.memory_space<vmem>> -> memref<1x128xi32, #tpu.memory_space<vmem>>
      %dma_wait3A_68 = tpu.memref_squeeze %dma_wait3A_67 : memref<1x128xi32, #tpu.memory_space<vmem>> -> memref<128xi32, #tpu.memory_space<vmem>>
      %dma_wait3A_69 = arith.constant 0 : i32
      %dma_wait3A_70 = arith.constant 0 : i32
      %dma_wait3A_71 = tpu.memref_slice %arg2[%dma_wait3A_69, %dma_wait3A_70] : memref<10240x32xbf16, #tpu.memory_space<hbm>> -> memref<10240x32xbf16, #tpu.memory_space<hbm>>
      tpu.wait_indirect_dma semaphore(%arg14 : memref<!tpu.dma_semaphore, #tpu.memory_space<semaphore_mem>>) src(%dma_wait3A_71 : memref<10240x32xbf16, #tpu.memory_space<hbm>>) dst(%arg8 : memref<128x32xbf16, #tpu.memory_space<vmem>>)
      %dma_wait3A_72 = arith.constant 0 : i32
      %dma_wait3A_73 = tpu.memref_slice %arg6[%add3A_40, %dma_wait3A_72] : memref<40x128xi32, #tpu.memory_space<vmem>> -> memref<1x128xi32, #tpu.memory_space<vmem>>
      %dma_wait3A_74 = tpu.memref_squeeze %dma_wait3A_73 : memref<1x128xi32, #tpu.memory_space<vmem>> -> memref<128xi32, #tpu.memory_space<vmem>>
      %dma_wait3A_75 = arith.constant 0 : i32
      %dma_wait3A_76 = arith.constant 0 : i32
      %dma_wait3A_77 = tpu.memref_slice %arg2[%dma_wait3A_75, %dma_wait3A_76] : memref<10240x32xbf16, #tpu.memory_space<hbm>> -> memref<10240x32xbf16, #tpu.memory_space<hbm>>
      tpu.wait_indirect_dma semaphore(%arg14 : memref<!tpu.dma_semaphore, #tpu.memory_space<semaphore_mem>>) src(%dma_wait3A_77 : memref<10240x32xbf16, #tpu.memory_space<hbm>>) dst(%arg9 : memref<128x32xbf16, #tpu.memory_space<vmem>>)
      %dma_wait3A_78 = arith.constant 0 : i32
      %dma_wait3A_79 = tpu.memref_slice %arg6[%add3A_50, %dma_wait3A_78] : memref<40x128xi32, #tpu.memory_space<vmem>> -> memref<1x128xi32, #tpu.memory_space<vmem>>
      %dma_wait3A_80 = tpu.memref_squeeze %dma_wait3A_79 : memref<1x128xi32, #tpu.memory_space<vmem>> -> memref<128xi32, #tpu.memory_space<vmem>>
      %dma_wait3A_81 = arith.constant 0 : i32
      %dma_wait3A_82 = arith.constant 0 : i32
      %dma_wait3A_83 = tpu.memref_slice %arg2[%dma_wait3A_81, %dma_wait3A_82] : memref<10240x32xbf16, #tpu.memory_space<hbm>> -> memref<10240x32xbf16, #tpu.memory_space<hbm>>
      tpu.wait_indirect_dma semaphore(%arg14 : memref<!tpu.dma_semaphore, #tpu.memory_space<semaphore_mem>>) src(%dma_wait3A_83 : memref<10240x32xbf16, #tpu.memory_space<hbm>>) dst(%arg10 : memref<128x32xbf16, #tpu.memory_space<vmem>>)
      %dma_wait3A_84 = arith.constant 0 : i32
      %dma_wait3A_85 = tpu.memref_slice %arg6[%add3A_60, %dma_wait3A_84] : memref<40x128xi32, #tpu.memory_space<vmem>> -> memref<1x128xi32, #tpu.memory_space<vmem>>
      %dma_wait3A_86 = tpu.memref_squeeze %dma_wait3A_85 : memref<1x128xi32, #tpu.memory_space<vmem>> -> memref<128xi32, #tpu.memory_space<vmem>>
      %dma_wait3A_87 = arith.constant 0 : i32
      %dma_wait3A_88 = arith.constant 0 : i32
      %dma_wait3A_89 = tpu.memref_slice %arg2[%dma_wait3A_87, %dma_wait3A_88] : memref<10240x32xbf16, #tpu.memory_space<hbm>> -> memref<10240x32xbf16, #tpu.memory_space<hbm>>
      tpu.wait_indirect_dma semaphore(%arg14 : memref<!tpu.dma_semaphore, #tpu.memory_space<semaphore_mem>>) src(%dma_wait3A_89 : memref<10240x32xbf16, #tpu.memory_space<hbm>>) dst(%arg11 : memref<128x32xbf16, #tpu.memory_space<vmem>>)
      %mul3A_90 = arith.constant 4 : i32
      %mul3A_91 = arith.muli %scan3A_26, %mul3A_90 : i32
      %add3A_92 = arith.constant 0 : i32
      %add3A_93 = arith.addi %mul3A_91, %add3A_92 : i32
      %dma_start3A_94 = arith.constant 0 : i32
      %dma_start3A_95 = tpu.memref_slice %arg7[%add3A_93, %dma_start3A_94] : memref<40x128xi32, #tpu.memory_space<vmem>> -> memref<1x128xi32, #tpu.memory_space<vmem>>
      %dma_start3A_96 = tpu.memref_squeeze %dma_start3A_95 : memref<1x128xi32, #tpu.memory_space<vmem>> -> memref<128xi32, #tpu.memory_space<vmem>>
      %dma_start3A_97 = arith.constant 0 : i32
      %dma_start3A_98 = arith.constant 0 : i32
      %dma_start3A_99 = tpu.memref_slice %arg13[%dma_start3A_97, %dma_start3A_98] : memref<10240x32xbf16, #tpu.memory_space<vmem_shared>> -> memref<10240x32xbf16, #tpu.memory_space<vmem_shared>>
      tpu.enqueue_indirect_dma source(%arg8 : memref<128x32xbf16, #tpu.memory_space<vmem>>) target(%dma_start3A_99 : memref<10240x32xbf16, #tpu.memory_space<vmem_shared>>) offsets(%dma_start3A_96 : memref<128xi32, #tpu.memory_space<vmem>>) semaphore(%arg15 : memref<!tpu.dma_semaphore, #tpu.memory_space<semaphore_mem>>) {add = true}
      %mul3A_100 = arith.constant 4 : i32
      %mul3A_101 = arith.muli %scan3A_26, %mul3A_100 : i32
      %add3A_102 = arith.constant 1 : i32
      %add3A_103 = arith.addi %mul3A_101, %add3A_102 : i32
      %dma_start3A_104 = arith.constant 0 : i32
      %dma_start3A_105 = tpu.memref_slice %arg7[%add3A_103, %dma_start3A_104] : memref<40x128xi32, #tpu.memory_space<vmem>> -> memref<1x128xi32, #tpu.memory_space<vmem>>
      %dma_start3A_106 = tpu.memref_squeeze %dma_start3A_105 : memref<1x128xi32, #tpu.memory_space<vmem>> -> memref<128xi32, #tpu.memory_space<vmem>>
      %dma_start3A_107 = arith.constant 0 : i32
      %dma_start3A_108 = arith.constant 0 : i32
      %dma_start3A_109 = tpu.memref_slice %arg13[%dma_start3A_107, %dma_start3A_108] : memref<10240x32xbf16, #tpu.memory_space<vmem_shared>> -> memref<10240x32xbf16, #tpu.memory_space<vmem_shared>>
      tpu.enqueue_indirect_dma source(%arg9 : memref<128x32xbf16, #tpu.memory_space<vmem>>) target(%dma_start3A_109 : memref<10240x32xbf16, #tpu.memory_space<vmem_shared>>) offsets(%dma_start3A_106 : memref<128xi32, #tpu.memory_space<vmem>>) semaphore(%arg15 : memref<!tpu.dma_semaphore, #tpu.memory_space<semaphore_mem>>) {add = true}
      %mul3A_110 = arith.constant 4 : i32
      %mul3A_111 = arith.muli %scan3A_26, %mul3A_110 : i32
      %add3A_112 = arith.constant 2 : i32
      %add3A_113 = arith.addi %mul3A_111, %add3A_112 : i32
      %dma_start3A_114 = arith.constant 0 : i32
      %dma_start3A_115 = tpu.memref_slice %arg7[%add3A_113, %dma_start3A_114] : memref<40x128xi32, #tpu.memory_space<vmem>> -> memref<1x128xi32, #tpu.memory_space<vmem>>
      %dma_start3A_116 = tpu.memref_squeeze %dma_start3A_115 : memref<1x128xi32, #tpu.memory_space<vmem>> -> memref<128xi32, #tpu.memory_space<vmem>>
      %dma_start3A_117 = arith.constant 0 : i32
      %dma_start3A_118 = arith.constant 0 : i32
      %dma_start3A_119 = tpu.memref_slice %arg13[%dma_start3A_117, %dma_start3A_118] : memref<10240x32xbf16, #tpu.memory_space<vmem_shared>> -> memref<10240x32xbf16, #tpu.memory_space<vmem_shared>>
      tpu.enqueue_indirect_dma source(%arg10 : memref<128x32xbf16, #tpu.memory_space<vmem>>) target(%dma_start3A_119 : memref<10240x32xbf16, #tpu.memory_space<vmem_shared>>) offsets(%dma_start3A_116 : memref<128xi32, #tpu.memory_space<vmem>>) semaphore(%arg15 : memref<!tpu.dma_semaphore, #tpu.memory_space<semaphore_mem>>) {add = true}
      %mul3A_120 = arith.constant 4 : i32
      %mul3A_121 = arith.muli %scan3A_26, %mul3A_120 : i32
      %add3A_122 = arith.constant 3 : i32
      %add3A_123 = arith.addi %mul3A_121, %add3A_122 : i32
      %dma_start3A_124 = arith.constant 0 : i32
      %dma_start3A_125 = tpu.memref_slice %arg7[%add3A_123, %dma_start3A_124] : memref<40x128xi32, #tpu.memory_space<vmem>> -> memref<1x128xi32, #tpu.memory_space<vmem>>
      %dma_start3A_126 = tpu.memref_squeeze %dma_start3A_125 : memref<1x128xi32, #tpu.memory_space<vmem>> -> memref<128xi32, #tpu.memory_space<vmem>>
      %dma_start3A_127 = arith.constant 0 : i32
      %dma_start3A_128 = arith.constant 0 : i32
      %dma_start3A_129 = tpu.memref_slice %arg13[%dma_start3A_127, %dma_start3A_128] : memref<10240x32xbf16, #tpu.memory_space<vmem_shared>> -> memref<10240x32xbf16, #tpu.memory_space<vmem_shared>>
      tpu.enqueue_indirect_dma source(%arg11 : memref<128x32xbf16, #tpu.memory_space<vmem>>) target(%dma_start3A_129 : memref<10240x32xbf16, #tpu.memory_space<vmem_shared>>) offsets(%dma_start3A_126 : memref<128xi32, #tpu.memory_space<vmem>>) semaphore(%arg15 : memref<!tpu.dma_semaphore, #tpu.memory_space<semaphore_mem>>) {add = true}
      %dma_wait3A_130 = arith.constant 0 : i32
      %dma_wait3A_131 = tpu.memref_slice %arg7[%add3A_93, %dma_wait3A_130] : memref<40x128xi32, #tpu.memory_space<vmem>> -> memref<1x128xi32, #tpu.memory_space<vmem>>
      %dma_wait3A_132 = tpu.memref_squeeze %dma_wait3A_131 : memref<1x128xi32, #tpu.memory_space<vmem>> -> memref<128xi32, #tpu.memory_space<vmem>>
      %dma_wait3A_133 = arith.constant 0 : i32
      %dma_wait3A_134 = arith.constant 0 : i32
      %dma_wait3A_135 = tpu.memref_slice %arg13[%dma_wait3A_133, %dma_wait3A_134] : memref<10240x32xbf16, #tpu.memory_space<vmem_shared>> -> memref<10240x32xbf16, #tpu.memory_space<vmem_shared>>
      tpu.wait_indirect_dma semaphore(%arg15 : memref<!tpu.dma_semaphore, #tpu.memory_space<semaphore_mem>>) src(%arg8 : memref<128x32xbf16, #tpu.memory_space<vmem>>) dst(%dma_wait3A_135 : memref<10240x32xbf16, #tpu.memory_space<vmem_shared>>)
      %dma_wait3A_136 = arith.constant 0 : i32
      %dma_wait3A_137 = tpu.memref_slice %arg7[%add3A_103, %dma_wait3A_136] : memref<40x128xi32, #tpu.memory_space<vmem>> -> memref<1x128xi32, #tpu.memory_space<vmem>>
      %dma_wait3A_138 = tpu.memref_squeeze %dma_wait3A_137 : memref<1x128xi32, #tpu.memory_space<vmem>> -> memref<128xi32, #tpu.memory_space<vmem>>
      %dma_wait3A_139 = arith.constant 0 : i32
      %dma_wait3A_140 = arith.constant 0 : i32
      %dma_wait3A_141 = tpu.memref_slice %arg13[%dma_wait3A_139, %dma_wait3A_140] : memref<10240x32xbf16, #tpu.memory_space<vmem_shared>> -> memref<10240x32xbf16, #tpu.memory_space<vmem_shared>>
      tpu.wait_indirect_dma semaphore(%arg15 : memref<!tpu.dma_semaphore, #tpu.memory_space<semaphore_mem>>) src(%arg9 : memref<128x32xbf16, #tpu.memory_space<vmem>>) dst(%dma_wait3A_141 : memref<10240x32xbf16, #tpu.memory_space<vmem_shared>>)
      %dma_wait3A_142 = arith.constant 0 : i32
      %dma_wait3A_143 = tpu.memref_slice %arg7[%add3A_113, %dma_wait3A_142] : memref<40x128xi32, #tpu.memory_space<vmem>> -> memref<1x128xi32, #tpu.memory_space<vmem>>
      %dma_wait3A_144 = tpu.memref_squeeze %dma_wait3A_143 : memref<1x128xi32, #tpu.memory_space<vmem>> -> memref<128xi32, #tpu.memory_space<vmem>>
      %dma_wait3A_145 = arith.constant 0 : i32
      %dma_wait3A_146 = arith.constant 0 : i32
      %dma_wait3A_147 = tpu.memref_slice %arg13[%dma_wait3A_145, %dma_wait3A_146] : memref<10240x32xbf16, #tpu.memory_space<vmem_shared>> -> memref<10240x32xbf16, #tpu.memory_space<vmem_shared>>
      tpu.wait_indirect_dma semaphore(%arg15 : memref<!tpu.dma_semaphore, #tpu.memory_space<semaphore_mem>>) src(%arg10 : memref<128x32xbf16, #tpu.memory_space<vmem>>) dst(%dma_wait3A_147 : memref<10240x32xbf16, #tpu.memory_space<vmem_shared>>)
      %dma_wait3A_148 = arith.constant 0 : i32
      %dma_wait3A_149 = tpu.memref_slice %arg7[%add3A_123, %dma_wait3A_148] : memref<40x128xi32, #tpu.memory_space<vmem>> -> memref<1x128xi32, #tpu.memory_space<vmem>>
      %dma_wait3A_150 = tpu.memref_squeeze %dma_wait3A_149 : memref<1x128xi32, #tpu.memory_space<vmem>> -> memref<128xi32, #tpu.memory_space<vmem>>
      %dma_wait3A_151 = arith.constant 0 : i32
      %dma_wait3A_152 = arith.constant 0 : i32
      %dma_wait3A_153 = tpu.memref_slice %arg13[%dma_wait3A_151, %dma_wait3A_152] : memref<10240x32xbf16, #tpu.memory_space<vmem_shared>> -> memref<10240x32xbf16, #tpu.memory_space<vmem_shared>>
      tpu.wait_indirect_dma semaphore(%arg15 : memref<!tpu.dma_semaphore, #tpu.memory_space<semaphore_mem>>) src(%arg11 : memref<128x32xbf16, #tpu.memory_space<vmem>>) dst(%dma_wait3A_153 : memref<10240x32xbf16, #tpu.memory_space<vmem_shared>>)
      %scan3A_154 = arith.constant 0 : i32
      scf.yield %scan3A_154 : i32
    }
    %scan3A_20 = arith.constant 10 : i32
    %barrier3A_21 = arith.constant 0 : index
    tpu.barrier barrier_id(%barrier3A_21)
    %mul3A_22 = arith.constant 640 : i32
    %mul3A_23 = arith.muli %arg1, %mul3A_22 : i32
    %mul3A_24 = arith.constant 640 : i32
    %mul3A_25 = arith.muli %arg1, %mul3A_24 : i32
    "tpu.region"() ({
      %run_scoped3A = tpu.sem_alloc : memref<!tpu.dma_semaphore, #tpu.memory_space<semaphore_mem>>
      %dma_start3A = arith.constant 0 : i32
      %dma_start3A_26 = arith.constant 0 : i32
      %dma_start3A_27 = tpu.memref_slice %arg5[%arg0, %dma_start3A, %dma_start3A_26] : memref<2x10240x32xbf16, #tpu.memory_space<hbm>> -> memref<1x10240x32xbf16, #tpu.memory_space<hbm>>
      %dma_start3A_28 = tpu.memref_squeeze %dma_start3A_27 : memref<1x10240x32xbf16, #tpu.memory_space<hbm>> -> memref<10240x32xbf16, #tpu.memory_space<hbm>>
      %dma_start3A_29 = arith.constant 0 : i32
      %dma_start3A_30 = tpu.memref_slice %dma_start3A_28[%mul3A_25, %dma_start3A_29] : memref<10240x32xbf16, #tpu.memory_space<hbm>> -> memref<640x32xbf16, #tpu.memory_space<hbm>>
      %dma_start3A_31 = arith.constant 0 : i32
      %dma_start3A_32 = tpu.memref_slice %arg13[%mul3A_23, %dma_start3A_31] : memref<10240x32xbf16, #tpu.memory_space<vmem_shared>> -> memref<640x32xbf16, #tpu.memory_space<vmem_shared>>
      tpu.enqueue_dma source(%dma_start3A_32 : memref<640x32xbf16, #tpu.memory_space<vmem_shared>>) target(%dma_start3A_30 : memref<640x32xbf16, #tpu.memory_space<hbm>>) target_semaphore(%run_scoped3A : memref<!tpu.dma_semaphore, #tpu.memory_space<semaphore_mem>>)
      %dma_wait3A = arith.constant 0 : i32
      %dma_wait3A_33 = arith.constant 0 : i32
      %dma_wait3A_34 = tpu.memref_slice %arg5[%arg0, %dma_wait3A, %dma_wait3A_33] : memref<2x10240x32xbf16, #tpu.memory_space<hbm>> -> memref<1x10240x32xbf16, #tpu.memory_space<hbm>>
      %dma_wait3A_35 = tpu.memref_squeeze %dma_wait3A_34 : memref<1x10240x32xbf16, #tpu.memory_space<hbm>> -> memref<10240x32xbf16, #tpu.memory_space<hbm>>
      %dma_wait3A_36 = arith.constant 0 : i32
      %dma_wait3A_37 = tpu.memref_slice %dma_wait3A_35[%mul3A_25, %dma_wait3A_36] : memref<10240x32xbf16, #tpu.memory_space<hbm>> -> memref<640x32xbf16, #tpu.memory_space<hbm>>
      %dma_wait3A_38 = arith.constant 0 : i32
      %dma_wait3A_39 = tpu.memref_slice %arg13[%mul3A_23, %dma_wait3A_38] : memref<10240x32xbf16, #tpu.memory_space<vmem_shared>> -> memref<640x32xbf16, #tpu.memory_space<vmem_shared>>
      tpu.wait_dma2 semaphore(%run_scoped3A : memref<!tpu.dma_semaphore, #tpu.memory_space<semaphore_mem>>) src(%dma_wait3A_39 : memref<640x32xbf16, #tpu.memory_space<vmem_shared>>) dst(%dma_wait3A_37 : memref<640x32xbf16, #tpu.memory_space<hbm>>)
      tpu.yield
    }) : () -> ()
    return
  }
}

#map = affine_map<(d0, d1) -> (0, 0)>
#map1 = affine_map<(d0, d1) -> (0, 0, 0)>
module attributes {stable_mosaic.version = 14 : i64} {
  func.func @body(%arg0: i32, %arg1: i32, %arg2: memref<10240x128xbf16, #tpu.memory_space<hbm>>, %arg3: memref<10240x128xbf16, #tpu.memory_space<hbm>>, %arg4: memref<16x80x128xi32, #tpu.memory_space<hbm>>, %arg5: memref<16x80x128xi32, #tpu.memory_space<hbm>>, %arg6: memref<2x10240x128xbf16, #tpu.memory_space<hbm>>, %arg7: memref<2x16x10240xf32, #tpu.memory_space<hbm>>, %arg8: memref<80x128xi32, #tpu.memory_space<vmem>>, %arg9: memref<80x128xi32, #tpu.memory_space<vmem>>, %arg10: memref<128x128xbf16, #tpu.memory_space<vmem>>, %arg11: memref<128x128xbf16, #tpu.memory_space<vmem>>, %arg12: memref<128x128xbf16, #tpu.memory_space<vmem>>, %arg13: memref<128x128xbf16, #tpu.memory_space<vmem>>, %arg14: memref<128x128xbf16, #tpu.memory_space<vmem>>, %arg15: memref<10240x128xbf16, #tpu.memory_space<vmem_shared>>, %arg16: memref<!tpu.dma_semaphore, #tpu.memory_space<semaphore_mem>>, %arg17: memref<!tpu.dma_semaphore, #tpu.memory_space<semaphore_mem>>, %arg18: memref<10240xf32, #tpu.memory_space<vmem>>) attributes {dimension_semantics = [#tpu.dimension_semantics<core_parallel>, #tpu.dimension_semantics<subcore_parallel>], iteration_bounds = array<i64: 2, 16>, scalar_prefetch = 0 : i64, scratch_operands = 11 : i64, tpu.core_type = #tpu.core_type<sc_vector_subcore>, window_params = [{transform_indices = #map}, {transform_indices = #map}, {transform_indices = #map1}, {transform_indices = #map1}, {transform_indices = #map1}, {transform_indices = #map1}]} {
    %broadcast_in_dim3A = arith.constant 0.000000e+00 : bf16
    %broadcast_in_dim3A_0 = vector.broadcast %broadcast_in_dim3A : bf16 to vector<32xbf16>
    %scan3A = arith.constant 0 : i32
    %scan3A_1 = arith.constant 0 : i32
    %scan3A_2 = arith.constant 128 : i32
    %scan3A_3 = arith.addi %scan3A_1, %scan3A_2 : i32
    %scan3A_4 = arith.constant 1 : i32
    %scan3A_5 = scf.for %scan3A_58 = %scan3A_1 to %scan3A_3 step %scan3A_4 iter_args(%scan3A_59 = %scan3A) -> (i32)  : i32 {
      %scan3A_60 = arith.constant 0 : i32
      %scan3A_61 = arith.constant 0 : i32
      %scan3A_62 = arith.constant 4 : i32
      %scan3A_63 = arith.addi %scan3A_61, %scan3A_62 : i32
      %scan3A_64 = arith.constant 1 : i32
      %scan3A_65 = scf.for %scan3A_67 = %scan3A_61 to %scan3A_63 step %scan3A_64 iter_args(%scan3A_68 = %scan3A_60) -> (i32)  : i32 {
        %mul3A_69 = arith.constant 32 : i32
        %mul3A_70 = arith.muli %scan3A_67, %mul3A_69 : i32
        %swap3A = arith.index_cast %scan3A_58 : i32 to index
        %swap3A_71 = arith.index_cast %mul3A_70 : i32 to index
        %swap3A_72 = tpu.vector_load %arg14[%swap3A, %swap3A_71] {strides = array<i32>} : memref<128x128xbf16, #tpu.memory_space<vmem>>, vector<32xbf16>,
        tpu.vector_store %arg14[%swap3A, %swap3A_71], %broadcast_in_dim3A_0 {strides = array<i32>} : memref<128x128xbf16, #tpu.memory_space<vmem>>, vector<32xbf16>,
        %scan3A_73 = arith.constant 0 : i32
        scf.yield %scan3A_73 : i32
      }
      %scan3A_66 = arith.constant 4 : i32
      scf.yield %scan3A_65 : i32
    }
    %scan3A_6 = arith.constant 128 : i32
    %broadcast_in_dim3A_7 = arith.constant 0.000000e+00 : f32
    %broadcast_in_dim3A_8 = vector.broadcast %broadcast_in_dim3A_7 : f32 to vector<16xf32>
    %scan3A_9 = arith.constant 0 : i32
    %scan3A_10 = arith.constant 0 : i32
    %scan3A_11 = arith.constant 640 : i32
    %scan3A_12 = arith.addi %scan3A_10, %scan3A_11 : i32
    %scan3A_13 = arith.constant 1 : i32
    %scan3A_14 = scf.for %scan3A_58 = %scan3A_10 to %scan3A_12 step %scan3A_13 iter_args(%scan3A_59 = %scan3A_9) -> (i32)  : i32 {
      %mul3A_60 = arith.constant 16 : i32
      %mul3A_61 = arith.muli %scan3A_58, %mul3A_60 : i32
      %swap3A = arith.index_cast %mul3A_61 : i32 to index
      %swap3A_62 = tpu.vector_load %arg18[%swap3A] {strides = array<i32>} : memref<10240xf32, #tpu.memory_space<vmem>>, vector<16xf32>,
      tpu.vector_store %arg18[%swap3A], %broadcast_in_dim3A_8 {strides = array<i32>} : memref<10240xf32, #tpu.memory_space<vmem>>, vector<16xf32>,
      %scan3A_63 = arith.constant 0 : i32
      scf.yield %scan3A_63 : i32
    }
    %scan3A_15 = arith.constant 640 : i32
    "tpu.region"() ({
      %run_scoped3A = tpu.sem_alloc : memref<!tpu.dma_semaphore, #tpu.memory_space<semaphore_mem>>
      %dma_start3A = arith.constant 0 : i32
      %dma_start3A_58 = arith.constant 0 : i32
      %dma_start3A_59 = tpu.memref_slice %arg4[%arg1, %dma_start3A, %dma_start3A_58] : memref<16x80x128xi32, #tpu.memory_space<hbm>> -> memref<1x80x128xi32, #tpu.memory_space<hbm>>
      %dma_start3A_60 = tpu.memref_squeeze %dma_start3A_59 : memref<1x80x128xi32, #tpu.memory_space<hbm>> -> memref<80x128xi32, #tpu.memory_space<hbm>>
      %dma_start3A_61 = arith.constant 0 : i32
      %dma_start3A_62 = arith.constant 0 : i32
      %dma_start3A_63 = tpu.memref_slice %arg4[%arg1, %dma_start3A_61, %dma_start3A_62] : memref<16x80x128xi32, #tpu.memory_space<hbm>> -> memref<1x80x128xi32, #tpu.memory_space<hbm>>
      %dma_start3A_64 = tpu.memref_squeeze %dma_start3A_63 : memref<1x80x128xi32, #tpu.memory_space<hbm>> -> memref<80x128xi32, #tpu.memory_space<hbm>>
      tpu.enqueue_dma source(%dma_start3A_64 : memref<80x128xi32, #tpu.memory_space<hbm>>) target(%arg8 : memref<80x128xi32, #tpu.memory_space<vmem>>) target_semaphore(%run_scoped3A : memref<!tpu.dma_semaphore, #tpu.memory_space<semaphore_mem>>)
      %dma_wait3A = arith.constant 0 : i32
      %dma_wait3A_65 = arith.constant 0 : i32
      %dma_wait3A_66 = tpu.memref_slice %arg4[%arg1, %dma_wait3A, %dma_wait3A_65] : memref<16x80x128xi32, #tpu.memory_space<hbm>> -> memref<1x80x128xi32, #tpu.memory_space<hbm>>
      %dma_wait3A_67 = tpu.memref_squeeze %dma_wait3A_66 : memref<1x80x128xi32, #tpu.memory_space<hbm>> -> memref<80x128xi32, #tpu.memory_space<hbm>>
      %dma_wait3A_68 = arith.constant 0 : i32
      %dma_wait3A_69 = arith.constant 0 : i32
      %dma_wait3A_70 = tpu.memref_slice %arg4[%arg1, %dma_wait3A_68, %dma_wait3A_69] : memref<16x80x128xi32, #tpu.memory_space<hbm>> -> memref<1x80x128xi32, #tpu.memory_space<hbm>>
      %dma_wait3A_71 = tpu.memref_squeeze %dma_wait3A_70 : memref<1x80x128xi32, #tpu.memory_space<hbm>> -> memref<80x128xi32, #tpu.memory_space<hbm>>
      tpu.wait_dma2 semaphore(%run_scoped3A : memref<!tpu.dma_semaphore, #tpu.memory_space<semaphore_mem>>) src(%dma_wait3A_71 : memref<80x128xi32, #tpu.memory_space<hbm>>) dst(%arg8 : memref<80x128xi32, #tpu.memory_space<vmem>>)
      tpu.yield
    }) : () -> ()
    "tpu.region"() ({
      %run_scoped3A = tpu.sem_alloc : memref<!tpu.dma_semaphore, #tpu.memory_space<semaphore_mem>>
      %dma_start3A = arith.constant 0 : i32
      %dma_start3A_58 = arith.constant 0 : i32
      %dma_start3A_59 = tpu.memref_slice %arg5[%arg1, %dma_start3A, %dma_start3A_58] : memref<16x80x128xi32, #tpu.memory_space<hbm>> -> memref<1x80x128xi32, #tpu.memory_space<hbm>>
      %dma_start3A_60 = tpu.memref_squeeze %dma_start3A_59 : memref<1x80x128xi32, #tpu.memory_space<hbm>> -> memref<80x128xi32, #tpu.memory_space<hbm>>
      %dma_start3A_61 = arith.constant 0 : i32
      %dma_start3A_62 = arith.constant 0 : i32
      %dma_start3A_63 = tpu.memref_slice %arg5[%arg1, %dma_start3A_61, %dma_start3A_62] : memref<16x80x128xi32, #tpu.memory_space<hbm>> -> memref<1x80x128xi32, #tpu.memory_space<hbm>>
      %dma_start3A_64 = tpu.memref_squeeze %dma_start3A_63 : memref<1x80x128xi32, #tpu.memory_space<hbm>> -> memref<80x128xi32, #tpu.memory_space<hbm>>
      tpu.enqueue_dma source(%dma_start3A_64 : memref<80x128xi32, #tpu.memory_space<hbm>>) target(%arg9 : memref<80x128xi32, #tpu.memory_space<vmem>>) target_semaphore(%run_scoped3A : memref<!tpu.dma_semaphore, #tpu.memory_space<semaphore_mem>>)
      %dma_wait3A = arith.constant 0 : i32
      %dma_wait3A_65 = arith.constant 0 : i32
      %dma_wait3A_66 = tpu.memref_slice %arg5[%arg1, %dma_wait3A, %dma_wait3A_65] : memref<16x80x128xi32, #tpu.memory_space<hbm>> -> memref<1x80x128xi32, #tpu.memory_space<hbm>>
      %dma_wait3A_67 = tpu.memref_squeeze %dma_wait3A_66 : memref<1x80x128xi32, #tpu.memory_space<hbm>> -> memref<80x128xi32, #tpu.memory_space<hbm>>
      %dma_wait3A_68 = arith.constant 0 : i32
      %dma_wait3A_69 = arith.constant 0 : i32
      %dma_wait3A_70 = tpu.memref_slice %arg5[%arg1, %dma_wait3A_68, %dma_wait3A_69] : memref<16x80x128xi32, #tpu.memory_space<hbm>> -> memref<1x80x128xi32, #tpu.memory_space<hbm>>
      %dma_wait3A_71 = tpu.memref_squeeze %dma_wait3A_70 : memref<1x80x128xi32, #tpu.memory_space<hbm>> -> memref<80x128xi32, #tpu.memory_space<hbm>>
      tpu.wait_dma2 semaphore(%run_scoped3A : memref<!tpu.dma_semaphore, #tpu.memory_space<semaphore_mem>>) src(%dma_wait3A_71 : memref<80x128xi32, #tpu.memory_space<hbm>>) dst(%arg9 : memref<80x128xi32, #tpu.memory_space<vmem>>)
      tpu.yield
    }) : () -> ()
    %broadcast_in_dim3A_16 = arith.constant 1.000000e+00 : f32
    %broadcast_in_dim3A_17 = vector.broadcast %broadcast_in_dim3A_16 : f32 to vector<16xf32>
    %mul3A = arith.constant 5 : i32
    %mul3A_18 = arith.muli %arg1, %mul3A : i32
    %add3A = arith.constant 0 : i32
    %add3A_19 = arith.addi %mul3A_18, %add3A : i32
    %mul3A_20 = arith.constant 128 : i32
    %mul3A_21 = arith.muli %add3A_19, %mul3A_20 : i32
    "tpu.region"() ({
      %run_scoped3A = tpu.sem_alloc : memref<!tpu.dma_semaphore, #tpu.memory_space<semaphore_mem>>
      %dma_start3A = arith.constant 0 : i32
      %dma_start3A_58 = tpu.memref_slice %arg15[%mul3A_21, %dma_start3A] : memref<10240x128xbf16, #tpu.memory_space<vmem_shared>> -> memref<128x128xbf16, #tpu.memory_space<vmem_shared>>
      %dma_start3A_59 = arith.constant 0 : i32
      %dma_start3A_60 = tpu.memref_slice %arg15[%mul3A_21, %dma_start3A_59] : memref<10240x128xbf16, #tpu.memory_space<vmem_shared>> -> memref<128x128xbf16, #tpu.memory_space<vmem_shared>>
      tpu.enqueue_dma source(%arg14 : memref<128x128xbf16, #tpu.memory_space<vmem>>) target(%dma_start3A_60 : memref<128x128xbf16, #tpu.memory_space<vmem_shared>>) target_semaphore(%run_scoped3A : memref<!tpu.dma_semaphore, #tpu.memory_space<semaphore_mem>>)
      %dma_wait3A = arith.constant 0 : i32
      %dma_wait3A_61 = tpu.memref_slice %arg15[%mul3A_21, %dma_wait3A] : memref<10240x128xbf16, #tpu.memory_space<vmem_shared>> -> memref<128x128xbf16, #tpu.memory_space<vmem_shared>>
      %dma_wait3A_62 = arith.constant 0 : i32
      %dma_wait3A_63 = tpu.memref_slice %arg15[%mul3A_21, %dma_wait3A_62] : memref<10240x128xbf16, #tpu.memory_space<vmem_shared>> -> memref<128x128xbf16, #tpu.memory_space<vmem_shared>>
      tpu.wait_dma2 semaphore(%run_scoped3A : memref<!tpu.dma_semaphore, #tpu.memory_space<semaphore_mem>>) src(%arg14 : memref<128x128xbf16, #tpu.memory_space<vmem>>) dst(%dma_wait3A_63 : memref<128x128xbf16, #tpu.memory_space<vmem_shared>>)
      tpu.yield
    }) : () -> ()
    %mul3A_22 = arith.constant 5 : i32
    %mul3A_23 = arith.muli %arg1, %mul3A_22 : i32
    %add3A_24 = arith.constant 1 : i32
    %add3A_25 = arith.addi %mul3A_23, %add3A_24 : i32
    %mul3A_26 = arith.constant 128 : i32
    %mul3A_27 = arith.muli %add3A_25, %mul3A_26 : i32
    "tpu.region"() ({
      %run_scoped3A = tpu.sem_alloc : memref<!tpu.dma_semaphore, #tpu.memory_space<semaphore_mem>>
      %dma_start3A = arith.constant 0 : i32
      %dma_start3A_58 = tpu.memref_slice %arg15[%mul3A_27, %dma_start3A] : memref<10240x128xbf16, #tpu.memory_space<vmem_shared>> -> memref<128x128xbf16, #tpu.memory_space<vmem_shared>>
      %dma_start3A_59 = arith.constant 0 : i32
      %dma_start3A_60 = tpu.memref_slice %arg15[%mul3A_27, %dma_start3A_59] : memref<10240x128xbf16, #tpu.memory_space<vmem_shared>> -> memref<128x128xbf16, #tpu.memory_space<vmem_shared>>
      tpu.enqueue_dma source(%arg14 : memref<128x128xbf16, #tpu.memory_space<vmem>>) target(%dma_start3A_60 : memref<128x128xbf16, #tpu.memory_space<vmem_shared>>) target_semaphore(%run_scoped3A : memref<!tpu.dma_semaphore, #tpu.memory_space<semaphore_mem>>)
      %dma_wait3A = arith.constant 0 : i32
      %dma_wait3A_61 = tpu.memref_slice %arg15[%mul3A_27, %dma_wait3A] : memref<10240x128xbf16, #tpu.memory_space<vmem_shared>> -> memref<128x128xbf16, #tpu.memory_space<vmem_shared>>
      %dma_wait3A_62 = arith.constant 0 : i32
      %dma_wait3A_63 = tpu.memref_slice %arg15[%mul3A_27, %dma_wait3A_62] : memref<10240x128xbf16, #tpu.memory_space<vmem_shared>> -> memref<128x128xbf16, #tpu.memory_space<vmem_shared>>
      tpu.wait_dma2 semaphore(%run_scoped3A : memref<!tpu.dma_semaphore, #tpu.memory_space<semaphore_mem>>) src(%arg14 : memref<128x128xbf16, #tpu.memory_space<vmem>>) dst(%dma_wait3A_63 : memref<128x128xbf16, #tpu.memory_space<vmem_shared>>)
      tpu.yield
    }) : () -> ()
    %mul3A_28 = arith.constant 5 : i32
    %mul3A_29 = arith.muli %arg1, %mul3A_28 : i32
    %add3A_30 = arith.constant 2 : i32
    %add3A_31 = arith.addi %mul3A_29, %add3A_30 : i32
    %mul3A_32 = arith.constant 128 : i32
    %mul3A_33 = arith.muli %add3A_31, %mul3A_32 : i32
    "tpu.region"() ({
      %run_scoped3A = tpu.sem_alloc : memref<!tpu.dma_semaphore, #tpu.memory_space<semaphore_mem>>
      %dma_start3A = arith.constant 0 : i32
      %dma_start3A_58 = tpu.memref_slice %arg15[%mul3A_33, %dma_start3A] : memref<10240x128xbf16, #tpu.memory_space<vmem_shared>> -> memref<128x128xbf16, #tpu.memory_space<vmem_shared>>
      %dma_start3A_59 = arith.constant 0 : i32
      %dma_start3A_60 = tpu.memref_slice %arg15[%mul3A_33, %dma_start3A_59] : memref<10240x128xbf16, #tpu.memory_space<vmem_shared>> -> memref<128x128xbf16, #tpu.memory_space<vmem_shared>>
      tpu.enqueue_dma source(%arg14 : memref<128x128xbf16, #tpu.memory_space<vmem>>) target(%dma_start3A_60 : memref<128x128xbf16, #tpu.memory_space<vmem_shared>>) target_semaphore(%run_scoped3A : memref<!tpu.dma_semaphore, #tpu.memory_space<semaphore_mem>>)
      %dma_wait3A = arith.constant 0 : i32
      %dma_wait3A_61 = tpu.memref_slice %arg15[%mul3A_33, %dma_wait3A] : memref<10240x128xbf16, #tpu.memory_space<vmem_shared>> -> memref<128x128xbf16, #tpu.memory_space<vmem_shared>>
      %dma_wait3A_62 = arith.constant 0 : i32
      %dma_wait3A_63 = tpu.memref_slice %arg15[%mul3A_33, %dma_wait3A_62] : memref<10240x128xbf16, #tpu.memory_space<vmem_shared>> -> memref<128x128xbf16, #tpu.memory_space<vmem_shared>>
      tpu.wait_dma2 semaphore(%run_scoped3A : memref<!tpu.dma_semaphore, #tpu.memory_space<semaphore_mem>>) src(%arg14 : memref<128x128xbf16, #tpu.memory_space<vmem>>) dst(%dma_wait3A_63 : memref<128x128xbf16, #tpu.memory_space<vmem_shared>>)
      tpu.yield
    }) : () -> ()
    %mul3A_34 = arith.constant 5 : i32
    %mul3A_35 = arith.muli %arg1, %mul3A_34 : i32
    %add3A_36 = arith.constant 3 : i32
    %add3A_37 = arith.addi %mul3A_35, %add3A_36 : i32
    %mul3A_38 = arith.constant 128 : i32
    %mul3A_39 = arith.muli %add3A_37, %mul3A_38 : i32
    "tpu.region"() ({
      %run_scoped3A = tpu.sem_alloc : memref<!tpu.dma_semaphore, #tpu.memory_space<semaphore_mem>>
      %dma_start3A = arith.constant 0 : i32
      %dma_start3A_58 = tpu.memref_slice %arg15[%mul3A_39, %dma_start3A] : memref<10240x128xbf16, #tpu.memory_space<vmem_shared>> -> memref<128x128xbf16, #tpu.memory_space<vmem_shared>>
      %dma_start3A_59 = arith.constant 0 : i32
      %dma_start3A_60 = tpu.memref_slice %arg15[%mul3A_39, %dma_start3A_59] : memref<10240x128xbf16, #tpu.memory_space<vmem_shared>> -> memref<128x128xbf16, #tpu.memory_space<vmem_shared>>
      tpu.enqueue_dma source(%arg14 : memref<128x128xbf16, #tpu.memory_space<vmem>>) target(%dma_start3A_60 : memref<128x128xbf16, #tpu.memory_space<vmem_shared>>) target_semaphore(%run_scoped3A : memref<!tpu.dma_semaphore, #tpu.memory_space<semaphore_mem>>)
      %dma_wait3A = arith.constant 0 : i32
      %dma_wait3A_61 = tpu.memref_slice %arg15[%mul3A_39, %dma_wait3A] : memref<10240x128xbf16, #tpu.memory_space<vmem_shared>> -> memref<128x128xbf16, #tpu.memory_space<vmem_shared>>
      %dma_wait3A_62 = arith.constant 0 : i32
      %dma_wait3A_63 = tpu.memref_slice %arg15[%mul3A_39, %dma_wait3A_62] : memref<10240x128xbf16, #tpu.memory_space<vmem_shared>> -> memref<128x128xbf16, #tpu.memory_space<vmem_shared>>
      tpu.wait_dma2 semaphore(%run_scoped3A : memref<!tpu.dma_semaphore, #tpu.memory_space<semaphore_mem>>) src(%arg14 : memref<128x128xbf16, #tpu.memory_space<vmem>>) dst(%dma_wait3A_63 : memref<128x128xbf16, #tpu.memory_space<vmem_shared>>)
      tpu.yield
    }) : () -> ()
    %mul3A_40 = arith.constant 5 : i32
    %mul3A_41 = arith.muli %arg1, %mul3A_40 : i32
    %add3A_42 = arith.constant 4 : i32
    %add3A_43 = arith.addi %mul3A_41, %add3A_42 : i32
    %mul3A_44 = arith.constant 128 : i32
    %mul3A_45 = arith.muli %add3A_43, %mul3A_44 : i32
    "tpu.region"() ({
      %run_scoped3A = tpu.sem_alloc : memref<!tpu.dma_semaphore, #tpu.memory_space<semaphore_mem>>
      %dma_start3A = arith.constant 0 : i32
      %dma_start3A_58 = tpu.memref_slice %arg15[%mul3A_45, %dma_start3A] : memref<10240x128xbf16, #tpu.memory_space<vmem_shared>> -> memref<128x128xbf16, #tpu.memory_space<vmem_shared>>
      %dma_start3A_59 = arith.constant 0 : i32
      %dma_start3A_60 = tpu.memref_slice %arg15[%mul3A_45, %dma_start3A_59] : memref<10240x128xbf16, #tpu.memory_space<vmem_shared>> -> memref<128x128xbf16, #tpu.memory_space<vmem_shared>>
      tpu.enqueue_dma source(%arg14 : memref<128x128xbf16, #tpu.memory_space<vmem>>) target(%dma_start3A_60 : memref<128x128xbf16, #tpu.memory_space<vmem_shared>>) target_semaphore(%run_scoped3A : memref<!tpu.dma_semaphore, #tpu.memory_space<semaphore_mem>>)
      %dma_wait3A = arith.constant 0 : i32
      %dma_wait3A_61 = tpu.memref_slice %arg15[%mul3A_45, %dma_wait3A] : memref<10240x128xbf16, #tpu.memory_space<vmem_shared>> -> memref<128x128xbf16, #tpu.memory_space<vmem_shared>>
      %dma_wait3A_62 = arith.constant 0 : i32
      %dma_wait3A_63 = tpu.memref_slice %arg15[%mul3A_45, %dma_wait3A_62] : memref<10240x128xbf16, #tpu.memory_space<vmem_shared>> -> memref<128x128xbf16, #tpu.memory_space<vmem_shared>>
      tpu.wait_dma2 semaphore(%run_scoped3A : memref<!tpu.dma_semaphore, #tpu.memory_space<semaphore_mem>>) src(%arg14 : memref<128x128xbf16, #tpu.memory_space<vmem>>) dst(%dma_wait3A_63 : memref<128x128xbf16, #tpu.memory_space<vmem_shared>>)
      tpu.yield
    }) : () -> ()
    %barrier3A = arith.constant 0 : index
    tpu.barrier barrier_id(%barrier3A)
    %scan3A_46 = arith.constant 0 : i32
    %scan3A_47 = arith.constant 0 : i32
    %scan3A_48 = arith.constant 20 : i32
    %scan3A_49 = arith.addi %scan3A_47, %scan3A_48 : i32
    %scan3A_50 = arith.constant 1 : i32
    %scan3A_51 = scf.for %scan3A_58 = %scan3A_47 to %scan3A_49 step %scan3A_50 iter_args(%scan3A_59 = %scan3A_46) -> (i32)  : i32 {
      %eq3A = arith.constant 0 : i32
      %eq3A_60 = arith.cmpi eq, %arg0, %eq3A : i32
      %convert_element_type3A = arith.extui %eq3A_60 : i1 to i32
      %cond3A = arith.constant 0 : i32
      %cond3A_61 = arith.cmpi ne, %convert_element_type3A, %cond3A : i32
      scf.if %cond3A_61 {
        %mul3A_137 = arith.constant 4 : i32
        %mul3A_138 = arith.muli %scan3A_58, %mul3A_137 : i32
        %add3A_139 = arith.constant 0 : i32
        %add3A_140 = arith.addi %mul3A_138, %add3A_139 : i32
        %dma_start3A_141 = arith.constant 0 : i32
        %dma_start3A_142 = tpu.memref_slice %arg8[%add3A_140, %dma_start3A_141] : memref<80x128xi32, #tpu.memory_space<vmem>> -> memref<1x128xi32, #tpu.memory_space<vmem>>
        %dma_start3A_143 = tpu.memref_squeeze %dma_start3A_142 : memref<1x128xi32, #tpu.memory_space<vmem>> -> memref<128xi32, #tpu.memory_space<vmem>>
        %dma_start3A_144 = arith.constant 0 : i32
        %dma_start3A_145 = arith.constant 0 : i32
        %dma_start3A_146 = tpu.memref_slice %arg2[%dma_start3A_144, %dma_start3A_145] : memref<10240x128xbf16, #tpu.memory_space<hbm>> -> memref<10240x128xbf16, #tpu.memory_space<hbm>>
        tpu.enqueue_indirect_dma source(%dma_start3A_146 : memref<10240x128xbf16, #tpu.memory_space<hbm>>) target(%arg10 : memref<128x128xbf16, #tpu.memory_space<vmem>>) offsets(%dma_start3A_143 : memref<128xi32, #tpu.memory_space<vmem>>) semaphore(%arg16 : memref<!tpu.dma_semaphore, #tpu.memory_space<semaphore_mem>>)
        %mul3A_147 = arith.constant 4 : i32
        %mul3A_148 = arith.muli %scan3A_58, %mul3A_147 : i32
        %add3A_149 = arith.constant 1 : i32
        %add3A_150 = arith.addi %mul3A_148, %add3A_149 : i32
        %dma_start3A_151 = arith.constant 0 : i32
        %dma_start3A_152 = tpu.memref_slice %arg8[%add3A_150, %dma_start3A_151] : memref<80x128xi32, #tpu.memory_space<vmem>> -> memref<1x128xi32, #tpu.memory_space<vmem>>
        %dma_start3A_153 = tpu.memref_squeeze %dma_start3A_152 : memref<1x128xi32, #tpu.memory_space<vmem>> -> memref<128xi32, #tpu.memory_space<vmem>>
        %dma_start3A_154 = arith.constant 0 : i32
        %dma_start3A_155 = arith.constant 0 : i32
        %dma_start3A_156 = tpu.memref_slice %arg2[%dma_start3A_154, %dma_start3A_155] : memref<10240x128xbf16, #tpu.memory_space<hbm>> -> memref<10240x128xbf16, #tpu.memory_space<hbm>>
        tpu.enqueue_indirect_dma source(%dma_start3A_156 : memref<10240x128xbf16, #tpu.memory_space<hbm>>) target(%arg11 : memref<128x128xbf16, #tpu.memory_space<vmem>>) offsets(%dma_start3A_153 : memref<128xi32, #tpu.memory_space<vmem>>) semaphore(%arg16 : memref<!tpu.dma_semaphore, #tpu.memory_space<semaphore_mem>>)
        %mul3A_157 = arith.constant 4 : i32
        %mul3A_158 = arith.muli %scan3A_58, %mul3A_157 : i32
        %add3A_159 = arith.constant 2 : i32
        %add3A_160 = arith.addi %mul3A_158, %add3A_159 : i32
        %dma_start3A_161 = arith.constant 0 : i32
        %dma_start3A_162 = tpu.memref_slice %arg8[%add3A_160, %dma_start3A_161] : memref<80x128xi32, #tpu.memory_space<vmem>> -> memref<1x128xi32, #tpu.memory_space<vmem>>
        %dma_start3A_163 = tpu.memref_squeeze %dma_start3A_162 : memref<1x128xi32, #tpu.memory_space<vmem>> -> memref<128xi32, #tpu.memory_space<vmem>>
        %dma_start3A_164 = arith.constant 0 : i32
        %dma_start3A_165 = arith.constant 0 : i32
        %dma_start3A_166 = tpu.memref_slice %arg2[%dma_start3A_164, %dma_start3A_165] : memref<10240x128xbf16, #tpu.memory_space<hbm>> -> memref<10240x128xbf16, #tpu.memory_space<hbm>>
        tpu.enqueue_indirect_dma source(%dma_start3A_166 : memref<10240x128xbf16, #tpu.memory_space<hbm>>) target(%arg12 : memref<128x128xbf16, #tpu.memory_space<vmem>>) offsets(%dma_start3A_163 : memref<128xi32, #tpu.memory_space<vmem>>) semaphore(%arg16 : memref<!tpu.dma_semaphore, #tpu.memory_space<semaphore_mem>>)
        %mul3A_167 = arith.constant 4 : i32
        %mul3A_168 = arith.muli %scan3A_58, %mul3A_167 : i32
        %add3A_169 = arith.constant 3 : i32
        %add3A_170 = arith.addi %mul3A_168, %add3A_169 : i32
        %dma_start3A_171 = arith.constant 0 : i32
        %dma_start3A_172 = tpu.memref_slice %arg8[%add3A_170, %dma_start3A_171] : memref<80x128xi32, #tpu.memory_space<vmem>> -> memref<1x128xi32, #tpu.memory_space<vmem>>
        %dma_start3A_173 = tpu.memref_squeeze %dma_start3A_172 : memref<1x128xi32, #tpu.memory_space<vmem>> -> memref<128xi32, #tpu.memory_space<vmem>>
        %dma_start3A_174 = arith.constant 0 : i32
        %dma_start3A_175 = arith.constant 0 : i32
        %dma_start3A_176 = tpu.memref_slice %arg2[%dma_start3A_174, %dma_start3A_175] : memref<10240x128xbf16, #tpu.memory_space<hbm>> -> memref<10240x128xbf16, #tpu.memory_space<hbm>>
        tpu.enqueue_indirect_dma source(%dma_start3A_176 : memref<10240x128xbf16, #tpu.memory_space<hbm>>) target(%arg13 : memref<128x128xbf16, #tpu.memory_space<vmem>>) offsets(%dma_start3A_173 : memref<128xi32, #tpu.memory_space<vmem>>) semaphore(%arg16 : memref<!tpu.dma_semaphore, #tpu.memory_space<semaphore_mem>>)
        %dma_wait3A_177 = arith.constant 0 : i32
        %dma_wait3A_178 = tpu.memref_slice %arg8[%add3A_140, %dma_wait3A_177] : memref<80x128xi32, #tpu.memory_space<vmem>> -> memref<1x128xi32, #tpu.memory_space<vmem>>
        %dma_wait3A_179 = tpu.memref_squeeze %dma_wait3A_178 : memref<1x128xi32, #tpu.memory_space<vmem>> -> memref<128xi32, #tpu.memory_space<vmem>>
        %dma_wait3A_180 = arith.constant 0 : i32
        %dma_wait3A_181 = arith.constant 0 : i32
        %dma_wait3A_182 = tpu.memref_slice %arg2[%dma_wait3A_180, %dma_wait3A_181] : memref<10240x128xbf16, #tpu.memory_space<hbm>> -> memref<10240x128xbf16, #tpu.memory_space<hbm>>
        tpu.wait_indirect_dma semaphore(%arg16 : memref<!tpu.dma_semaphore, #tpu.memory_space<semaphore_mem>>) src(%dma_wait3A_182 : memref<10240x128xbf16, #tpu.memory_space<hbm>>) dst(%arg10 : memref<128x128xbf16, #tpu.memory_space<vmem>>)
        %dma_wait3A_183 = arith.constant 0 : i32
        %dma_wait3A_184 = tpu.memref_slice %arg8[%add3A_150, %dma_wait3A_183] : memref<80x128xi32, #tpu.memory_space<vmem>> -> memref<1x128xi32, #tpu.memory_space<vmem>>
        %dma_wait3A_185 = tpu.memref_squeeze %dma_wait3A_184 : memref<1x128xi32, #tpu.memory_space<vmem>> -> memref<128xi32, #tpu.memory_space<vmem>>
        %dma_wait3A_186 = arith.constant 0 : i32
        %dma_wait3A_187 = arith.constant 0 : i32
        %dma_wait3A_188 = tpu.memref_slice %arg2[%dma_wait3A_186, %dma_wait3A_187] : memref<10240x128xbf16, #tpu.memory_space<hbm>> -> memref<10240x128xbf16, #tpu.memory_space<hbm>>
        tpu.wait_indirect_dma semaphore(%arg16 : memref<!tpu.dma_semaphore, #tpu.memory_space<semaphore_mem>>) src(%dma_wait3A_188 : memref<10240x128xbf16, #tpu.memory_space<hbm>>) dst(%arg11 : memref<128x128xbf16, #tpu.memory_space<vmem>>)
        %dma_wait3A_189 = arith.constant 0 : i32
        %dma_wait3A_190 = tpu.memref_slice %arg8[%add3A_160, %dma_wait3A_189] : memref<80x128xi32, #tpu.memory_space<vmem>> -> memref<1x128xi32, #tpu.memory_space<vmem>>
        %dma_wait3A_191 = tpu.memref_squeeze %dma_wait3A_190 : memref<1x128xi32, #tpu.memory_space<vmem>> -> memref<128xi32, #tpu.memory_space<vmem>>
        %dma_wait3A_192 = arith.constant 0 : i32
        %dma_wait3A_193 = arith.constant 0 : i32
        %dma_wait3A_194 = tpu.memref_slice %arg2[%dma_wait3A_192, %dma_wait3A_193] : memref<10240x128xbf16, #tpu.memory_space<hbm>> -> memref<10240x128xbf16, #tpu.memory_space<hbm>>
        tpu.wait_indirect_dma semaphore(%arg16 : memref<!tpu.dma_semaphore, #tpu.memory_space<semaphore_mem>>) src(%dma_wait3A_194 : memref<10240x128xbf16, #tpu.memory_space<hbm>>) dst(%arg12 : memref<128x128xbf16, #tpu.memory_space<vmem>>)
        %dma_wait3A_195 = arith.constant 0 : i32
        %dma_wait3A_196 = tpu.memref_slice %arg8[%add3A_170, %dma_wait3A_195] : memref<80x128xi32, #tpu.memory_space<vmem>> -> memref<1x128xi32, #tpu.memory_space<vmem>>
        %dma_wait3A_197 = tpu.memref_squeeze %dma_wait3A_196 : memref<1x128xi32, #tpu.memory_space<vmem>> -> memref<128xi32, #tpu.memory_space<vmem>>
        %dma_wait3A_198 = arith.constant 0 : i32
        %dma_wait3A_199 = arith.constant 0 : i32
        %dma_wait3A_200 = tpu.memref_slice %arg2[%dma_wait3A_198, %dma_wait3A_199] : memref<10240x128xbf16, #tpu.memory_space<hbm>> -> memref<10240x128xbf16, #tpu.memory_space<hbm>>
        tpu.wait_indirect_dma semaphore(%arg16 : memref<!tpu.dma_semaphore, #tpu.memory_space<semaphore_mem>>) src(%dma_wait3A_200 : memref<10240x128xbf16, #tpu.memory_space<hbm>>) dst(%arg13 : memref<128x128xbf16, #tpu.memory_space<vmem>>)
      } else {
      }
      %eq3A_62 = arith.constant 1 : i32
      %eq3A_63 = arith.cmpi eq, %arg0, %eq3A_62 : i32
      %convert_element_type3A_64 = arith.extui %eq3A_63 : i1 to i32
      %cond3A_65 = arith.constant 0 : i32
      %cond3A_66 = arith.cmpi ne, %convert_element_type3A_64, %cond3A_65 : i32
      scf.if %cond3A_66 {
        %mul3A_137 = arith.constant 4 : i32
        %mul3A_138 = arith.muli %scan3A_58, %mul3A_137 : i32
        %add3A_139 = arith.constant 0 : i32
        %add3A_140 = arith.addi %mul3A_138, %add3A_139 : i32
        %dma_start3A_141 = arith.constant 0 : i32
        %dma_start3A_142 = tpu.memref_slice %arg8[%add3A_140, %dma_start3A_141] : memref<80x128xi32, #tpu.memory_space<vmem>> -> memref<1x128xi32, #tpu.memory_space<vmem>>
        %dma_start3A_143 = tpu.memref_squeeze %dma_start3A_142 : memref<1x128xi32, #tpu.memory_space<vmem>> -> memref<128xi32, #tpu.memory_space<vmem>>
        %dma_start3A_144 = arith.constant 0 : i32
        %dma_start3A_145 = arith.constant 0 : i32
        %dma_start3A_146 = tpu.memref_slice %arg3[%dma_start3A_144, %dma_start3A_145] : memref<10240x128xbf16, #tpu.memory_space<hbm>> -> memref<10240x128xbf16, #tpu.memory_space<hbm>>
        tpu.enqueue_indirect_dma source(%dma_start3A_146 : memref<10240x128xbf16, #tpu.memory_space<hbm>>) target(%arg10 : memref<128x128xbf16, #tpu.memory_space<vmem>>) offsets(%dma_start3A_143 : memref<128xi32, #tpu.memory_space<vmem>>) semaphore(%arg16 : memref<!tpu.dma_semaphore, #tpu.memory_space<semaphore_mem>>)
        %mul3A_147 = arith.constant 4 : i32
        %mul3A_148 = arith.muli %scan3A_58, %mul3A_147 : i32
        %add3A_149 = arith.constant 1 : i32
        %add3A_150 = arith.addi %mul3A_148, %add3A_149 : i32
        %dma_start3A_151 = arith.constant 0 : i32
        %dma_start3A_152 = tpu.memref_slice %arg8[%add3A_150, %dma_start3A_151] : memref<80x128xi32, #tpu.memory_space<vmem>> -> memref<1x128xi32, #tpu.memory_space<vmem>>
        %dma_start3A_153 = tpu.memref_squeeze %dma_start3A_152 : memref<1x128xi32, #tpu.memory_space<vmem>> -> memref<128xi32, #tpu.memory_space<vmem>>
        %dma_start3A_154 = arith.constant 0 : i32
        %dma_start3A_155 = arith.constant 0 : i32
        %dma_start3A_156 = tpu.memref_slice %arg3[%dma_start3A_154, %dma_start3A_155] : memref<10240x128xbf16, #tpu.memory_space<hbm>> -> memref<10240x128xbf16, #tpu.memory_space<hbm>>
        tpu.enqueue_indirect_dma source(%dma_start3A_156 : memref<10240x128xbf16, #tpu.memory_space<hbm>>) target(%arg11 : memref<128x128xbf16, #tpu.memory_space<vmem>>) offsets(%dma_start3A_153 : memref<128xi32, #tpu.memory_space<vmem>>) semaphore(%arg16 : memref<!tpu.dma_semaphore, #tpu.memory_space<semaphore_mem>>)
        %mul3A_157 = arith.constant 4 : i32
        %mul3A_158 = arith.muli %scan3A_58, %mul3A_157 : i32
        %add3A_159 = arith.constant 2 : i32
        %add3A_160 = arith.addi %mul3A_158, %add3A_159 : i32
        %dma_start3A_161 = arith.constant 0 : i32
        %dma_start3A_162 = tpu.memref_slice %arg8[%add3A_160, %dma_start3A_161] : memref<80x128xi32, #tpu.memory_space<vmem>> -> memref<1x128xi32, #tpu.memory_space<vmem>>
        %dma_start3A_163 = tpu.memref_squeeze %dma_start3A_162 : memref<1x128xi32, #tpu.memory_space<vmem>> -> memref<128xi32, #tpu.memory_space<vmem>>
        %dma_start3A_164 = arith.constant 0 : i32
        %dma_start3A_165 = arith.constant 0 : i32
        %dma_start3A_166 = tpu.memref_slice %arg3[%dma_start3A_164, %dma_start3A_165] : memref<10240x128xbf16, #tpu.memory_space<hbm>> -> memref<10240x128xbf16, #tpu.memory_space<hbm>>
        tpu.enqueue_indirect_dma source(%dma_start3A_166 : memref<10240x128xbf16, #tpu.memory_space<hbm>>) target(%arg12 : memref<128x128xbf16, #tpu.memory_space<vmem>>) offsets(%dma_start3A_163 : memref<128xi32, #tpu.memory_space<vmem>>) semaphore(%arg16 : memref<!tpu.dma_semaphore, #tpu.memory_space<semaphore_mem>>)
        %mul3A_167 = arith.constant 4 : i32
        %mul3A_168 = arith.muli %scan3A_58, %mul3A_167 : i32
        %add3A_169 = arith.constant 3 : i32
        %add3A_170 = arith.addi %mul3A_168, %add3A_169 : i32
        %dma_start3A_171 = arith.constant 0 : i32
        %dma_start3A_172 = tpu.memref_slice %arg8[%add3A_170, %dma_start3A_171] : memref<80x128xi32, #tpu.memory_space<vmem>> -> memref<1x128xi32, #tpu.memory_space<vmem>>
        %dma_start3A_173 = tpu.memref_squeeze %dma_start3A_172 : memref<1x128xi32, #tpu.memory_space<vmem>> -> memref<128xi32, #tpu.memory_space<vmem>>
        %dma_start3A_174 = arith.constant 0 : i32
        %dma_start3A_175 = arith.constant 0 : i32
        %dma_start3A_176 = tpu.memref_slice %arg3[%dma_start3A_174, %dma_start3A_175] : memref<10240x128xbf16, #tpu.memory_space<hbm>> -> memref<10240x128xbf16, #tpu.memory_space<hbm>>
        tpu.enqueue_indirect_dma source(%dma_start3A_176 : memref<10240x128xbf16, #tpu.memory_space<hbm>>) target(%arg13 : memref<128x128xbf16, #tpu.memory_space<vmem>>) offsets(%dma_start3A_173 : memref<128xi32, #tpu.memory_space<vmem>>) semaphore(%arg16 : memref<!tpu.dma_semaphore, #tpu.memory_space<semaphore_mem>>)
        %dma_wait3A_177 = arith.constant 0 : i32
        %dma_wait3A_178 = tpu.memref_slice %arg8[%add3A_140, %dma_wait3A_177] : memref<80x128xi32, #tpu.memory_space<vmem>> -> memref<1x128xi32, #tpu.memory_space<vmem>>
        %dma_wait3A_179 = tpu.memref_squeeze %dma_wait3A_178 : memref<1x128xi32, #tpu.memory_space<vmem>> -> memref<128xi32, #tpu.memory_space<vmem>>
        %dma_wait3A_180 = arith.constant 0 : i32
        %dma_wait3A_181 = arith.constant 0 : i32
        %dma_wait3A_182 = tpu.memref_slice %arg3[%dma_wait3A_180, %dma_wait3A_181] : memref<10240x128xbf16, #tpu.memory_space<hbm>> -> memref<10240x128xbf16, #tpu.memory_space<hbm>>
        tpu.wait_indirect_dma semaphore(%arg16 : memref<!tpu.dma_semaphore, #tpu.memory_space<semaphore_mem>>) src(%dma_wait3A_182 : memref<10240x128xbf16, #tpu.memory_space<hbm>>) dst(%arg10 : memref<128x128xbf16, #tpu.memory_space<vmem>>)
        %dma_wait3A_183 = arith.constant 0 : i32
        %dma_wait3A_184 = tpu.memref_slice %arg8[%add3A_150, %dma_wait3A_183] : memref<80x128xi32, #tpu.memory_space<vmem>> -> memref<1x128xi32, #tpu.memory_space<vmem>>
        %dma_wait3A_185 = tpu.memref_squeeze %dma_wait3A_184 : memref<1x128xi32, #tpu.memory_space<vmem>> -> memref<128xi32, #tpu.memory_space<vmem>>
        %dma_wait3A_186 = arith.constant 0 : i32
        %dma_wait3A_187 = arith.constant 0 : i32
        %dma_wait3A_188 = tpu.memref_slice %arg3[%dma_wait3A_186, %dma_wait3A_187] : memref<10240x128xbf16, #tpu.memory_space<hbm>> -> memref<10240x128xbf16, #tpu.memory_space<hbm>>
        tpu.wait_indirect_dma semaphore(%arg16 : memref<!tpu.dma_semaphore, #tpu.memory_space<semaphore_mem>>) src(%dma_wait3A_188 : memref<10240x128xbf16, #tpu.memory_space<hbm>>) dst(%arg11 : memref<128x128xbf16, #tpu.memory_space<vmem>>)
        %dma_wait3A_189 = arith.constant 0 : i32
        %dma_wait3A_190 = tpu.memref_slice %arg8[%add3A_160, %dma_wait3A_189] : memref<80x128xi32, #tpu.memory_space<vmem>> -> memref<1x128xi32, #tpu.memory_space<vmem>>
        %dma_wait3A_191 = tpu.memref_squeeze %dma_wait3A_190 : memref<1x128xi32, #tpu.memory_space<vmem>> -> memref<128xi32, #tpu.memory_space<vmem>>
        %dma_wait3A_192 = arith.constant 0 : i32
        %dma_wait3A_193 = arith.constant 0 : i32
        %dma_wait3A_194 = tpu.memref_slice %arg3[%dma_wait3A_192, %dma_wait3A_193] : memref<10240x128xbf16, #tpu.memory_space<hbm>> -> memref<10240x128xbf16, #tpu.memory_space<hbm>>
        tpu.wait_indirect_dma semaphore(%arg16 : memref<!tpu.dma_semaphore, #tpu.memory_space<semaphore_mem>>) src(%dma_wait3A_194 : memref<10240x128xbf16, #tpu.memory_space<hbm>>) dst(%arg12 : memref<128x128xbf16, #tpu.memory_space<vmem>>)
        %dma_wait3A_195 = arith.constant 0 : i32
        %dma_wait3A_196 = tpu.memref_slice %arg8[%add3A_170, %dma_wait3A_195] : memref<80x128xi32, #tpu.memory_space<vmem>> -> memref<1x128xi32, #tpu.memory_space<vmem>>
        %dma_wait3A_197 = tpu.memref_squeeze %dma_wait3A_196 : memref<1x128xi32, #tpu.memory_space<vmem>> -> memref<128xi32, #tpu.memory_space<vmem>>
        %dma_wait3A_198 = arith.constant 0 : i32
        %dma_wait3A_199 = arith.constant 0 : i32
        %dma_wait3A_200 = tpu.memref_slice %arg3[%dma_wait3A_198, %dma_wait3A_199] : memref<10240x128xbf16, #tpu.memory_space<hbm>> -> memref<10240x128xbf16, #tpu.memory_space<hbm>>
        tpu.wait_indirect_dma semaphore(%arg16 : memref<!tpu.dma_semaphore, #tpu.memory_space<semaphore_mem>>) src(%dma_wait3A_200 : memref<10240x128xbf16, #tpu.memory_space<hbm>>) dst(%arg13 : memref<128x128xbf16, #tpu.memory_space<vmem>>)
      } else {
      }
      %mul3A_67 = arith.constant 4 : i32
      %mul3A_68 = arith.muli %scan3A_58, %mul3A_67 : i32
      %add3A_69 = arith.constant 0 : i32
      %add3A_70 = arith.addi %mul3A_68, %add3A_69 : i32
      %dma_start3A = arith.constant 0 : i32
      %dma_start3A_71 = tpu.memref_slice %arg9[%add3A_70, %dma_start3A] : memref<80x128xi32, #tpu.memory_space<vmem>> -> memref<1x128xi32, #tpu.memory_space<vmem>>
      %dma_start3A_72 = tpu.memref_squeeze %dma_start3A_71 : memref<1x128xi32, #tpu.memory_space<vmem>> -> memref<128xi32, #tpu.memory_space<vmem>>
      %dma_start3A_73 = arith.constant 0 : i32
      %dma_start3A_74 = arith.constant 0 : i32
      %dma_start3A_75 = tpu.memref_slice %arg15[%dma_start3A_73, %dma_start3A_74] : memref<10240x128xbf16, #tpu.memory_space<vmem_shared>> -> memref<10240x128xbf16, #tpu.memory_space<vmem_shared>>
      tpu.enqueue_indirect_dma source(%arg10 : memref<128x128xbf16, #tpu.memory_space<vmem>>) target(%dma_start3A_75 : memref<10240x128xbf16, #tpu.memory_space<vmem_shared>>) offsets(%dma_start3A_72 : memref<128xi32, #tpu.memory_space<vmem>>) semaphore(%arg17 : memref<!tpu.dma_semaphore, #tpu.memory_space<semaphore_mem>>) {add = true}
      %mul3A_76 = arith.constant 4 : i32
      %mul3A_77 = arith.muli %scan3A_58, %mul3A_76 : i32
      %add3A_78 = arith.constant 1 : i32
      %add3A_79 = arith.addi %mul3A_77, %add3A_78 : i32
      %dma_start3A_80 = arith.constant 0 : i32
      %dma_start3A_81 = tpu.memref_slice %arg9[%add3A_79, %dma_start3A_80] : memref<80x128xi32, #tpu.memory_space<vmem>> -> memref<1x128xi32, #tpu.memory_space<vmem>>
      %dma_start3A_82 = tpu.memref_squeeze %dma_start3A_81 : memref<1x128xi32, #tpu.memory_space<vmem>> -> memref<128xi32, #tpu.memory_space<vmem>>
      %dma_start3A_83 = arith.constant 0 : i32
      %dma_start3A_84 = arith.constant 0 : i32
      %dma_start3A_85 = tpu.memref_slice %arg15[%dma_start3A_83, %dma_start3A_84] : memref<10240x128xbf16, #tpu.memory_space<vmem_shared>> -> memref<10240x128xbf16, #tpu.memory_space<vmem_shared>>
      tpu.enqueue_indirect_dma source(%arg11 : memref<128x128xbf16, #tpu.memory_space<vmem>>) target(%dma_start3A_85 : memref<10240x128xbf16, #tpu.memory_space<vmem_shared>>) offsets(%dma_start3A_82 : memref<128xi32, #tpu.memory_space<vmem>>) semaphore(%arg17 : memref<!tpu.dma_semaphore, #tpu.memory_space<semaphore_mem>>) {add = true}
      %mul3A_86 = arith.constant 4 : i32
      %mul3A_87 = arith.muli %scan3A_58, %mul3A_86 : i32
      %add3A_88 = arith.constant 2 : i32
      %add3A_89 = arith.addi %mul3A_87, %add3A_88 : i32
      %dma_start3A_90 = arith.constant 0 : i32
      %dma_start3A_91 = tpu.memref_slice %arg9[%add3A_89, %dma_start3A_90] : memref<80x128xi32, #tpu.memory_space<vmem>> -> memref<1x128xi32, #tpu.memory_space<vmem>>
      %dma_start3A_92 = tpu.memref_squeeze %dma_start3A_91 : memref<1x128xi32, #tpu.memory_space<vmem>> -> memref<128xi32, #tpu.memory_space<vmem>>
      %dma_start3A_93 = arith.constant 0 : i32
      %dma_start3A_94 = arith.constant 0 : i32
      %dma_start3A_95 = tpu.memref_slice %arg15[%dma_start3A_93, %dma_start3A_94] : memref<10240x128xbf16, #tpu.memory_space<vmem_shared>> -> memref<10240x128xbf16, #tpu.memory_space<vmem_shared>>
      tpu.enqueue_indirect_dma source(%arg12 : memref<128x128xbf16, #tpu.memory_space<vmem>>) target(%dma_start3A_95 : memref<10240x128xbf16, #tpu.memory_space<vmem_shared>>) offsets(%dma_start3A_92 : memref<128xi32, #tpu.memory_space<vmem>>) semaphore(%arg17 : memref<!tpu.dma_semaphore, #tpu.memory_space<semaphore_mem>>) {add = true}
      %mul3A_96 = arith.constant 4 : i32
      %mul3A_97 = arith.muli %scan3A_58, %mul3A_96 : i32
      %add3A_98 = arith.constant 3 : i32
      %add3A_99 = arith.addi %mul3A_97, %add3A_98 : i32
      %dma_start3A_100 = arith.constant 0 : i32
      %dma_start3A_101 = tpu.memref_slice %arg9[%add3A_99, %dma_start3A_100] : memref<80x128xi32, #tpu.memory_space<vmem>> -> memref<1x128xi32, #tpu.memory_space<vmem>>
      %dma_start3A_102 = tpu.memref_squeeze %dma_start3A_101 : memref<1x128xi32, #tpu.memory_space<vmem>> -> memref<128xi32, #tpu.memory_space<vmem>>
      %dma_start3A_103 = arith.constant 0 : i32
      %dma_start3A_104 = arith.constant 0 : i32
      %dma_start3A_105 = tpu.memref_slice %arg15[%dma_start3A_103, %dma_start3A_104] : memref<10240x128xbf16, #tpu.memory_space<vmem_shared>> -> memref<10240x128xbf16, #tpu.memory_space<vmem_shared>>
      tpu.enqueue_indirect_dma source(%arg13 : memref<128x128xbf16, #tpu.memory_space<vmem>>) target(%dma_start3A_105 : memref<10240x128xbf16, #tpu.memory_space<vmem_shared>>) offsets(%dma_start3A_102 : memref<128xi32, #tpu.memory_space<vmem>>) semaphore(%arg17 : memref<!tpu.dma_semaphore, #tpu.memory_space<semaphore_mem>>) {add = true}
      %dma_wait3A = arith.constant 0 : i32
      %dma_wait3A_106 = tpu.memref_slice %arg9[%add3A_70, %dma_wait3A] : memref<80x128xi32, #tpu.memory_space<vmem>> -> memref<1x128xi32, #tpu.memory_space<vmem>>
      %dma_wait3A_107 = tpu.memref_squeeze %dma_wait3A_106 : memref<1x128xi32, #tpu.memory_space<vmem>> -> memref<128xi32, #tpu.memory_space<vmem>>
      %dma_wait3A_108 = arith.constant 0 : i32
      %dma_wait3A_109 = arith.constant 0 : i32
      %dma_wait3A_110 = tpu.memref_slice %arg15[%dma_wait3A_108, %dma_wait3A_109] : memref<10240x128xbf16, #tpu.memory_space<vmem_shared>> -> memref<10240x128xbf16, #tpu.memory_space<vmem_shared>>
      tpu.wait_indirect_dma semaphore(%arg17 : memref<!tpu.dma_semaphore, #tpu.memory_space<semaphore_mem>>) src(%arg10 : memref<128x128xbf16, #tpu.memory_space<vmem>>) dst(%dma_wait3A_110 : memref<10240x128xbf16, #tpu.memory_space<vmem_shared>>)
      %dma_wait3A_111 = arith.constant 0 : i32
      %dma_wait3A_112 = tpu.memref_slice %arg9[%add3A_79, %dma_wait3A_111] : memref<80x128xi32, #tpu.memory_space<vmem>> -> memref<1x128xi32, #tpu.memory_space<vmem>>
      %dma_wait3A_113 = tpu.memref_squeeze %dma_wait3A_112 : memref<1x128xi32, #tpu.memory_space<vmem>> -> memref<128xi32, #tpu.memory_space<vmem>>
      %dma_wait3A_114 = arith.constant 0 : i32
      %dma_wait3A_115 = arith.constant 0 : i32
      %dma_wait3A_116 = tpu.memref_slice %arg15[%dma_wait3A_114, %dma_wait3A_115] : memref<10240x128xbf16, #tpu.memory_space<vmem_shared>> -> memref<10240x128xbf16, #tpu.memory_space<vmem_shared>>
      tpu.wait_indirect_dma semaphore(%arg17 : memref<!tpu.dma_semaphore, #tpu.memory_space<semaphore_mem>>) src(%arg11 : memref<128x128xbf16, #tpu.memory_space<vmem>>) dst(%dma_wait3A_116 : memref<10240x128xbf16, #tpu.memory_space<vmem_shared>>)
      %dma_wait3A_117 = arith.constant 0 : i32
      %dma_wait3A_118 = tpu.memref_slice %arg9[%add3A_89, %dma_wait3A_117] : memref<80x128xi32, #tpu.memory_space<vmem>> -> memref<1x128xi32, #tpu.memory_space<vmem>>
      %dma_wait3A_119 = tpu.memref_squeeze %dma_wait3A_118 : memref<1x128xi32, #tpu.memory_space<vmem>> -> memref<128xi32, #tpu.memory_space<vmem>>
      %dma_wait3A_120 = arith.constant 0 : i32
      %dma_wait3A_121 = arith.constant 0 : i32
      %dma_wait3A_122 = tpu.memref_slice %arg15[%dma_wait3A_120, %dma_wait3A_121] : memref<10240x128xbf16, #tpu.memory_space<vmem_shared>> -> memref<10240x128xbf16, #tpu.memory_space<vmem_shared>>
      tpu.wait_indirect_dma semaphore(%arg17 : memref<!tpu.dma_semaphore, #tpu.memory_space<semaphore_mem>>) src(%arg12 : memref<128x128xbf16, #tpu.memory_space<vmem>>) dst(%dma_wait3A_122 : memref<10240x128xbf16, #tpu.memory_space<vmem_shared>>)
      %dma_wait3A_123 = arith.constant 0 : i32
      %dma_wait3A_124 = tpu.memref_slice %arg9[%add3A_99, %dma_wait3A_123] : memref<80x128xi32, #tpu.memory_space<vmem>> -> memref<1x128xi32, #tpu.memory_space<vmem>>
      %dma_wait3A_125 = tpu.memref_squeeze %dma_wait3A_124 : memref<1x128xi32, #tpu.memory_space<vmem>> -> memref<128xi32, #tpu.memory_space<vmem>>
      %dma_wait3A_126 = arith.constant 0 : i32
      %dma_wait3A_127 = arith.constant 0 : i32
      %dma_wait3A_128 = tpu.memref_slice %arg15[%dma_wait3A_126, %dma_wait3A_127] : memref<10240x128xbf16, #tpu.memory_space<vmem_shared>> -> memref<10240x128xbf16, #tpu.memory_space<vmem_shared>>
      tpu.wait_indirect_dma semaphore(%arg17 : memref<!tpu.dma_semaphore, #tpu.memory_space<semaphore_mem>>) src(%arg13 : memref<128x128xbf16, #tpu.memory_space<vmem>>) dst(%dma_wait3A_128 : memref<10240x128xbf16, #tpu.memory_space<vmem_shared>>)
      %scan3A_129 = arith.constant 0 : i32
      %scan3A_130 = arith.constant 0 : i32
      %scan3A_131 = arith.constant 32 : i32
      %scan3A_132 = arith.addi %scan3A_130, %scan3A_131 : i32
      %scan3A_133 = arith.constant 1 : i32
      %scan3A_134 = scf.for %scan3A_137 = %scan3A_130 to %scan3A_132 step %scan3A_133 iter_args(%scan3A_138 = %scan3A_129) -> (i32)  : i32 {
        %mul3A_139 = arith.constant 4 : i32
        %mul3A_140 = arith.muli %scan3A_58, %mul3A_139 : i32
        %jit3A = arith.constant 8 : i32
        %div3A = arith.divsi %scan3A_137, %jit3A : i32
        %sign3A = arith.constant 0 : i32
        %sign3A_141 = arith.cmpi sgt, %scan3A_137, %sign3A : i32
        %sign3A_142 = arith.extui %sign3A_141 : i1 to i32
        %sign3A_143 = arith.constant 0 : i32
        %sign3A_144 = arith.cmpi slt, %scan3A_137, %sign3A_143 : i32
        %sign3A_145 = arith.extui %sign3A_144 : i1 to i32
        %sign3A_146 = arith.subi %sign3A_142, %sign3A_145 : i32
        %sign3A_147 = arith.constant 0 : i32
        %sign3A_148 = arith.cmpi sgt, %jit3A, %sign3A_147 : i32
        %sign3A_149 = arith.extui %sign3A_148 : i1 to i32
        %sign3A_150 = arith.constant 0 : i32
        %sign3A_151 = arith.cmpi slt, %jit3A, %sign3A_150 : i32
        %sign3A_152 = arith.extui %sign3A_151 : i1 to i32
        %sign3A_153 = arith.subi %sign3A_149, %sign3A_152 : i32
        %ne3A = arith.cmpi ne, %sign3A_146, %sign3A_153 : i32
        %rem3A = arith.remsi %scan3A_137, %jit3A : i32
        %ne3A_154 = arith.constant 0 : i32
        %ne3A_155 = arith.cmpi ne, %rem3A, %ne3A_154 : i32
        %and3A = arith.andi %ne3A, %ne3A_155 : i1
        %sub3A = arith.constant 1 : i32
        %sub3A_156 = arith.subi %div3A, %sub3A : i32
        %select_n3A = arith.select %and3A, %sub3A_156, %div3A : i32
        %add3A_157 = arith.addi %mul3A_140, %select_n3A : i32
        %jit3A_158 = arith.constant 8 : i32
        %eq3A_159 = arith.constant 0 : i32
        %eq3A_160 = arith.cmpi eq, %jit3A_158, %eq3A_159 : i32
        %jit3A_161 = arith.constant 1 : i32
        %select_n3A_162 = arith.select %eq3A_160, %jit3A_161, %jit3A_158 : i32
        %rem3A_163 = arith.remsi %scan3A_137, %select_n3A_162 : i32
        %ne3A_164 = arith.constant 0 : i32
        %ne3A_165 = arith.cmpi ne, %rem3A_163, %ne3A_164 : i32
        %lt3A = arith.constant 0 : i32
        %lt3A_166 = arith.cmpi slt, %rem3A_163, %lt3A : i32
        %lt3A_167 = arith.constant 0 : i32
        %lt3A_168 = arith.cmpi slt, %select_n3A_162, %lt3A_167 : i32
        %ne3A_169 = arith.xori %lt3A_166, %lt3A_168 : i1
        %and3A_170 = arith.andi %ne3A_169, %ne3A_165 : i1
        %add3A_171 = arith.addi %rem3A_163, %select_n3A_162 : i32
        %select_n3A_172 = arith.select %and3A_170, %add3A_171, %rem3A_163 : i32
        %mul3A_173 = arith.constant 16 : i32
        %mul3A_174 = arith.muli %select_n3A_172, %mul3A_173 : i32
        %get3A = arith.index_cast %add3A_157 : i32 to index
        %get3A_175 = arith.index_cast %mul3A_174 : i32 to index
        %get3A_176 = tpu.vector_load %arg9[%get3A, %get3A_175] {strides = array<i32>} : memref<80x128xi32, #tpu.memory_space<vmem>>, vector<16xi32>,
        tpu.vector_store_idx %arg18[%get3A_176], %broadcast_in_dim3A_17 {add = true} : memref<10240xf32, #tpu.memory_space<vmem>>[vector<16xi32>], vector<16xf32>,
        %scan3A_177 = arith.constant 0 : i32
        scf.yield %scan3A_177 : i32
      }
      %scan3A_135 = arith.constant 32 : i32
      %scan3A_136 = arith.constant 0 : i32
      scf.yield %scan3A_136 : i32
    }
    %scan3A_52 = arith.constant 20 : i32
    %barrier3A_53 = arith.constant 0 : index
    tpu.barrier barrier_id(%barrier3A_53)
    %mul3A_54 = arith.constant 640 : i32
    %mul3A_55 = arith.muli %arg1, %mul3A_54 : i32
    %mul3A_56 = arith.constant 640 : i32
    %mul3A_57 = arith.muli %arg1, %mul3A_56 : i32
    "tpu.region"() ({
      %run_scoped3A = tpu.sem_alloc : memref<!tpu.dma_semaphore, #tpu.memory_space<semaphore_mem>>
      %dma_start3A = arith.constant 0 : i32
      %dma_start3A_58 = arith.constant 0 : i32
      %dma_start3A_59 = tpu.memref_slice %arg6[%arg0, %dma_start3A, %dma_start3A_58] : memref<2x10240x128xbf16, #tpu.memory_space<hbm>> -> memref<1x10240x128xbf16, #tpu.memory_space<hbm>>
      %dma_start3A_60 = tpu.memref_squeeze %dma_start3A_59 : memref<1x10240x128xbf16, #tpu.memory_space<hbm>> -> memref<10240x128xbf16, #tpu.memory_space<hbm>>
      %dma_start3A_61 = arith.constant 0 : i32
      %dma_start3A_62 = tpu.memref_slice %dma_start3A_60[%mul3A_57, %dma_start3A_61] : memref<10240x128xbf16, #tpu.memory_space<hbm>> -> memref<640x128xbf16, #tpu.memory_space<hbm>>
      %dma_start3A_63 = arith.constant 0 : i32
      %dma_start3A_64 = tpu.memref_slice %arg15[%mul3A_55, %dma_start3A_63] : memref<10240x128xbf16, #tpu.memory_space<vmem_shared>> -> memref<640x128xbf16, #tpu.memory_space<vmem_shared>>
      tpu.enqueue_dma source(%dma_start3A_64 : memref<640x128xbf16, #tpu.memory_space<vmem_shared>>) target(%dma_start3A_62 : memref<640x128xbf16, #tpu.memory_space<hbm>>) target_semaphore(%run_scoped3A : memref<!tpu.dma_semaphore, #tpu.memory_space<semaphore_mem>>)
      %dma_wait3A = arith.constant 0 : i32
      %dma_wait3A_65 = arith.constant 0 : i32
      %dma_wait3A_66 = tpu.memref_slice %arg6[%arg0, %dma_wait3A, %dma_wait3A_65] : memref<2x10240x128xbf16, #tpu.memory_space<hbm>> -> memref<1x10240x128xbf16, #tpu.memory_space<hbm>>
      %dma_wait3A_67 = tpu.memref_squeeze %dma_wait3A_66 : memref<1x10240x128xbf16, #tpu.memory_space<hbm>> -> memref<10240x128xbf16, #tpu.memory_space<hbm>>
      %dma_wait3A_68 = arith.constant 0 : i32
      %dma_wait3A_69 = tpu.memref_slice %dma_wait3A_67[%mul3A_57, %dma_wait3A_68] : memref<10240x128xbf16, #tpu.memory_space<hbm>> -> memref<640x128xbf16, #tpu.memory_space<hbm>>
      %dma_wait3A_70 = arith.constant 0 : i32
      %dma_wait3A_71 = tpu.memref_slice %arg15[%mul3A_55, %dma_wait3A_70] : memref<10240x128xbf16, #tpu.memory_space<vmem_shared>> -> memref<640x128xbf16, #tpu.memory_space<vmem_shared>>
      tpu.wait_dma2 semaphore(%run_scoped3A : memref<!tpu.dma_semaphore, #tpu.memory_space<semaphore_mem>>) src(%dma_wait3A_71 : memref<640x128xbf16, #tpu.memory_space<vmem_shared>>) dst(%dma_wait3A_69 : memref<640x128xbf16, #tpu.memory_space<hbm>>)
      tpu.yield
    }) : () -> ()
    "tpu.region"() ({
      %run_scoped3A = tpu.sem_alloc : memref<!tpu.dma_semaphore, #tpu.memory_space<semaphore_mem>>
      %dma_start3A = arith.constant 0 : i32
      %dma_start3A_58 = arith.constant 0 : i32
      %dma_start3A_59 = tpu.memref_slice %arg7[%arg0, %dma_start3A, %dma_start3A_58] : memref<2x16x10240xf32, #tpu.memory_space<hbm>> -> memref<1x16x10240xf32, #tpu.memory_space<hbm>>
      %dma_start3A_60 = tpu.memref_squeeze %dma_start3A_59 : memref<1x16x10240xf32, #tpu.memory_space<hbm>> -> memref<16x10240xf32, #tpu.memory_space<hbm>>
      %dma_start3A_61 = arith.constant 0 : i32
      %dma_start3A_62 = tpu.memref_slice %dma_start3A_60[%arg1, %dma_start3A_61] : memref<16x10240xf32, #tpu.memory_space<hbm>> -> memref<1x10240xf32, #tpu.memory_space<hbm>>
      %dma_start3A_63 = tpu.memref_squeeze %dma_start3A_62 : memref<1x10240xf32, #tpu.memory_space<hbm>> -> memref<10240xf32, #tpu.memory_space<hbm>>
      %dma_start3A_64 = arith.constant 0 : i32
      %dma_start3A_65 = arith.constant 0 : i32
      %dma_start3A_66 = tpu.memref_slice %arg7[%arg0, %dma_start3A_64, %dma_start3A_65] : memref<2x16x10240xf32, #tpu.memory_space<hbm>> -> memref<1x16x10240xf32, #tpu.memory_space<hbm>>
      %dma_start3A_67 = tpu.memref_squeeze %dma_start3A_66 : memref<1x16x10240xf32, #tpu.memory_space<hbm>> -> memref<16x10240xf32, #tpu.memory_space<hbm>>
      %dma_start3A_68 = arith.constant 0 : i32
      %dma_start3A_69 = tpu.memref_slice %dma_start3A_67[%arg1, %dma_start3A_68] : memref<16x10240xf32, #tpu.memory_space<hbm>> -> memref<1x10240xf32, #tpu.memory_space<hbm>>
      %dma_start3A_70 = tpu.memref_squeeze %dma_start3A_69 : memref<1x10240xf32, #tpu.memory_space<hbm>> -> memref<10240xf32, #tpu.memory_space<hbm>>
      tpu.enqueue_dma source(%arg18 : memref<10240xf32, #tpu.memory_space<vmem>>) target(%dma_start3A_70 : memref<10240xf32, #tpu.memory_space<hbm>>) target_semaphore(%run_scoped3A : memref<!tpu.dma_semaphore, #tpu.memory_space<semaphore_mem>>)
      %dma_wait3A = arith.constant 0 : i32
      %dma_wait3A_71 = arith.constant 0 : i32
      %dma_wait3A_72 = tpu.memref_slice %arg7[%arg0, %dma_wait3A, %dma_wait3A_71] : memref<2x16x10240xf32, #tpu.memory_space<hbm>> -> memref<1x16x10240xf32, #tpu.memory_space<hbm>>
      %dma_wait3A_73 = tpu.memref_squeeze %dma_wait3A_72 : memref<1x16x10240xf32, #tpu.memory_space<hbm>> -> memref<16x10240xf32, #tpu.memory_space<hbm>>
      %dma_wait3A_74 = arith.constant 0 : i32
      %dma_wait3A_75 = tpu.memref_slice %dma_wait3A_73[%arg1, %dma_wait3A_74] : memref<16x10240xf32, #tpu.memory_space<hbm>> -> memref<1x10240xf32, #tpu.memory_space<hbm>>
      %dma_wait3A_76 = tpu.memref_squeeze %dma_wait3A_75 : memref<1x10240xf32, #tpu.memory_space<hbm>> -> memref<10240xf32, #tpu.memory_space<hbm>>
      %dma_wait3A_77 = arith.constant 0 : i32
      %dma_wait3A_78 = arith.constant 0 : i32
      %dma_wait3A_79 = tpu.memref_slice %arg7[%arg0, %dma_wait3A_77, %dma_wait3A_78] : memref<2x16x10240xf32, #tpu.memory_space<hbm>> -> memref<1x16x10240xf32, #tpu.memory_space<hbm>>
      %dma_wait3A_80 = tpu.memref_squeeze %dma_wait3A_79 : memref<1x16x10240xf32, #tpu.memory_space<hbm>> -> memref<16x10240xf32, #tpu.memory_space<hbm>>
      %dma_wait3A_81 = arith.constant 0 : i32
      %dma_wait3A_82 = tpu.memref_slice %dma_wait3A_80[%arg1, %dma_wait3A_81] : memref<16x10240xf32, #tpu.memory_space<hbm>> -> memref<1x10240xf32, #tpu.memory_space<hbm>>
      %dma_wait3A_83 = tpu.memref_squeeze %dma_wait3A_82 : memref<1x10240xf32, #tpu.memory_space<hbm>> -> memref<10240xf32, #tpu.memory_space<hbm>>
      tpu.wait_dma2 semaphore(%run_scoped3A : memref<!tpu.dma_semaphore, #tpu.memory_space<semaphore_mem>>) src(%arg18 : memref<10240xf32, #tpu.memory_space<vmem>>) dst(%dma_wait3A_83 : memref<10240xf32, #tpu.memory_space<hbm>>)
      tpu.yield
    }) : () -> ()
    return
  }
}

#map = affine_map<(d0, d1) -> (0, 0)>
#map1 = affine_map<(d0, d1) -> (0, 0, 0)>
module attributes {stable_mosaic.version = 14 : i64} {
  func.func @body(%arg0: i32, %arg1: i32, %arg2: memref<10240x32xbf16, #tpu.memory_space<hbm>>, %arg3: memref<32x40x128xi32, #tpu.memory_space<hbm>>, %arg4: memref<32x40x128xi32, #tpu.memory_space<hbm>>, %arg5: memref<2x10240x32xbf16, #tpu.memory_space<hbm>>, %arg6: memref<40x128xi32, #tpu.memory_space<vmem>>, %arg7: memref<40x128xi32, #tpu.memory_space<vmem>>, %arg8: memref<128x32xbf16, #tpu.memory_space<vmem>>, %arg9: memref<128x32xbf16, #tpu.memory_space<vmem>>, %arg10: memref<128x32xbf16, #tpu.memory_space<vmem>>, %arg11: memref<128x32xbf16, #tpu.memory_space<vmem>>, %arg12: memref<320x32xbf16, #tpu.memory_space<vmem>>, %arg13: memref<10240x32xbf16, #tpu.memory_space<vmem_shared>>, %arg14: memref<!tpu.dma_semaphore, #tpu.memory_space<semaphore_mem>>, %arg15: memref<!tpu.dma_semaphore, #tpu.memory_space<semaphore_mem>>) attributes {dimension_semantics = [#tpu.dimension_semantics<core_parallel>, #tpu.dimension_semantics<subcore_parallel>], iteration_bounds = array<i64: 2, 16>, scalar_prefetch = 0 : i64, scratch_operands = 10 : i64, tpu.core_type = #tpu.core_type<sc_vector_subcore>, window_params = [{transform_indices = #map}, {transform_indices = #map1}, {transform_indices = #map1}, {transform_indices = #map1}]} {
    %mul3A = arith.constant 16 : i32
    %mul3A_0 = arith.muli %arg0, %mul3A : i32
    %add3A = arith.addi %mul3A_0, %arg1 : i32
    %broadcast_in_dim3A = arith.constant 0.000000e+00 : bf16
    %broadcast_in_dim3A_1 = vector.broadcast %broadcast_in_dim3A : bf16 to vector<32xbf16>
    %scan3A = arith.constant 0 : i32
    %scan3A_2 = arith.constant 0 : i32
    %scan3A_3 = arith.constant 320 : i32
    %scan3A_4 = arith.addi %scan3A_2, %scan3A_3 : i32
    %scan3A_5 = arith.constant 1 : i32
    %scan3A_6 = scf.for %scan3A_26 = %scan3A_2 to %scan3A_4 step %scan3A_5 iter_args(%scan3A_27 = %scan3A) -> (i32)  : i32 {
      %scan3A_28 = arith.constant 0 : i32
      %scan3A_29 = arith.constant 0 : i32
      %mul3A_30 = arith.constant 32 : i32
      %mul3A_31 = arith.muli %scan3A_29, %mul3A_30 : i32
      %swap3A = arith.index_cast %scan3A_26 : i32 to index
      %swap3A_32 = arith.index_cast %mul3A_31 : i32 to index
      %swap3A_33 = tpu.vector_load %arg12[%swap3A, %swap3A_32] {strides = array<i32>} : memref<320x32xbf16, #tpu.memory_space<vmem>>, vector<32xbf16>,
      tpu.vector_store %arg12[%swap3A, %swap3A_32], %broadcast_in_dim3A_1 {strides = array<i32>} : memref<320x32xbf16, #tpu.memory_space<vmem>>, vector<32xbf16>,
      %scan3A_34 = arith.constant 0 : i32
      %scan3A_35 = arith.constant 1 : i32
      scf.yield %scan3A_34 : i32
    }
    %scan3A_7 = arith.constant 320 : i32
    %mul3A_8 = arith.constant 320 : i32
    %mul3A_9 = arith.muli %arg1, %mul3A_8 : i32
    "tpu.region"() ({
      %run_scoped3A = tpu.sem_alloc : memref<!tpu.dma_semaphore, #tpu.memory_space<semaphore_mem>>
      %dma_start3A = arith.constant 0 : i32
      %dma_start3A_26 = tpu.memref_slice %arg13[%mul3A_9, %dma_start3A] : memref<10240x32xbf16, #tpu.memory_space<vmem_shared>> -> memref<320x32xbf16, #tpu.memory_space<vmem_shared>>
      %dma_start3A_27 = arith.constant 0 : i32
      %dma_start3A_28 = tpu.memref_slice %arg13[%mul3A_9, %dma_start3A_27] : memref<10240x32xbf16, #tpu.memory_space<vmem_shared>> -> memref<320x32xbf16, #tpu.memory_space<vmem_shared>>
      tpu.enqueue_dma source(%arg12 : memref<320x32xbf16, #tpu.memory_space<vmem>>) target(%dma_start3A_28 : memref<320x32xbf16, #tpu.memory_space<vmem_shared>>) target_semaphore(%run_scoped3A : memref<!tpu.dma_semaphore, #tpu.memory_space<semaphore_mem>>)
      %dma_wait3A = arith.constant 0 : i32
      %dma_wait3A_29 = tpu.memref_slice %arg13[%mul3A_9, %dma_wait3A] : memref<10240x32xbf16, #tpu.memory_space<vmem_shared>> -> memref<320x32xbf16, #tpu.memory_space<vmem_shared>>
      %dma_wait3A_30 = arith.constant 0 : i32
      %dma_wait3A_31 = tpu.memref_slice %arg13[%mul3A_9, %dma_wait3A_30] : memref<10240x32xbf16, #tpu.memory_space<vmem_shared>> -> memref<320x32xbf16, #tpu.memory_space<vmem_shared>>
      tpu.wait_dma2 semaphore(%run_scoped3A : memref<!tpu.dma_semaphore, #tpu.memory_space<semaphore_mem>>) src(%arg12 : memref<320x32xbf16, #tpu.memory_space<vmem>>) dst(%dma_wait3A_31 : memref<320x32xbf16, #tpu.memory_space<vmem_shared>>)
      tpu.yield
    }) : () -> ()
    %mul3A_10 = arith.constant 320 : i32
    %mul3A_11 = arith.muli %arg1, %mul3A_10 : i32
    %add3A_12 = arith.constant 5120 : i32
    %add3A_13 = arith.addi %add3A_12, %mul3A_11 : i32
    "tpu.region"() ({
      %run_scoped3A = tpu.sem_alloc : memref<!tpu.dma_semaphore, #tpu.memory_space<semaphore_mem>>
      %dma_start3A = arith.constant 0 : i32
      %dma_start3A_26 = tpu.memref_slice %arg13[%add3A_13, %dma_start3A] : memref<10240x32xbf16, #tpu.memory_space<vmem_shared>> -> memref<320x32xbf16, #tpu.memory_space<vmem_shared>>
      %dma_start3A_27 = arith.constant 0 : i32
      %dma_start3A_28 = tpu.memref_slice %arg13[%add3A_13, %dma_start3A_27] : memref<10240x32xbf16, #tpu.memory_space<vmem_shared>> -> memref<320x32xbf16, #tpu.memory_space<vmem_shared>>
      tpu.enqueue_dma source(%arg12 : memref<320x32xbf16, #tpu.memory_space<vmem>>) target(%dma_start3A_28 : memref<320x32xbf16, #tpu.memory_space<vmem_shared>>) target_semaphore(%run_scoped3A : memref<!tpu.dma_semaphore, #tpu.memory_space<semaphore_mem>>)
      %dma_wait3A = arith.constant 0 : i32
      %dma_wait3A_29 = tpu.memref_slice %arg13[%add3A_13, %dma_wait3A] : memref<10240x32xbf16, #tpu.memory_space<vmem_shared>> -> memref<320x32xbf16, #tpu.memory_space<vmem_shared>>
      %dma_wait3A_30 = arith.constant 0 : i32
      %dma_wait3A_31 = tpu.memref_slice %arg13[%add3A_13, %dma_wait3A_30] : memref<10240x32xbf16, #tpu.memory_space<vmem_shared>> -> memref<320x32xbf16, #tpu.memory_space<vmem_shared>>
      tpu.wait_dma2 semaphore(%run_scoped3A : memref<!tpu.dma_semaphore, #tpu.memory_space<semaphore_mem>>) src(%arg12 : memref<320x32xbf16, #tpu.memory_space<vmem>>) dst(%dma_wait3A_31 : memref<320x32xbf16, #tpu.memory_space<vmem_shared>>)
      tpu.yield
    }) : () -> ()
    "tpu.region"() ({
      %run_scoped3A = tpu.sem_alloc : memref<!tpu.dma_semaphore, #tpu.memory_space<semaphore_mem>>
      %dma_start3A = arith.constant 0 : i32
      %dma_start3A_26 = arith.constant 0 : i32
      %dma_start3A_27 = tpu.memref_slice %arg3[%add3A, %dma_start3A, %dma_start3A_26] : memref<32x40x128xi32, #tpu.memory_space<hbm>> -> memref<1x40x128xi32, #tpu.memory_space<hbm>>
      %dma_start3A_28 = tpu.memref_squeeze %dma_start3A_27 : memref<1x40x128xi32, #tpu.memory_space<hbm>> -> memref<40x128xi32, #tpu.memory_space<hbm>>
      %dma_start3A_29 = arith.constant 0 : i32
      %dma_start3A_30 = arith.constant 0 : i32
      %dma_start3A_31 = tpu.memref_slice %arg3[%add3A, %dma_start3A_29, %dma_start3A_30] : memref<32x40x128xi32, #tpu.memory_space<hbm>> -> memref<1x40x128xi32, #tpu.memory_space<hbm>>
      %dma_start3A_32 = tpu.memref_squeeze %dma_start3A_31 : memref<1x40x128xi32, #tpu.memory_space<hbm>> -> memref<40x128xi32, #tpu.memory_space<hbm>>
      tpu.enqueue_dma source(%dma_start3A_32 : memref<40x128xi32, #tpu.memory_space<hbm>>) target(%arg6 : memref<40x128xi32, #tpu.memory_space<vmem>>) target_semaphore(%run_scoped3A : memref<!tpu.dma_semaphore, #tpu.memory_space<semaphore_mem>>)
      %dma_wait3A = arith.constant 0 : i32
      %dma_wait3A_33 = arith.constant 0 : i32
      %dma_wait3A_34 = tpu.memref_slice %arg3[%add3A, %dma_wait3A, %dma_wait3A_33] : memref<32x40x128xi32, #tpu.memory_space<hbm>> -> memref<1x40x128xi32, #tpu.memory_space<hbm>>
      %dma_wait3A_35 = tpu.memref_squeeze %dma_wait3A_34 : memref<1x40x128xi32, #tpu.memory_space<hbm>> -> memref<40x128xi32, #tpu.memory_space<hbm>>
      %dma_wait3A_36 = arith.constant 0 : i32
      %dma_wait3A_37 = arith.constant 0 : i32
      %dma_wait3A_38 = tpu.memref_slice %arg3[%add3A, %dma_wait3A_36, %dma_wait3A_37] : memref<32x40x128xi32, #tpu.memory_space<hbm>> -> memref<1x40x128xi32, #tpu.memory_space<hbm>>
      %dma_wait3A_39 = tpu.memref_squeeze %dma_wait3A_38 : memref<1x40x128xi32, #tpu.memory_space<hbm>> -> memref<40x128xi32, #tpu.memory_space<hbm>>
      tpu.wait_dma2 semaphore(%run_scoped3A : memref<!tpu.dma_semaphore, #tpu.memory_space<semaphore_mem>>) src(%dma_wait3A_39 : memref<40x128xi32, #tpu.memory_space<hbm>>) dst(%arg6 : memref<40x128xi32, #tpu.memory_space<vmem>>)
      tpu.yield
    }) : () -> ()
    "tpu.region"() ({
      %run_scoped3A = tpu.sem_alloc : memref<!tpu.dma_semaphore, #tpu.memory_space<semaphore_mem>>
      %dma_start3A = arith.constant 0 : i32
      %dma_start3A_26 = arith.constant 0 : i32
      %dma_start3A_27 = tpu.memref_slice %arg4[%add3A, %dma_start3A, %dma_start3A_26] : memref<32x40x128xi32, #tpu.memory_space<hbm>> -> memref<1x40x128xi32, #tpu.memory_space<hbm>>
      %dma_start3A_28 = tpu.memref_squeeze %dma_start3A_27 : memref<1x40x128xi32, #tpu.memory_space<hbm>> -> memref<40x128xi32, #tpu.memory_space<hbm>>
      %dma_start3A_29 = arith.constant 0 : i32
      %dma_start3A_30 = arith.constant 0 : i32
      %dma_start3A_31 = tpu.memref_slice %arg4[%add3A, %dma_start3A_29, %dma_start3A_30] : memref<32x40x128xi32, #tpu.memory_space<hbm>> -> memref<1x40x128xi32, #tpu.memory_space<hbm>>
      %dma_start3A_32 = tpu.memref_squeeze %dma_start3A_31 : memref<1x40x128xi32, #tpu.memory_space<hbm>> -> memref<40x128xi32, #tpu.memory_space<hbm>>
      tpu.enqueue_dma source(%dma_start3A_32 : memref<40x128xi32, #tpu.memory_space<hbm>>) target(%arg7 : memref<40x128xi32, #tpu.memory_space<vmem>>) target_semaphore(%run_scoped3A : memref<!tpu.dma_semaphore, #tpu.memory_space<semaphore_mem>>)
      %dma_wait3A = arith.constant 0 : i32
      %dma_wait3A_33 = arith.constant 0 : i32
      %dma_wait3A_34 = tpu.memref_slice %arg4[%add3A, %dma_wait3A, %dma_wait3A_33] : memref<32x40x128xi32, #tpu.memory_space<hbm>> -> memref<1x40x128xi32, #tpu.memory_space<hbm>>
      %dma_wait3A_35 = tpu.memref_squeeze %dma_wait3A_34 : memref<1x40x128xi32, #tpu.memory_space<hbm>> -> memref<40x128xi32, #tpu.memory_space<hbm>>
      %dma_wait3A_36 = arith.constant 0 : i32
      %dma_wait3A_37 = arith.constant 0 : i32
      %dma_wait3A_38 = tpu.memref_slice %arg4[%add3A, %dma_wait3A_36, %dma_wait3A_37] : memref<32x40x128xi32, #tpu.memory_space<hbm>> -> memref<1x40x128xi32, #tpu.memory_space<hbm>>
      %dma_wait3A_39 = tpu.memref_squeeze %dma_wait3A_38 : memref<1x40x128xi32, #tpu.memory_space<hbm>> -> memref<40x128xi32, #tpu.memory_space<hbm>>
      tpu.wait_dma2 semaphore(%run_scoped3A : memref<!tpu.dma_semaphore, #tpu.memory_space<semaphore_mem>>) src(%dma_wait3A_39 : memref<40x128xi32, #tpu.memory_space<hbm>>) dst(%arg7 : memref<40x128xi32, #tpu.memory_space<vmem>>)
      tpu.yield
    }) : () -> ()
    %barrier3A = arith.constant 0 : index
    tpu.barrier barrier_id(%barrier3A)
    %scan3A_14 = arith.constant 0 : i32
    %scan3A_15 = arith.constant 0 : i32
    %scan3A_16 = arith.constant 10 : i32
    %scan3A_17 = arith.addi %scan3A_15, %scan3A_16 : i32
    %scan3A_18 = arith.constant 1 : i32
    %scan3A_19 = scf.for %scan3A_26 = %scan3A_15 to %scan3A_17 step %scan3A_18 iter_args(%scan3A_27 = %scan3A_14) -> (i32)  : i32 {
      %mul3A_28 = arith.constant 4 : i32
      %mul3A_29 = arith.muli %scan3A_26, %mul3A_28 : i32
      %add3A_30 = arith.constant 0 : i32
      %add3A_31 = arith.addi %mul3A_29, %add3A_30 : i32
      %dma_start3A = arith.constant 0 : i32
      %dma_start3A_32 = tpu.memref_slice %arg6[%add3A_31, %dma_start3A] : memref<40x128xi32, #tpu.memory_space<vmem>> -> memref<1x128xi32, #tpu.memory_space<vmem>>
      %dma_start3A_33 = tpu.memref_squeeze %dma_start3A_32 : memref<1x128xi32, #tpu.memory_space<vmem>> -> memref<128xi32, #tpu.memory_space<vmem>>
      %dma_start3A_34 = arith.constant 0 : i32
      %dma_start3A_35 = arith.constant 0 : i32
      %dma_start3A_36 = tpu.memref_slice %arg2[%dma_start3A_34, %dma_start3A_35] : memref<10240x32xbf16, #tpu.memory_space<hbm>> -> memref<10240x32xbf16, #tpu.memory_space<hbm>>
      tpu.enqueue_indirect_dma source(%dma_start3A_36 : memref<10240x32xbf16, #tpu.memory_space<hbm>>) target(%arg8 : memref<128x32xbf16, #tpu.memory_space<vmem>>) offsets(%dma_start3A_33 : memref<128xi32, #tpu.memory_space<vmem>>) semaphore(%arg14 : memref<!tpu.dma_semaphore, #tpu.memory_space<semaphore_mem>>)
      %mul3A_37 = arith.constant 4 : i32
      %mul3A_38 = arith.muli %scan3A_26, %mul3A_37 : i32
      %add3A_39 = arith.constant 1 : i32
      %add3A_40 = arith.addi %mul3A_38, %add3A_39 : i32
      %dma_start3A_41 = arith.constant 0 : i32
      %dma_start3A_42 = tpu.memref_slice %arg6[%add3A_40, %dma_start3A_41] : memref<40x128xi32, #tpu.memory_space<vmem>> -> memref<1x128xi32, #tpu.memory_space<vmem>>
      %dma_start3A_43 = tpu.memref_squeeze %dma_start3A_42 : memref<1x128xi32, #tpu.memory_space<vmem>> -> memref<128xi32, #tpu.memory_space<vmem>>
      %dma_start3A_44 = arith.constant 0 : i32
      %dma_start3A_45 = arith.constant 0 : i32
      %dma_start3A_46 = tpu.memref_slice %arg2[%dma_start3A_44, %dma_start3A_45] : memref<10240x32xbf16, #tpu.memory_space<hbm>> -> memref<10240x32xbf16, #tpu.memory_space<hbm>>
      tpu.enqueue_indirect_dma source(%dma_start3A_46 : memref<10240x32xbf16, #tpu.memory_space<hbm>>) target(%arg9 : memref<128x32xbf16, #tpu.memory_space<vmem>>) offsets(%dma_start3A_43 : memref<128xi32, #tpu.memory_space<vmem>>) semaphore(%arg14 : memref<!tpu.dma_semaphore, #tpu.memory_space<semaphore_mem>>)
      %mul3A_47 = arith.constant 4 : i32
      %mul3A_48 = arith.muli %scan3A_26, %mul3A_47 : i32
      %add3A_49 = arith.constant 2 : i32
      %add3A_50 = arith.addi %mul3A_48, %add3A_49 : i32
      %dma_start3A_51 = arith.constant 0 : i32
      %dma_start3A_52 = tpu.memref_slice %arg6[%add3A_50, %dma_start3A_51] : memref<40x128xi32, #tpu.memory_space<vmem>> -> memref<1x128xi32, #tpu.memory_space<vmem>>
      %dma_start3A_53 = tpu.memref_squeeze %dma_start3A_52 : memref<1x128xi32, #tpu.memory_space<vmem>> -> memref<128xi32, #tpu.memory_space<vmem>>
      %dma_start3A_54 = arith.constant 0 : i32
      %dma_start3A_55 = arith.constant 0 : i32
      %dma_start3A_56 = tpu.memref_slice %arg2[%dma_start3A_54, %dma_start3A_55] : memref<10240x32xbf16, #tpu.memory_space<hbm>> -> memref<10240x32xbf16, #tpu.memory_space<hbm>>
      tpu.enqueue_indirect_dma source(%dma_start3A_56 : memref<10240x32xbf16, #tpu.memory_space<hbm>>) target(%arg10 : memref<128x32xbf16, #tpu.memory_space<vmem>>) offsets(%dma_start3A_53 : memref<128xi32, #tpu.memory_space<vmem>>) semaphore(%arg14 : memref<!tpu.dma_semaphore, #tpu.memory_space<semaphore_mem>>)
      %mul3A_57 = arith.constant 4 : i32
      %mul3A_58 = arith.muli %scan3A_26, %mul3A_57 : i32
      %add3A_59 = arith.constant 3 : i32
      %add3A_60 = arith.addi %mul3A_58, %add3A_59 : i32
      %dma_start3A_61 = arith.constant 0 : i32
      %dma_start3A_62 = tpu.memref_slice %arg6[%add3A_60, %dma_start3A_61] : memref<40x128xi32, #tpu.memory_space<vmem>> -> memref<1x128xi32, #tpu.memory_space<vmem>>
      %dma_start3A_63 = tpu.memref_squeeze %dma_start3A_62 : memref<1x128xi32, #tpu.memory_space<vmem>> -> memref<128xi32, #tpu.memory_space<vmem>>
      %dma_start3A_64 = arith.constant 0 : i32
      %dma_start3A_65 = arith.constant 0 : i32
      %dma_start3A_66 = tpu.memref_slice %arg2[%dma_start3A_64, %dma_start3A_65] : memref<10240x32xbf16, #tpu.memory_space<hbm>> -> memref<10240x32xbf16, #tpu.memory_space<hbm>>
      tpu.enqueue_indirect_dma source(%dma_start3A_66 : memref<10240x32xbf16, #tpu.memory_space<hbm>>) target(%arg11 : memref<128x32xbf16, #tpu.memory_space<vmem>>) offsets(%dma_start3A_63 : memref<128xi32, #tpu.memory_space<vmem>>) semaphore(%arg14 : memref<!tpu.dma_semaphore, #tpu.memory_space<semaphore_mem>>)
      %dma_wait3A = arith.constant 0 : i32
      %dma_wait3A_67 = tpu.memref_slice %arg6[%add3A_31, %dma_wait3A] : memref<40x128xi32, #tpu.memory_space<vmem>> -> memref<1x128xi32, #tpu.memory_space<vmem>>
      %dma_wait3A_68 = tpu.memref_squeeze %dma_wait3A_67 : memref<1x128xi32, #tpu.memory_space<vmem>> -> memref<128xi32, #tpu.memory_space<vmem>>
      %dma_wait3A_69 = arith.constant 0 : i32
      %dma_wait3A_70 = arith.constant 0 : i32
      %dma_wait3A_71 = tpu.memref_slice %arg2[%dma_wait3A_69, %dma_wait3A_70] : memref<10240x32xbf16, #tpu.memory_space<hbm>> -> memref<10240x32xbf16, #tpu.memory_space<hbm>>
      tpu.wait_indirect_dma semaphore(%arg14 : memref<!tpu.dma_semaphore, #tpu.memory_space<semaphore_mem>>) src(%dma_wait3A_71 : memref<10240x32xbf16, #tpu.memory_space<hbm>>) dst(%arg8 : memref<128x32xbf16, #tpu.memory_space<vmem>>)
      %dma_wait3A_72 = arith.constant 0 : i32
      %dma_wait3A_73 = tpu.memref_slice %arg6[%add3A_40, %dma_wait3A_72] : memref<40x128xi32, #tpu.memory_space<vmem>> -> memref<1x128xi32, #tpu.memory_space<vmem>>
      %dma_wait3A_74 = tpu.memref_squeeze %dma_wait3A_73 : memref<1x128xi32, #tpu.memory_space<vmem>> -> memref<128xi32, #tpu.memory_space<vmem>>
      %dma_wait3A_75 = arith.constant 0 : i32
      %dma_wait3A_76 = arith.constant 0 : i32
      %dma_wait3A_77 = tpu.memref_slice %arg2[%dma_wait3A_75, %dma_wait3A_76] : memref<10240x32xbf16, #tpu.memory_space<hbm>> -> memref<10240x32xbf16, #tpu.memory_space<hbm>>
      tpu.wait_indirect_dma semaphore(%arg14 : memref<!tpu.dma_semaphore, #tpu.memory_space<semaphore_mem>>) src(%dma_wait3A_77 : memref<10240x32xbf16, #tpu.memory_space<hbm>>) dst(%arg9 : memref<128x32xbf16, #tpu.memory_space<vmem>>)
      %dma_wait3A_78 = arith.constant 0 : i32
      %dma_wait3A_79 = tpu.memref_slice %arg6[%add3A_50, %dma_wait3A_78] : memref<40x128xi32, #tpu.memory_space<vmem>> -> memref<1x128xi32, #tpu.memory_space<vmem>>
      %dma_wait3A_80 = tpu.memref_squeeze %dma_wait3A_79 : memref<1x128xi32, #tpu.memory_space<vmem>> -> memref<128xi32, #tpu.memory_space<vmem>>
      %dma_wait3A_81 = arith.constant 0 : i32
      %dma_wait3A_82 = arith.constant 0 : i32
      %dma_wait3A_83 = tpu.memref_slice %arg2[%dma_wait3A_81, %dma_wait3A_82] : memref<10240x32xbf16, #tpu.memory_space<hbm>> -> memref<10240x32xbf16, #tpu.memory_space<hbm>>
      tpu.wait_indirect_dma semaphore(%arg14 : memref<!tpu.dma_semaphore, #tpu.memory_space<semaphore_mem>>) src(%dma_wait3A_83 : memref<10240x32xbf16, #tpu.memory_space<hbm>>) dst(%arg10 : memref<128x32xbf16, #tpu.memory_space<vmem>>)
      %dma_wait3A_84 = arith.constant 0 : i32
      %dma_wait3A_85 = tpu.memref_slice %arg6[%add3A_60, %dma_wait3A_84] : memref<40x128xi32, #tpu.memory_space<vmem>> -> memref<1x128xi32, #tpu.memory_space<vmem>>
      %dma_wait3A_86 = tpu.memref_squeeze %dma_wait3A_85 : memref<1x128xi32, #tpu.memory_space<vmem>> -> memref<128xi32, #tpu.memory_space<vmem>>
      %dma_wait3A_87 = arith.constant 0 : i32
      %dma_wait3A_88 = arith.constant 0 : i32
      %dma_wait3A_89 = tpu.memref_slice %arg2[%dma_wait3A_87, %dma_wait3A_88] : memref<10240x32xbf16, #tpu.memory_space<hbm>> -> memref<10240x32xbf16, #tpu.memory_space<hbm>>
      tpu.wait_indirect_dma semaphore(%arg14 : memref<!tpu.dma_semaphore, #tpu.memory_space<semaphore_mem>>) src(%dma_wait3A_89 : memref<10240x32xbf16, #tpu.memory_space<hbm>>) dst(%arg11 : memref<128x32xbf16, #tpu.memory_space<vmem>>)
      %mul3A_90 = arith.constant 4 : i32
      %mul3A_91 = arith.muli %scan3A_26, %mul3A_90 : i32
      %add3A_92 = arith.constant 0 : i32
      %add3A_93 = arith.addi %mul3A_91, %add3A_92 : i32
      %dma_start3A_94 = arith.constant 0 : i32
      %dma_start3A_95 = tpu.memref_slice %arg7[%add3A_93, %dma_start3A_94] : memref<40x128xi32, #tpu.memory_space<vmem>> -> memref<1x128xi32, #tpu.memory_space<vmem>>
      %dma_start3A_96 = tpu.memref_squeeze %dma_start3A_95 : memref<1x128xi32, #tpu.memory_space<vmem>> -> memref<128xi32, #tpu.memory_space<vmem>>
      %dma_start3A_97 = arith.constant 0 : i32
      %dma_start3A_98 = arith.constant 0 : i32
      %dma_start3A_99 = tpu.memref_slice %arg13[%dma_start3A_97, %dma_start3A_98] : memref<10240x32xbf16, #tpu.memory_space<vmem_shared>> -> memref<10240x32xbf16, #tpu.memory_space<vmem_shared>>
      tpu.enqueue_indirect_dma source(%arg8 : memref<128x32xbf16, #tpu.memory_space<vmem>>) target(%dma_start3A_99 : memref<10240x32xbf16, #tpu.memory_space<vmem_shared>>) offsets(%dma_start3A_96 : memref<128xi32, #tpu.memory_space<vmem>>) semaphore(%arg15 : memref<!tpu.dma_semaphore, #tpu.memory_space<semaphore_mem>>) {add = true}
      %mul3A_100 = arith.constant 4 : i32
      %mul3A_101 = arith.muli %scan3A_26, %mul3A_100 : i32
      %add3A_102 = arith.constant 1 : i32
      %add3A_103 = arith.addi %mul3A_101, %add3A_102 : i32
      %dma_start3A_104 = arith.constant 0 : i32
      %dma_start3A_105 = tpu.memref_slice %arg7[%add3A_103, %dma_start3A_104] : memref<40x128xi32, #tpu.memory_space<vmem>> -> memref<1x128xi32, #tpu.memory_space<vmem>>
      %dma_start3A_106 = tpu.memref_squeeze %dma_start3A_105 : memref<1x128xi32, #tpu.memory_space<vmem>> -> memref<128xi32, #tpu.memory_space<vmem>>
      %dma_start3A_107 = arith.constant 0 : i32
      %dma_start3A_108 = arith.constant 0 : i32
      %dma_start3A_109 = tpu.memref_slice %arg13[%dma_start3A_107, %dma_start3A_108] : memref<10240x32xbf16, #tpu.memory_space<vmem_shared>> -> memref<10240x32xbf16, #tpu.memory_space<vmem_shared>>
      tpu.enqueue_indirect_dma source(%arg9 : memref<128x32xbf16, #tpu.memory_space<vmem>>) target(%dma_start3A_109 : memref<10240x32xbf16, #tpu.memory_space<vmem_shared>>) offsets(%dma_start3A_106 : memref<128xi32, #tpu.memory_space<vmem>>) semaphore(%arg15 : memref<!tpu.dma_semaphore, #tpu.memory_space<semaphore_mem>>) {add = true}
      %mul3A_110 = arith.constant 4 : i32
      %mul3A_111 = arith.muli %scan3A_26, %mul3A_110 : i32
      %add3A_112 = arith.constant 2 : i32
      %add3A_113 = arith.addi %mul3A_111, %add3A_112 : i32
      %dma_start3A_114 = arith.constant 0 : i32
      %dma_start3A_115 = tpu.memref_slice %arg7[%add3A_113, %dma_start3A_114] : memref<40x128xi32, #tpu.memory_space<vmem>> -> memref<1x128xi32, #tpu.memory_space<vmem>>
      %dma_start3A_116 = tpu.memref_squeeze %dma_start3A_115 : memref<1x128xi32, #tpu.memory_space<vmem>> -> memref<128xi32, #tpu.memory_space<vmem>>
      %dma_start3A_117 = arith.constant 0 : i32
      %dma_start3A_118 = arith.constant 0 : i32
      %dma_start3A_119 = tpu.memref_slice %arg13[%dma_start3A_117, %dma_start3A_118] : memref<10240x32xbf16, #tpu.memory_space<vmem_shared>> -> memref<10240x32xbf16, #tpu.memory_space<vmem_shared>>
      tpu.enqueue_indirect_dma source(%arg10 : memref<128x32xbf16, #tpu.memory_space<vmem>>) target(%dma_start3A_119 : memref<10240x32xbf16, #tpu.memory_space<vmem_shared>>) offsets(%dma_start3A_116 : memref<128xi32, #tpu.memory_space<vmem>>) semaphore(%arg15 : memref<!tpu.dma_semaphore, #tpu.memory_space<semaphore_mem>>) {add = true}
      %mul3A_120 = arith.constant 4 : i32
      %mul3A_121 = arith.muli %scan3A_26, %mul3A_120 : i32
      %add3A_122 = arith.constant 3 : i32
      %add3A_123 = arith.addi %mul3A_121, %add3A_122 : i32
      %dma_start3A_124 = arith.constant 0 : i32
      %dma_start3A_125 = tpu.memref_slice %arg7[%add3A_123, %dma_start3A_124] : memref<40x128xi32, #tpu.memory_space<vmem>> -> memref<1x128xi32, #tpu.memory_space<vmem>>
      %dma_start3A_126 = tpu.memref_squeeze %dma_start3A_125 : memref<1x128xi32, #tpu.memory_space<vmem>> -> memref<128xi32, #tpu.memory_space<vmem>>
      %dma_start3A_127 = arith.constant 0 : i32
      %dma_start3A_128 = arith.constant 0 : i32
      %dma_start3A_129 = tpu.memref_slice %arg13[%dma_start3A_127, %dma_start3A_128] : memref<10240x32xbf16, #tpu.memory_space<vmem_shared>> -> memref<10240x32xbf16, #tpu.memory_space<vmem_shared>>
      tpu.enqueue_indirect_dma source(%arg11 : memref<128x32xbf16, #tpu.memory_space<vmem>>) target(%dma_start3A_129 : memref<10240x32xbf16, #tpu.memory_space<vmem_shared>>) offsets(%dma_start3A_126 : memref<128xi32, #tpu.memory_space<vmem>>) semaphore(%arg15 : memref<!tpu.dma_semaphore, #tpu.memory_space<semaphore_mem>>) {add = true}
      %dma_wait3A_130 = arith.constant 0 : i32
      %dma_wait3A_131 = tpu.memref_slice %arg7[%add3A_93, %dma_wait3A_130] : memref<40x128xi32, #tpu.memory_space<vmem>> -> memref<1x128xi32, #tpu.memory_space<vmem>>
      %dma_wait3A_132 = tpu.memref_squeeze %dma_wait3A_131 : memref<1x128xi32, #tpu.memory_space<vmem>> -> memref<128xi32, #tpu.memory_space<vmem>>
      %dma_wait3A_133 = arith.constant 0 : i32
      %dma_wait3A_134 = arith.constant 0 : i32
      %dma_wait3A_135 = tpu.memref_slice %arg13[%dma_wait3A_133, %dma_wait3A_134] : memref<10240x32xbf16, #tpu.memory_space<vmem_shared>> -> memref<10240x32xbf16, #tpu.memory_space<vmem_shared>>
      tpu.wait_indirect_dma semaphore(%arg15 : memref<!tpu.dma_semaphore, #tpu.memory_space<semaphore_mem>>) src(%arg8 : memref<128x32xbf16, #tpu.memory_space<vmem>>) dst(%dma_wait3A_135 : memref<10240x32xbf16, #tpu.memory_space<vmem_shared>>)
      %dma_wait3A_136 = arith.constant 0 : i32
      %dma_wait3A_137 = tpu.memref_slice %arg7[%add3A_103, %dma_wait3A_136] : memref<40x128xi32, #tpu.memory_space<vmem>> -> memref<1x128xi32, #tpu.memory_space<vmem>>
      %dma_wait3A_138 = tpu.memref_squeeze %dma_wait3A_137 : memref<1x128xi32, #tpu.memory_space<vmem>> -> memref<128xi32, #tpu.memory_space<vmem>>
      %dma_wait3A_139 = arith.constant 0 : i32
      %dma_wait3A_140 = arith.constant 0 : i32
      %dma_wait3A_141 = tpu.memref_slice %arg13[%dma_wait3A_139, %dma_wait3A_140] : memref<10240x32xbf16, #tpu.memory_space<vmem_shared>> -> memref<10240x32xbf16, #tpu.memory_space<vmem_shared>>
      tpu.wait_indirect_dma semaphore(%arg15 : memref<!tpu.dma_semaphore, #tpu.memory_space<semaphore_mem>>) src(%arg9 : memref<128x32xbf16, #tpu.memory_space<vmem>>) dst(%dma_wait3A_141 : memref<10240x32xbf16, #tpu.memory_space<vmem_shared>>)
      %dma_wait3A_142 = arith.constant 0 : i32
      %dma_wait3A_143 = tpu.memref_slice %arg7[%add3A_113, %dma_wait3A_142] : memref<40x128xi32, #tpu.memory_space<vmem>> -> memref<1x128xi32, #tpu.memory_space<vmem>>
      %dma_wait3A_144 = tpu.memref_squeeze %dma_wait3A_143 : memref<1x128xi32, #tpu.memory_space<vmem>> -> memref<128xi32, #tpu.memory_space<vmem>>
      %dma_wait3A_145 = arith.constant 0 : i32
      %dma_wait3A_146 = arith.constant 0 : i32
      %dma_wait3A_147 = tpu.memref_slice %arg13[%dma_wait3A_145, %dma_wait3A_146] : memref<10240x32xbf16, #tpu.memory_space<vmem_shared>> -> memref<10240x32xbf16, #tpu.memory_space<vmem_shared>>
      tpu.wait_indirect_dma semaphore(%arg15 : memref<!tpu.dma_semaphore, #tpu.memory_space<semaphore_mem>>) src(%arg10 : memref<128x32xbf16, #tpu.memory_space<vmem>>) dst(%dma_wait3A_147 : memref<10240x32xbf16, #tpu.memory_space<vmem_shared>>)
      %dma_wait3A_148 = arith.constant 0 : i32
      %dma_wait3A_149 = tpu.memref_slice %arg7[%add3A_123, %dma_wait3A_148] : memref<40x128xi32, #tpu.memory_space<vmem>> -> memref<1x128xi32, #tpu.memory_space<vmem>>
      %dma_wait3A_150 = tpu.memref_squeeze %dma_wait3A_149 : memref<1x128xi32, #tpu.memory_space<vmem>> -> memref<128xi32, #tpu.memory_space<vmem>>
      %dma_wait3A_151 = arith.constant 0 : i32
      %dma_wait3A_152 = arith.constant 0 : i32
      %dma_wait3A_153 = tpu.memref_slice %arg13[%dma_wait3A_151, %dma_wait3A_152] : memref<10240x32xbf16, #tpu.memory_space<vmem_shared>> -> memref<10240x32xbf16, #tpu.memory_space<vmem_shared>>
      tpu.wait_indirect_dma semaphore(%arg15 : memref<!tpu.dma_semaphore, #tpu.memory_space<semaphore_mem>>) src(%arg11 : memref<128x32xbf16, #tpu.memory_space<vmem>>) dst(%dma_wait3A_153 : memref<10240x32xbf16, #tpu.memory_space<vmem_shared>>)
      %scan3A_154 = arith.constant 0 : i32
      scf.yield %scan3A_154 : i32
    }
    %scan3A_20 = arith.constant 10 : i32
    %barrier3A_21 = arith.constant 0 : index
    tpu.barrier barrier_id(%barrier3A_21)
    %mul3A_22 = arith.constant 640 : i32
    %mul3A_23 = arith.muli %arg1, %mul3A_22 : i32
    %mul3A_24 = arith.constant 640 : i32
    %mul3A_25 = arith.muli %arg1, %mul3A_24 : i32
    "tpu.region"() ({
      %run_scoped3A = tpu.sem_alloc : memref<!tpu.dma_semaphore, #tpu.memory_space<semaphore_mem>>
      %dma_start3A = arith.constant 0 : i32
      %dma_start3A_26 = arith.constant 0 : i32
      %dma_start3A_27 = tpu.memref_slice %arg5[%arg0, %dma_start3A, %dma_start3A_26] : memref<2x10240x32xbf16, #tpu.memory_space<hbm>> -> memref<1x10240x32xbf16, #tpu.memory_space<hbm>>
      %dma_start3A_28 = tpu.memref_squeeze %dma_start3A_27 : memref<1x10240x32xbf16, #tpu.memory_space<hbm>> -> memref<10240x32xbf16, #tpu.memory_space<hbm>>
      %dma_start3A_29 = arith.constant 0 : i32
      %dma_start3A_30 = tpu.memref_slice %dma_start3A_28[%mul3A_25, %dma_start3A_29] : memref<10240x32xbf16, #tpu.memory_space<hbm>> -> memref<640x32xbf16, #tpu.memory_space<hbm>>
      %dma_start3A_31 = arith.constant 0 : i32
      %dma_start3A_32 = tpu.memref_slice %arg13[%mul3A_23, %dma_start3A_31] : memref<10240x32xbf16, #tpu.memory_space<vmem_shared>> -> memref<640x32xbf16, #tpu.memory_space<vmem_shared>>
      tpu.enqueue_dma source(%dma_start3A_32 : memref<640x32xbf16, #tpu.memory_space<vmem_shared>>) target(%dma_start3A_30 : memref<640x32xbf16, #tpu.memory_space<hbm>>) target_semaphore(%run_scoped3A : memref<!tpu.dma_semaphore, #tpu.memory_space<semaphore_mem>>)
      %dma_wait3A = arith.constant 0 : i32
      %dma_wait3A_33 = arith.constant 0 : i32
      %dma_wait3A_34 = tpu.memref_slice %arg5[%arg0, %dma_wait3A, %dma_wait3A_33] : memref<2x10240x32xbf16, #tpu.memory_space<hbm>> -> memref<1x10240x32xbf16, #tpu.memory_space<hbm>>
      %dma_wait3A_35 = tpu.memref_squeeze %dma_wait3A_34 : memref<1x10240x32xbf16, #tpu.memory_space<hbm>> -> memref<10240x32xbf16, #tpu.memory_space<hbm>>
      %dma_wait3A_36 = arith.constant 0 : i32
      %dma_wait3A_37 = tpu.memref_slice %dma_wait3A_35[%mul3A_25, %dma_wait3A_36] : memref<10240x32xbf16, #tpu.memory_space<hbm>> -> memref<640x32xbf16, #tpu.memory_space<hbm>>
      %dma_wait3A_38 = arith.constant 0 : i32
      %dma_wait3A_39 = tpu.memref_slice %arg13[%mul3A_23, %dma_wait3A_38] : memref<10240x32xbf16, #tpu.memory_space<vmem_shared>> -> memref<640x32xbf16, #tpu.memory_space<vmem_shared>>
      tpu.wait_dma2 semaphore(%run_scoped3A : memref<!tpu.dma_semaphore, #tpu.memory_space<semaphore_mem>>) src(%dma_wait3A_39 : memref<640x32xbf16, #tpu.memory_space<vmem_shared>>) dst(%dma_wait3A_37 : memref<640x32xbf16, #tpu.memory_space<hbm>>)
      tpu.yield
    }) : () -> ()
    return
  }
}

#map = affine_map<(d0, d1) -> (0, 0)>
#map1 = affine_map<(d0, d1) -> (0, 0, 0)>
module attributes {stable_mosaic.version = 14 : i64} {
  func.func @body(%arg0: i32, %arg1: i32, %arg2: memref<10240x128xbf16, #tpu.memory_space<hbm>>, %arg3: memref<10240x128xbf16, #tpu.memory_space<hbm>>, %arg4: memref<16x80x128xi32, #tpu.memory_space<hbm>>, %arg5: memref<16x80x128xi32, #tpu.memory_space<hbm>>, %arg6: memref<2x10240x128xbf16, #tpu.memory_space<hbm>>, %arg7: memref<80x128xi32, #tpu.memory_space<vmem>>, %arg8: memref<80x128xi32, #tpu.memory_space<vmem>>, %arg9: memref<128x128xbf16, #tpu.memory_space<vmem>>, %arg10: memref<128x128xbf16, #tpu.memory_space<vmem>>, %arg11: memref<128x128xbf16, #tpu.memory_space<vmem>>, %arg12: memref<128x128xbf16, #tpu.memory_space<vmem>>, %arg13: memref<128x128xbf16, #tpu.memory_space<vmem>>, %arg14: memref<10240x128xbf16, #tpu.memory_space<vmem_shared>>, %arg15: memref<!tpu.dma_semaphore, #tpu.memory_space<semaphore_mem>>, %arg16: memref<!tpu.dma_semaphore, #tpu.memory_space<semaphore_mem>>) attributes {dimension_semantics = [#tpu.dimension_semantics<core_parallel>, #tpu.dimension_semantics<subcore_parallel>], iteration_bounds = array<i64: 2, 16>, scalar_prefetch = 0 : i64, scratch_operands = 10 : i64, tpu.core_type = #tpu.core_type<sc_vector_subcore>, window_params = [{transform_indices = #map}, {transform_indices = #map}, {transform_indices = #map1}, {transform_indices = #map1}, {transform_indices = #map1}]} {
    %broadcast_in_dim3A = arith.constant 0.000000e+00 : bf16
    %broadcast_in_dim3A_0 = vector.broadcast %broadcast_in_dim3A : bf16 to vector<32xbf16>
    %scan3A = arith.constant 0 : i32
    %scan3A_1 = arith.constant 0 : i32
    %scan3A_2 = arith.constant 128 : i32
    %scan3A_3 = arith.addi %scan3A_1, %scan3A_2 : i32
    %scan3A_4 = arith.constant 1 : i32
    %scan3A_5 = scf.for %scan3A_49 = %scan3A_1 to %scan3A_3 step %scan3A_4 iter_args(%scan3A_50 = %scan3A) -> (i32)  : i32 {
      %scan3A_51 = arith.constant 0 : i32
      %scan3A_52 = arith.constant 0 : i32
      %scan3A_53 = arith.constant 4 : i32
      %scan3A_54 = arith.addi %scan3A_52, %scan3A_53 : i32
      %scan3A_55 = arith.constant 1 : i32
      %scan3A_56 = scf.for %scan3A_58 = %scan3A_52 to %scan3A_54 step %scan3A_55 iter_args(%scan3A_59 = %scan3A_51) -> (i32)  : i32 {
        %mul3A_60 = arith.constant 32 : i32
        %mul3A_61 = arith.muli %scan3A_58, %mul3A_60 : i32
        %swap3A = arith.index_cast %scan3A_49 : i32 to index
        %swap3A_62 = arith.index_cast %mul3A_61 : i32 to index
        %swap3A_63 = tpu.vector_load %arg13[%swap3A, %swap3A_62] {strides = array<i32>} : memref<128x128xbf16, #tpu.memory_space<vmem>>, vector<32xbf16>,
        tpu.vector_store %arg13[%swap3A, %swap3A_62], %broadcast_in_dim3A_0 {strides = array<i32>} : memref<128x128xbf16, #tpu.memory_space<vmem>>, vector<32xbf16>,
        %scan3A_64 = arith.constant 0 : i32
        scf.yield %scan3A_64 : i32
      }
      %scan3A_57 = arith.constant 4 : i32
      scf.yield %scan3A_56 : i32
    }
    %scan3A_6 = arith.constant 128 : i32
    "tpu.region"() ({
      %run_scoped3A = tpu.sem_alloc : memref<!tpu.dma_semaphore, #tpu.memory_space<semaphore_mem>>
      %dma_start3A = arith.constant 0 : i32
      %dma_start3A_49 = arith.constant 0 : i32
      %dma_start3A_50 = tpu.memref_slice %arg4[%arg1, %dma_start3A, %dma_start3A_49] : memref<16x80x128xi32, #tpu.memory_space<hbm>> -> memref<1x80x128xi32, #tpu.memory_space<hbm>>
      %dma_start3A_51 = tpu.memref_squeeze %dma_start3A_50 : memref<1x80x128xi32, #tpu.memory_space<hbm>> -> memref<80x128xi32, #tpu.memory_space<hbm>>
      %dma_start3A_52 = arith.constant 0 : i32
      %dma_start3A_53 = arith.constant 0 : i32
      %dma_start3A_54 = tpu.memref_slice %arg4[%arg1, %dma_start3A_52, %dma_start3A_53] : memref<16x80x128xi32, #tpu.memory_space<hbm>> -> memref<1x80x128xi32, #tpu.memory_space<hbm>>
      %dma_start3A_55 = tpu.memref_squeeze %dma_start3A_54 : memref<1x80x128xi32, #tpu.memory_space<hbm>> -> memref<80x128xi32, #tpu.memory_space<hbm>>
      tpu.enqueue_dma source(%dma_start3A_55 : memref<80x128xi32, #tpu.memory_space<hbm>>) target(%arg7 : memref<80x128xi32, #tpu.memory_space<vmem>>) target_semaphore(%run_scoped3A : memref<!tpu.dma_semaphore, #tpu.memory_space<semaphore_mem>>)
      %dma_wait3A = arith.constant 0 : i32
      %dma_wait3A_56 = arith.constant 0 : i32
      %dma_wait3A_57 = tpu.memref_slice %arg4[%arg1, %dma_wait3A, %dma_wait3A_56] : memref<16x80x128xi32, #tpu.memory_space<hbm>> -> memref<1x80x128xi32, #tpu.memory_space<hbm>>
      %dma_wait3A_58 = tpu.memref_squeeze %dma_wait3A_57 : memref<1x80x128xi32, #tpu.memory_space<hbm>> -> memref<80x128xi32, #tpu.memory_space<hbm>>
      %dma_wait3A_59 = arith.constant 0 : i32
      %dma_wait3A_60 = arith.constant 0 : i32
      %dma_wait3A_61 = tpu.memref_slice %arg4[%arg1, %dma_wait3A_59, %dma_wait3A_60] : memref<16x80x128xi32, #tpu.memory_space<hbm>> -> memref<1x80x128xi32, #tpu.memory_space<hbm>>
      %dma_wait3A_62 = tpu.memref_squeeze %dma_wait3A_61 : memref<1x80x128xi32, #tpu.memory_space<hbm>> -> memref<80x128xi32, #tpu.memory_space<hbm>>
      tpu.wait_dma2 semaphore(%run_scoped3A : memref<!tpu.dma_semaphore, #tpu.memory_space<semaphore_mem>>) src(%dma_wait3A_62 : memref<80x128xi32, #tpu.memory_space<hbm>>) dst(%arg7 : memref<80x128xi32, #tpu.memory_space<vmem>>)
      tpu.yield
    }) : () -> ()
    "tpu.region"() ({
      %run_scoped3A = tpu.sem_alloc : memref<!tpu.dma_semaphore, #tpu.memory_space<semaphore_mem>>
      %dma_start3A = arith.constant 0 : i32
      %dma_start3A_49 = arith.constant 0 : i32
      %dma_start3A_50 = tpu.memref_slice %arg5[%arg1, %dma_start3A, %dma_start3A_49] : memref<16x80x128xi32, #tpu.memory_space<hbm>> -> memref<1x80x128xi32, #tpu.memory_space<hbm>>
      %dma_start3A_51 = tpu.memref_squeeze %dma_start3A_50 : memref<1x80x128xi32, #tpu.memory_space<hbm>> -> memref<80x128xi32, #tpu.memory_space<hbm>>
      %dma_start3A_52 = arith.constant 0 : i32
      %dma_start3A_53 = arith.constant 0 : i32
      %dma_start3A_54 = tpu.memref_slice %arg5[%arg1, %dma_start3A_52, %dma_start3A_53] : memref<16x80x128xi32, #tpu.memory_space<hbm>> -> memref<1x80x128xi32, #tpu.memory_space<hbm>>
      %dma_start3A_55 = tpu.memref_squeeze %dma_start3A_54 : memref<1x80x128xi32, #tpu.memory_space<hbm>> -> memref<80x128xi32, #tpu.memory_space<hbm>>
      tpu.enqueue_dma source(%dma_start3A_55 : memref<80x128xi32, #tpu.memory_space<hbm>>) target(%arg8 : memref<80x128xi32, #tpu.memory_space<vmem>>) target_semaphore(%run_scoped3A : memref<!tpu.dma_semaphore, #tpu.memory_space<semaphore_mem>>)
      %dma_wait3A = arith.constant 0 : i32
      %dma_wait3A_56 = arith.constant 0 : i32
      %dma_wait3A_57 = tpu.memref_slice %arg5[%arg1, %dma_wait3A, %dma_wait3A_56] : memref<16x80x128xi32, #tpu.memory_space<hbm>> -> memref<1x80x128xi32, #tpu.memory_space<hbm>>
      %dma_wait3A_58 = tpu.memref_squeeze %dma_wait3A_57 : memref<1x80x128xi32, #tpu.memory_space<hbm>> -> memref<80x128xi32, #tpu.memory_space<hbm>>
      %dma_wait3A_59 = arith.constant 0 : i32
      %dma_wait3A_60 = arith.constant 0 : i32
      %dma_wait3A_61 = tpu.memref_slice %arg5[%arg1, %dma_wait3A_59, %dma_wait3A_60] : memref<16x80x128xi32, #tpu.memory_space<hbm>> -> memref<1x80x128xi32, #tpu.memory_space<hbm>>
      %dma_wait3A_62 = tpu.memref_squeeze %dma_wait3A_61 : memref<1x80x128xi32, #tpu.memory_space<hbm>> -> memref<80x128xi32, #tpu.memory_space<hbm>>
      tpu.wait_dma2 semaphore(%run_scoped3A : memref<!tpu.dma_semaphore, #tpu.memory_space<semaphore_mem>>) src(%dma_wait3A_62 : memref<80x128xi32, #tpu.memory_space<hbm>>) dst(%arg8 : memref<80x128xi32, #tpu.memory_space<vmem>>)
      tpu.yield
    }) : () -> ()
    %broadcast_in_dim3A_7 = arith.constant 1.000000e+00 : f32
    %broadcast_in_dim3A_8 = vector.broadcast %broadcast_in_dim3A_7 : f32 to vector<16xf32>
    %mul3A = arith.constant 5 : i32
    %mul3A_9 = arith.muli %arg1, %mul3A : i32
    %add3A = arith.constant 0 : i32
    %add3A_10 = arith.addi %mul3A_9, %add3A : i32
    %mul3A_11 = arith.constant 128 : i32
    %mul3A_12 = arith.muli %add3A_10, %mul3A_11 : i32
    "tpu.region"() ({
      %run_scoped3A = tpu.sem_alloc : memref<!tpu.dma_semaphore, #tpu.memory_space<semaphore_mem>>
      %dma_start3A = arith.constant 0 : i32
      %dma_start3A_49 = tpu.memref_slice %arg14[%mul3A_12, %dma_start3A] : memref<10240x128xbf16, #tpu.memory_space<vmem_shared>> -> memref<128x128xbf16, #tpu.memory_space<vmem_shared>>
      %dma_start3A_50 = arith.constant 0 : i32
      %dma_start3A_51 = tpu.memref_slice %arg14[%mul3A_12, %dma_start3A_50] : memref<10240x128xbf16, #tpu.memory_space<vmem_shared>> -> memref<128x128xbf16, #tpu.memory_space<vmem_shared>>
      tpu.enqueue_dma source(%arg13 : memref<128x128xbf16, #tpu.memory_space<vmem>>) target(%dma_start3A_51 : memref<128x128xbf16, #tpu.memory_space<vmem_shared>>) target_semaphore(%run_scoped3A : memref<!tpu.dma_semaphore, #tpu.memory_space<semaphore_mem>>)
      %dma_wait3A = arith.constant 0 : i32
      %dma_wait3A_52 = tpu.memref_slice %arg14[%mul3A_12, %dma_wait3A] : memref<10240x128xbf16, #tpu.memory_space<vmem_shared>> -> memref<128x128xbf16, #tpu.memory_space<vmem_shared>>
      %dma_wait3A_53 = arith.constant 0 : i32
      %dma_wait3A_54 = tpu.memref_slice %arg14[%mul3A_12, %dma_wait3A_53] : memref<10240x128xbf16, #tpu.memory_space<vmem_shared>> -> memref<128x128xbf16, #tpu.memory_space<vmem_shared>>
      tpu.wait_dma2 semaphore(%run_scoped3A : memref<!tpu.dma_semaphore, #tpu.memory_space<semaphore_mem>>) src(%arg13 : memref<128x128xbf16, #tpu.memory_space<vmem>>) dst(%dma_wait3A_54 : memref<128x128xbf16, #tpu.memory_space<vmem_shared>>)
      tpu.yield
    }) : () -> ()
    %mul3A_13 = arith.constant 5 : i32
    %mul3A_14 = arith.muli %arg1, %mul3A_13 : i32
    %add3A_15 = arith.constant 1 : i32
    %add3A_16 = arith.addi %mul3A_14, %add3A_15 : i32
    %mul3A_17 = arith.constant 128 : i32
    %mul3A_18 = arith.muli %add3A_16, %mul3A_17 : i32
    "tpu.region"() ({
      %run_scoped3A = tpu.sem_alloc : memref<!tpu.dma_semaphore, #tpu.memory_space<semaphore_mem>>
      %dma_start3A = arith.constant 0 : i32
      %dma_start3A_49 = tpu.memref_slice %arg14[%mul3A_18, %dma_start3A] : memref<10240x128xbf16, #tpu.memory_space<vmem_shared>> -> memref<128x128xbf16, #tpu.memory_space<vmem_shared>>
      %dma_start3A_50 = arith.constant 0 : i32
      %dma_start3A_51 = tpu.memref_slice %arg14[%mul3A_18, %dma_start3A_50] : memref<10240x128xbf16, #tpu.memory_space<vmem_shared>> -> memref<128x128xbf16, #tpu.memory_space<vmem_shared>>
      tpu.enqueue_dma source(%arg13 : memref<128x128xbf16, #tpu.memory_space<vmem>>) target(%dma_start3A_51 : memref<128x128xbf16, #tpu.memory_space<vmem_shared>>) target_semaphore(%run_scoped3A : memref<!tpu.dma_semaphore, #tpu.memory_space<semaphore_mem>>)
      %dma_wait3A = arith.constant 0 : i32
      %dma_wait3A_52 = tpu.memref_slice %arg14[%mul3A_18, %dma_wait3A] : memref<10240x128xbf16, #tpu.memory_space<vmem_shared>> -> memref<128x128xbf16, #tpu.memory_space<vmem_shared>>
      %dma_wait3A_53 = arith.constant 0 : i32
      %dma_wait3A_54 = tpu.memref_slice %arg14[%mul3A_18, %dma_wait3A_53] : memref<10240x128xbf16, #tpu.memory_space<vmem_shared>> -> memref<128x128xbf16, #tpu.memory_space<vmem_shared>>
      tpu.wait_dma2 semaphore(%run_scoped3A : memref<!tpu.dma_semaphore, #tpu.memory_space<semaphore_mem>>) src(%arg13 : memref<128x128xbf16, #tpu.memory_space<vmem>>) dst(%dma_wait3A_54 : memref<128x128xbf16, #tpu.memory_space<vmem_shared>>)
      tpu.yield
    }) : () -> ()
    %mul3A_19 = arith.constant 5 : i32
    %mul3A_20 = arith.muli %arg1, %mul3A_19 : i32
    %add3A_21 = arith.constant 2 : i32
    %add3A_22 = arith.addi %mul3A_20, %add3A_21 : i32
    %mul3A_23 = arith.constant 128 : i32
    %mul3A_24 = arith.muli %add3A_22, %mul3A_23 : i32
    "tpu.region"() ({
      %run_scoped3A = tpu.sem_alloc : memref<!tpu.dma_semaphore, #tpu.memory_space<semaphore_mem>>
      %dma_start3A = arith.constant 0 : i32
      %dma_start3A_49 = tpu.memref_slice %arg14[%mul3A_24, %dma_start3A] : memref<10240x128xbf16, #tpu.memory_space<vmem_shared>> -> memref<128x128xbf16, #tpu.memory_space<vmem_shared>>
      %dma_start3A_50 = arith.constant 0 : i32
      %dma_start3A_51 = tpu.memref_slice %arg14[%mul3A_24, %dma_start3A_50] : memref<10240x128xbf16, #tpu.memory_space<vmem_shared>> -> memref<128x128xbf16, #tpu.memory_space<vmem_shared>>
      tpu.enqueue_dma source(%arg13 : memref<128x128xbf16, #tpu.memory_space<vmem>>) target(%dma_start3A_51 : memref<128x128xbf16, #tpu.memory_space<vmem_shared>>) target_semaphore(%run_scoped3A : memref<!tpu.dma_semaphore, #tpu.memory_space<semaphore_mem>>)
      %dma_wait3A = arith.constant 0 : i32
      %dma_wait3A_52 = tpu.memref_slice %arg14[%mul3A_24, %dma_wait3A] : memref<10240x128xbf16, #tpu.memory_space<vmem_shared>> -> memref<128x128xbf16, #tpu.memory_space<vmem_shared>>
      %dma_wait3A_53 = arith.constant 0 : i32
      %dma_wait3A_54 = tpu.memref_slice %arg14[%mul3A_24, %dma_wait3A_53] : memref<10240x128xbf16, #tpu.memory_space<vmem_shared>> -> memref<128x128xbf16, #tpu.memory_space<vmem_shared>>
      tpu.wait_dma2 semaphore(%run_scoped3A : memref<!tpu.dma_semaphore, #tpu.memory_space<semaphore_mem>>) src(%arg13 : memref<128x128xbf16, #tpu.memory_space<vmem>>) dst(%dma_wait3A_54 : memref<128x128xbf16, #tpu.memory_space<vmem_shared>>)
      tpu.yield
    }) : () -> ()
    %mul3A_25 = arith.constant 5 : i32
    %mul3A_26 = arith.muli %arg1, %mul3A_25 : i32
    %add3A_27 = arith.constant 3 : i32
    %add3A_28 = arith.addi %mul3A_26, %add3A_27 : i32
    %mul3A_29 = arith.constant 128 : i32
    %mul3A_30 = arith.muli %add3A_28, %mul3A_29 : i32
    "tpu.region"() ({
      %run_scoped3A = tpu.sem_alloc : memref<!tpu.dma_semaphore, #tpu.memory_space<semaphore_mem>>
      %dma_start3A = arith.constant 0 : i32
      %dma_start3A_49 = tpu.memref_slice %arg14[%mul3A_30, %dma_start3A] : memref<10240x128xbf16, #tpu.memory_space<vmem_shared>> -> memref<128x128xbf16, #tpu.memory_space<vmem_shared>>
      %dma_start3A_50 = arith.constant 0 : i32
      %dma_start3A_51 = tpu.memref_slice %arg14[%mul3A_30, %dma_start3A_50] : memref<10240x128xbf16, #tpu.memory_space<vmem_shared>> -> memref<128x128xbf16, #tpu.memory_space<vmem_shared>>
      tpu.enqueue_dma source(%arg13 : memref<128x128xbf16, #tpu.memory_space<vmem>>) target(%dma_start3A_51 : memref<128x128xbf16, #tpu.memory_space<vmem_shared>>) target_semaphore(%run_scoped3A : memref<!tpu.dma_semaphore, #tpu.memory_space<semaphore_mem>>)
      %dma_wait3A = arith.constant 0 : i32
      %dma_wait3A_52 = tpu.memref_slice %arg14[%mul3A_30, %dma_wait3A] : memref<10240x128xbf16, #tpu.memory_space<vmem_shared>> -> memref<128x128xbf16, #tpu.memory_space<vmem_shared>>
      %dma_wait3A_53 = arith.constant 0 : i32
      %dma_wait3A_54 = tpu.memref_slice %arg14[%mul3A_30, %dma_wait3A_53] : memref<10240x128xbf16, #tpu.memory_space<vmem_shared>> -> memref<128x128xbf16, #tpu.memory_space<vmem_shared>>
      tpu.wait_dma2 semaphore(%run_scoped3A : memref<!tpu.dma_semaphore, #tpu.memory_space<semaphore_mem>>) src(%arg13 : memref<128x128xbf16, #tpu.memory_space<vmem>>) dst(%dma_wait3A_54 : memref<128x128xbf16, #tpu.memory_space<vmem_shared>>)
      tpu.yield
    }) : () -> ()
    %mul3A_31 = arith.constant 5 : i32
    %mul3A_32 = arith.muli %arg1, %mul3A_31 : i32
    %add3A_33 = arith.constant 4 : i32
    %add3A_34 = arith.addi %mul3A_32, %add3A_33 : i32
    %mul3A_35 = arith.constant 128 : i32
    %mul3A_36 = arith.muli %add3A_34, %mul3A_35 : i32
    "tpu.region"() ({
      %run_scoped3A = tpu.sem_alloc : memref<!tpu.dma_semaphore, #tpu.memory_space<semaphore_mem>>
      %dma_start3A = arith.constant 0 : i32
      %dma_start3A_49 = tpu.memref_slice %arg14[%mul3A_36, %dma_start3A] : memref<10240x128xbf16, #tpu.memory_space<vmem_shared>> -> memref<128x128xbf16, #tpu.memory_space<vmem_shared>>
      %dma_start3A_50 = arith.constant 0 : i32
      %dma_start3A_51 = tpu.memref_slice %arg14[%mul3A_36, %dma_start3A_50] : memref<10240x128xbf16, #tpu.memory_space<vmem_shared>> -> memref<128x128xbf16, #tpu.memory_space<vmem_shared>>
      tpu.enqueue_dma source(%arg13 : memref<128x128xbf16, #tpu.memory_space<vmem>>) target(%dma_start3A_51 : memref<128x128xbf16, #tpu.memory_space<vmem_shared>>) target_semaphore(%run_scoped3A : memref<!tpu.dma_semaphore, #tpu.memory_space<semaphore_mem>>)
      %dma_wait3A = arith.constant 0 : i32
      %dma_wait3A_52 = tpu.memref_slice %arg14[%mul3A_36, %dma_wait3A] : memref<10240x128xbf16, #tpu.memory_space<vmem_shared>> -> memref<128x128xbf16, #tpu.memory_space<vmem_shared>>
      %dma_wait3A_53 = arith.constant 0 : i32
      %dma_wait3A_54 = tpu.memref_slice %arg14[%mul3A_36, %dma_wait3A_53] : memref<10240x128xbf16, #tpu.memory_space<vmem_shared>> -> memref<128x128xbf16, #tpu.memory_space<vmem_shared>>
      tpu.wait_dma2 semaphore(%run_scoped3A : memref<!tpu.dma_semaphore, #tpu.memory_space<semaphore_mem>>) src(%arg13 : memref<128x128xbf16, #tpu.memory_space<vmem>>) dst(%dma_wait3A_54 : memref<128x128xbf16, #tpu.memory_space<vmem_shared>>)
      tpu.yield
    }) : () -> ()
    %barrier3A = arith.constant 0 : index
    tpu.barrier barrier_id(%barrier3A)
    %scan3A_37 = arith.constant 0 : i32
    %scan3A_38 = arith.constant 0 : i32
    %scan3A_39 = arith.constant 20 : i32
    %scan3A_40 = arith.addi %scan3A_38, %scan3A_39 : i32
    %scan3A_41 = arith.constant 1 : i32
    %scan3A_42 = scf.for %scan3A_49 = %scan3A_38 to %scan3A_40 step %scan3A_41 iter_args(%scan3A_50 = %scan3A_37) -> (i32)  : i32 {
      %eq3A = arith.constant 0 : i32
      %eq3A_51 = arith.cmpi eq, %arg0, %eq3A : i32
      %convert_element_type3A = arith.extui %eq3A_51 : i1 to i32
      %cond3A = arith.constant 0 : i32
      %cond3A_52 = arith.cmpi ne, %convert_element_type3A, %cond3A : i32
      scf.if %cond3A_52 {
        %mul3A_121 = arith.constant 4 : i32
        %mul3A_122 = arith.muli %scan3A_49, %mul3A_121 : i32
        %add3A_123 = arith.constant 0 : i32
        %add3A_124 = arith.addi %mul3A_122, %add3A_123 : i32
        %dma_start3A_125 = arith.constant 0 : i32
        %dma_start3A_126 = tpu.memref_slice %arg7[%add3A_124, %dma_start3A_125] : memref<80x128xi32, #tpu.memory_space<vmem>> -> memref<1x128xi32, #tpu.memory_space<vmem>>
        %dma_start3A_127 = tpu.memref_squeeze %dma_start3A_126 : memref<1x128xi32, #tpu.memory_space<vmem>> -> memref<128xi32, #tpu.memory_space<vmem>>
        %dma_start3A_128 = arith.constant 0 : i32
        %dma_start3A_129 = arith.constant 0 : i32
        %dma_start3A_130 = tpu.memref_slice %arg2[%dma_start3A_128, %dma_start3A_129] : memref<10240x128xbf16, #tpu.memory_space<hbm>> -> memref<10240x128xbf16, #tpu.memory_space<hbm>>
        tpu.enqueue_indirect_dma source(%dma_start3A_130 : memref<10240x128xbf16, #tpu.memory_space<hbm>>) target(%arg9 : memref<128x128xbf16, #tpu.memory_space<vmem>>) offsets(%dma_start3A_127 : memref<128xi32, #tpu.memory_space<vmem>>) semaphore(%arg15 : memref<!tpu.dma_semaphore, #tpu.memory_space<semaphore_mem>>)
        %mul3A_131 = arith.constant 4 : i32
        %mul3A_132 = arith.muli %scan3A_49, %mul3A_131 : i32
        %add3A_133 = arith.constant 1 : i32
        %add3A_134 = arith.addi %mul3A_132, %add3A_133 : i32
        %dma_start3A_135 = arith.constant 0 : i32
        %dma_start3A_136 = tpu.memref_slice %arg7[%add3A_134, %dma_start3A_135] : memref<80x128xi32, #tpu.memory_space<vmem>> -> memref<1x128xi32, #tpu.memory_space<vmem>>
        %dma_start3A_137 = tpu.memref_squeeze %dma_start3A_136 : memref<1x128xi32, #tpu.memory_space<vmem>> -> memref<128xi32, #tpu.memory_space<vmem>>
        %dma_start3A_138 = arith.constant 0 : i32
        %dma_start3A_139 = arith.constant 0 : i32
        %dma_start3A_140 = tpu.memref_slice %arg2[%dma_start3A_138, %dma_start3A_139] : memref<10240x128xbf16, #tpu.memory_space<hbm>> -> memref<10240x128xbf16, #tpu.memory_space<hbm>>
        tpu.enqueue_indirect_dma source(%dma_start3A_140 : memref<10240x128xbf16, #tpu.memory_space<hbm>>) target(%arg10 : memref<128x128xbf16, #tpu.memory_space<vmem>>) offsets(%dma_start3A_137 : memref<128xi32, #tpu.memory_space<vmem>>) semaphore(%arg15 : memref<!tpu.dma_semaphore, #tpu.memory_space<semaphore_mem>>)
        %mul3A_141 = arith.constant 4 : i32
        %mul3A_142 = arith.muli %scan3A_49, %mul3A_141 : i32
        %add3A_143 = arith.constant 2 : i32
        %add3A_144 = arith.addi %mul3A_142, %add3A_143 : i32
        %dma_start3A_145 = arith.constant 0 : i32
        %dma_start3A_146 = tpu.memref_slice %arg7[%add3A_144, %dma_start3A_145] : memref<80x128xi32, #tpu.memory_space<vmem>> -> memref<1x128xi32, #tpu.memory_space<vmem>>
        %dma_start3A_147 = tpu.memref_squeeze %dma_start3A_146 : memref<1x128xi32, #tpu.memory_space<vmem>> -> memref<128xi32, #tpu.memory_space<vmem>>
        %dma_start3A_148 = arith.constant 0 : i32
        %dma_start3A_149 = arith.constant 0 : i32
        %dma_start3A_150 = tpu.memref_slice %arg2[%dma_start3A_148, %dma_start3A_149] : memref<10240x128xbf16, #tpu.memory_space<hbm>> -> memref<10240x128xbf16, #tpu.memory_space<hbm>>
        tpu.enqueue_indirect_dma source(%dma_start3A_150 : memref<10240x128xbf16, #tpu.memory_space<hbm>>) target(%arg11 : memref<128x128xbf16, #tpu.memory_space<vmem>>) offsets(%dma_start3A_147 : memref<128xi32, #tpu.memory_space<vmem>>) semaphore(%arg15 : memref<!tpu.dma_semaphore, #tpu.memory_space<semaphore_mem>>)
        %mul3A_151 = arith.constant 4 : i32
        %mul3A_152 = arith.muli %scan3A_49, %mul3A_151 : i32
        %add3A_153 = arith.constant 3 : i32
        %add3A_154 = arith.addi %mul3A_152, %add3A_153 : i32
        %dma_start3A_155 = arith.constant 0 : i32
        %dma_start3A_156 = tpu.memref_slice %arg7[%add3A_154, %dma_start3A_155] : memref<80x128xi32, #tpu.memory_space<vmem>> -> memref<1x128xi32, #tpu.memory_space<vmem>>
        %dma_start3A_157 = tpu.memref_squeeze %dma_start3A_156 : memref<1x128xi32, #tpu.memory_space<vmem>> -> memref<128xi32, #tpu.memory_space<vmem>>
        %dma_start3A_158 = arith.constant 0 : i32
        %dma_start3A_159 = arith.constant 0 : i32
        %dma_start3A_160 = tpu.memref_slice %arg2[%dma_start3A_158, %dma_start3A_159] : memref<10240x128xbf16, #tpu.memory_space<hbm>> -> memref<10240x128xbf16, #tpu.memory_space<hbm>>
        tpu.enqueue_indirect_dma source(%dma_start3A_160 : memref<10240x128xbf16, #tpu.memory_space<hbm>>) target(%arg12 : memref<128x128xbf16, #tpu.memory_space<vmem>>) offsets(%dma_start3A_157 : memref<128xi32, #tpu.memory_space<vmem>>) semaphore(%arg15 : memref<!tpu.dma_semaphore, #tpu.memory_space<semaphore_mem>>)
        %dma_wait3A_161 = arith.constant 0 : i32
        %dma_wait3A_162 = tpu.memref_slice %arg7[%add3A_124, %dma_wait3A_161] : memref<80x128xi32, #tpu.memory_space<vmem>> -> memref<1x128xi32, #tpu.memory_space<vmem>>
        %dma_wait3A_163 = tpu.memref_squeeze %dma_wait3A_162 : memref<1x128xi32, #tpu.memory_space<vmem>> -> memref<128xi32, #tpu.memory_space<vmem>>
        %dma_wait3A_164 = arith.constant 0 : i32
        %dma_wait3A_165 = arith.constant 0 : i32
        %dma_wait3A_166 = tpu.memref_slice %arg2[%dma_wait3A_164, %dma_wait3A_165] : memref<10240x128xbf16, #tpu.memory_space<hbm>> -> memref<10240x128xbf16, #tpu.memory_space<hbm>>
        tpu.wait_indirect_dma semaphore(%arg15 : memref<!tpu.dma_semaphore, #tpu.memory_space<semaphore_mem>>) src(%dma_wait3A_166 : memref<10240x128xbf16, #tpu.memory_space<hbm>>) dst(%arg9 : memref<128x128xbf16, #tpu.memory_space<vmem>>)
        %dma_wait3A_167 = arith.constant 0 : i32
        %dma_wait3A_168 = tpu.memref_slice %arg7[%add3A_134, %dma_wait3A_167] : memref<80x128xi32, #tpu.memory_space<vmem>> -> memref<1x128xi32, #tpu.memory_space<vmem>>
        %dma_wait3A_169 = tpu.memref_squeeze %dma_wait3A_168 : memref<1x128xi32, #tpu.memory_space<vmem>> -> memref<128xi32, #tpu.memory_space<vmem>>
        %dma_wait3A_170 = arith.constant 0 : i32
        %dma_wait3A_171 = arith.constant 0 : i32
        %dma_wait3A_172 = tpu.memref_slice %arg2[%dma_wait3A_170, %dma_wait3A_171] : memref<10240x128xbf16, #tpu.memory_space<hbm>> -> memref<10240x128xbf16, #tpu.memory_space<hbm>>
        tpu.wait_indirect_dma semaphore(%arg15 : memref<!tpu.dma_semaphore, #tpu.memory_space<semaphore_mem>>) src(%dma_wait3A_172 : memref<10240x128xbf16, #tpu.memory_space<hbm>>) dst(%arg10 : memref<128x128xbf16, #tpu.memory_space<vmem>>)
        %dma_wait3A_173 = arith.constant 0 : i32
        %dma_wait3A_174 = tpu.memref_slice %arg7[%add3A_144, %dma_wait3A_173] : memref<80x128xi32, #tpu.memory_space<vmem>> -> memref<1x128xi32, #tpu.memory_space<vmem>>
        %dma_wait3A_175 = tpu.memref_squeeze %dma_wait3A_174 : memref<1x128xi32, #tpu.memory_space<vmem>> -> memref<128xi32, #tpu.memory_space<vmem>>
        %dma_wait3A_176 = arith.constant 0 : i32
        %dma_wait3A_177 = arith.constant 0 : i32
        %dma_wait3A_178 = tpu.memref_slice %arg2[%dma_wait3A_176, %dma_wait3A_177] : memref<10240x128xbf16, #tpu.memory_space<hbm>> -> memref<10240x128xbf16, #tpu.memory_space<hbm>>
        tpu.wait_indirect_dma semaphore(%arg15 : memref<!tpu.dma_semaphore, #tpu.memory_space<semaphore_mem>>) src(%dma_wait3A_178 : memref<10240x128xbf16, #tpu.memory_space<hbm>>) dst(%arg11 : memref<128x128xbf16, #tpu.memory_space<vmem>>)
        %dma_wait3A_179 = arith.constant 0 : i32
        %dma_wait3A_180 = tpu.memref_slice %arg7[%add3A_154, %dma_wait3A_179] : memref<80x128xi32, #tpu.memory_space<vmem>> -> memref<1x128xi32, #tpu.memory_space<vmem>>
        %dma_wait3A_181 = tpu.memref_squeeze %dma_wait3A_180 : memref<1x128xi32, #tpu.memory_space<vmem>> -> memref<128xi32, #tpu.memory_space<vmem>>
        %dma_wait3A_182 = arith.constant 0 : i32
        %dma_wait3A_183 = arith.constant 0 : i32
        %dma_wait3A_184 = tpu.memref_slice %arg2[%dma_wait3A_182, %dma_wait3A_183] : memref<10240x128xbf16, #tpu.memory_space<hbm>> -> memref<10240x128xbf16, #tpu.memory_space<hbm>>
        tpu.wait_indirect_dma semaphore(%arg15 : memref<!tpu.dma_semaphore, #tpu.memory_space<semaphore_mem>>) src(%dma_wait3A_184 : memref<10240x128xbf16, #tpu.memory_space<hbm>>) dst(%arg12 : memref<128x128xbf16, #tpu.memory_space<vmem>>)
      } else {
      }
      %eq3A_53 = arith.constant 1 : i32
      %eq3A_54 = arith.cmpi eq, %arg0, %eq3A_53 : i32
      %convert_element_type3A_55 = arith.extui %eq3A_54 : i1 to i32
      %cond3A_56 = arith.constant 0 : i32
      %cond3A_57 = arith.cmpi ne, %convert_element_type3A_55, %cond3A_56 : i32
      scf.if %cond3A_57 {
        %mul3A_121 = arith.constant 4 : i32
        %mul3A_122 = arith.muli %scan3A_49, %mul3A_121 : i32
        %add3A_123 = arith.constant 0 : i32
        %add3A_124 = arith.addi %mul3A_122, %add3A_123 : i32
        %dma_start3A_125 = arith.constant 0 : i32
        %dma_start3A_126 = tpu.memref_slice %arg7[%add3A_124, %dma_start3A_125] : memref<80x128xi32, #tpu.memory_space<vmem>> -> memref<1x128xi32, #tpu.memory_space<vmem>>
        %dma_start3A_127 = tpu.memref_squeeze %dma_start3A_126 : memref<1x128xi32, #tpu.memory_space<vmem>> -> memref<128xi32, #tpu.memory_space<vmem>>
        %dma_start3A_128 = arith.constant 0 : i32
        %dma_start3A_129 = arith.constant 0 : i32
        %dma_start3A_130 = tpu.memref_slice %arg3[%dma_start3A_128, %dma_start3A_129] : memref<10240x128xbf16, #tpu.memory_space<hbm>> -> memref<10240x128xbf16, #tpu.memory_space<hbm>>
        tpu.enqueue_indirect_dma source(%dma_start3A_130 : memref<10240x128xbf16, #tpu.memory_space<hbm>>) target(%arg9 : memref<128x128xbf16, #tpu.memory_space<vmem>>) offsets(%dma_start3A_127 : memref<128xi32, #tpu.memory_space<vmem>>) semaphore(%arg15 : memref<!tpu.dma_semaphore, #tpu.memory_space<semaphore_mem>>)
        %mul3A_131 = arith.constant 4 : i32
        %mul3A_132 = arith.muli %scan3A_49, %mul3A_131 : i32
        %add3A_133 = arith.constant 1 : i32
        %add3A_134 = arith.addi %mul3A_132, %add3A_133 : i32
        %dma_start3A_135 = arith.constant 0 : i32
        %dma_start3A_136 = tpu.memref_slice %arg7[%add3A_134, %dma_start3A_135] : memref<80x128xi32, #tpu.memory_space<vmem>> -> memref<1x128xi32, #tpu.memory_space<vmem>>
        %dma_start3A_137 = tpu.memref_squeeze %dma_start3A_136 : memref<1x128xi32, #tpu.memory_space<vmem>> -> memref<128xi32, #tpu.memory_space<vmem>>
        %dma_start3A_138 = arith.constant 0 : i32
        %dma_start3A_139 = arith.constant 0 : i32
        %dma_start3A_140 = tpu.memref_slice %arg3[%dma_start3A_138, %dma_start3A_139] : memref<10240x128xbf16, #tpu.memory_space<hbm>> -> memref<10240x128xbf16, #tpu.memory_space<hbm>>
        tpu.enqueue_indirect_dma source(%dma_start3A_140 : memref<10240x128xbf16, #tpu.memory_space<hbm>>) target(%arg10 : memref<128x128xbf16, #tpu.memory_space<vmem>>) offsets(%dma_start3A_137 : memref<128xi32, #tpu.memory_space<vmem>>) semaphore(%arg15 : memref<!tpu.dma_semaphore, #tpu.memory_space<semaphore_mem>>)
        %mul3A_141 = arith.constant 4 : i32
        %mul3A_142 = arith.muli %scan3A_49, %mul3A_141 : i32
        %add3A_143 = arith.constant 2 : i32
        %add3A_144 = arith.addi %mul3A_142, %add3A_143 : i32
        %dma_start3A_145 = arith.constant 0 : i32
        %dma_start3A_146 = tpu.memref_slice %arg7[%add3A_144, %dma_start3A_145] : memref<80x128xi32, #tpu.memory_space<vmem>> -> memref<1x128xi32, #tpu.memory_space<vmem>>
        %dma_start3A_147 = tpu.memref_squeeze %dma_start3A_146 : memref<1x128xi32, #tpu.memory_space<vmem>> -> memref<128xi32, #tpu.memory_space<vmem>>
        %dma_start3A_148 = arith.constant 0 : i32
        %dma_start3A_149 = arith.constant 0 : i32
        %dma_start3A_150 = tpu.memref_slice %arg3[%dma_start3A_148, %dma_start3A_149] : memref<10240x128xbf16, #tpu.memory_space<hbm>> -> memref<10240x128xbf16, #tpu.memory_space<hbm>>
        tpu.enqueue_indirect_dma source(%dma_start3A_150 : memref<10240x128xbf16, #tpu.memory_space<hbm>>) target(%arg11 : memref<128x128xbf16, #tpu.memory_space<vmem>>) offsets(%dma_start3A_147 : memref<128xi32, #tpu.memory_space<vmem>>) semaphore(%arg15 : memref<!tpu.dma_semaphore, #tpu.memory_space<semaphore_mem>>)
        %mul3A_151 = arith.constant 4 : i32
        %mul3A_152 = arith.muli %scan3A_49, %mul3A_151 : i32
        %add3A_153 = arith.constant 3 : i32
        %add3A_154 = arith.addi %mul3A_152, %add3A_153 : i32
        %dma_start3A_155 = arith.constant 0 : i32
        %dma_start3A_156 = tpu.memref_slice %arg7[%add3A_154, %dma_start3A_155] : memref<80x128xi32, #tpu.memory_space<vmem>> -> memref<1x128xi32, #tpu.memory_space<vmem>>
        %dma_start3A_157 = tpu.memref_squeeze %dma_start3A_156 : memref<1x128xi32, #tpu.memory_space<vmem>> -> memref<128xi32, #tpu.memory_space<vmem>>
        %dma_start3A_158 = arith.constant 0 : i32
        %dma_start3A_159 = arith.constant 0 : i32
        %dma_start3A_160 = tpu.memref_slice %arg3[%dma_start3A_158, %dma_start3A_159] : memref<10240x128xbf16, #tpu.memory_space<hbm>> -> memref<10240x128xbf16, #tpu.memory_space<hbm>>
        tpu.enqueue_indirect_dma source(%dma_start3A_160 : memref<10240x128xbf16, #tpu.memory_space<hbm>>) target(%arg12 : memref<128x128xbf16, #tpu.memory_space<vmem>>) offsets(%dma_start3A_157 : memref<128xi32, #tpu.memory_space<vmem>>) semaphore(%arg15 : memref<!tpu.dma_semaphore, #tpu.memory_space<semaphore_mem>>)
        %dma_wait3A_161 = arith.constant 0 : i32
        %dma_wait3A_162 = tpu.memref_slice %arg7[%add3A_124, %dma_wait3A_161] : memref<80x128xi32, #tpu.memory_space<vmem>> -> memref<1x128xi32, #tpu.memory_space<vmem>>
        %dma_wait3A_163 = tpu.memref_squeeze %dma_wait3A_162 : memref<1x128xi32, #tpu.memory_space<vmem>> -> memref<128xi32, #tpu.memory_space<vmem>>
        %dma_wait3A_164 = arith.constant 0 : i32
        %dma_wait3A_165 = arith.constant 0 : i32
        %dma_wait3A_166 = tpu.memref_slice %arg3[%dma_wait3A_164, %dma_wait3A_165] : memref<10240x128xbf16, #tpu.memory_space<hbm>> -> memref<10240x128xbf16, #tpu.memory_space<hbm>>
        tpu.wait_indirect_dma semaphore(%arg15 : memref<!tpu.dma_semaphore, #tpu.memory_space<semaphore_mem>>) src(%dma_wait3A_166 : memref<10240x128xbf16, #tpu.memory_space<hbm>>) dst(%arg9 : memref<128x128xbf16, #tpu.memory_space<vmem>>)
        %dma_wait3A_167 = arith.constant 0 : i32
        %dma_wait3A_168 = tpu.memref_slice %arg7[%add3A_134, %dma_wait3A_167] : memref<80x128xi32, #tpu.memory_space<vmem>> -> memref<1x128xi32, #tpu.memory_space<vmem>>
        %dma_wait3A_169 = tpu.memref_squeeze %dma_wait3A_168 : memref<1x128xi32, #tpu.memory_space<vmem>> -> memref<128xi32, #tpu.memory_space<vmem>>
        %dma_wait3A_170 = arith.constant 0 : i32
        %dma_wait3A_171 = arith.constant 0 : i32
        %dma_wait3A_172 = tpu.memref_slice %arg3[%dma_wait3A_170, %dma_wait3A_171] : memref<10240x128xbf16, #tpu.memory_space<hbm>> -> memref<10240x128xbf16, #tpu.memory_space<hbm>>
        tpu.wait_indirect_dma semaphore(%arg15 : memref<!tpu.dma_semaphore, #tpu.memory_space<semaphore_mem>>) src(%dma_wait3A_172 : memref<10240x128xbf16, #tpu.memory_space<hbm>>) dst(%arg10 : memref<128x128xbf16, #tpu.memory_space<vmem>>)
        %dma_wait3A_173 = arith.constant 0 : i32
        %dma_wait3A_174 = tpu.memref_slice %arg7[%add3A_144, %dma_wait3A_173] : memref<80x128xi32, #tpu.memory_space<vmem>> -> memref<1x128xi32, #tpu.memory_space<vmem>>
        %dma_wait3A_175 = tpu.memref_squeeze %dma_wait3A_174 : memref<1x128xi32, #tpu.memory_space<vmem>> -> memref<128xi32, #tpu.memory_space<vmem>>
        %dma_wait3A_176 = arith.constant 0 : i32
        %dma_wait3A_177 = arith.constant 0 : i32
        %dma_wait3A_178 = tpu.memref_slice %arg3[%dma_wait3A_176, %dma_wait3A_177] : memref<10240x128xbf16, #tpu.memory_space<hbm>> -> memref<10240x128xbf16, #tpu.memory_space<hbm>>
        tpu.wait_indirect_dma semaphore(%arg15 : memref<!tpu.dma_semaphore, #tpu.memory_space<semaphore_mem>>) src(%dma_wait3A_178 : memref<10240x128xbf16, #tpu.memory_space<hbm>>) dst(%arg11 : memref<128x128xbf16, #tpu.memory_space<vmem>>)
        %dma_wait3A_179 = arith.constant 0 : i32
        %dma_wait3A_180 = tpu.memref_slice %arg7[%add3A_154, %dma_wait3A_179] : memref<80x128xi32, #tpu.memory_space<vmem>> -> memref<1x128xi32, #tpu.memory_space<vmem>>
        %dma_wait3A_181 = tpu.memref_squeeze %dma_wait3A_180 : memref<1x128xi32, #tpu.memory_space<vmem>> -> memref<128xi32, #tpu.memory_space<vmem>>
        %dma_wait3A_182 = arith.constant 0 : i32
        %dma_wait3A_183 = arith.constant 0 : i32
        %dma_wait3A_184 = tpu.memref_slice %arg3[%dma_wait3A_182, %dma_wait3A_183] : memref<10240x128xbf16, #tpu.memory_space<hbm>> -> memref<10240x128xbf16, #tpu.memory_space<hbm>>
        tpu.wait_indirect_dma semaphore(%arg15 : memref<!tpu.dma_semaphore, #tpu.memory_space<semaphore_mem>>) src(%dma_wait3A_184 : memref<10240x128xbf16, #tpu.memory_space<hbm>>) dst(%arg12 : memref<128x128xbf16, #tpu.memory_space<vmem>>)
      } else {
      }
      %mul3A_58 = arith.constant 4 : i32
      %mul3A_59 = arith.muli %scan3A_49, %mul3A_58 : i32
      %add3A_60 = arith.constant 0 : i32
      %add3A_61 = arith.addi %mul3A_59, %add3A_60 : i32
      %dma_start3A = arith.constant 0 : i32
      %dma_start3A_62 = tpu.memref_slice %arg8[%add3A_61, %dma_start3A] : memref<80x128xi32, #tpu.memory_space<vmem>> -> memref<1x128xi32, #tpu.memory_space<vmem>>
      %dma_start3A_63 = tpu.memref_squeeze %dma_start3A_62 : memref<1x128xi32, #tpu.memory_space<vmem>> -> memref<128xi32, #tpu.memory_space<vmem>>
      %dma_start3A_64 = arith.constant 0 : i32
      %dma_start3A_65 = arith.constant 0 : i32
      %dma_start3A_66 = tpu.memref_slice %arg14[%dma_start3A_64, %dma_start3A_65] : memref<10240x128xbf16, #tpu.memory_space<vmem_shared>> -> memref<10240x128xbf16, #tpu.memory_space<vmem_shared>>
      tpu.enqueue_indirect_dma source(%arg9 : memref<128x128xbf16, #tpu.memory_space<vmem>>) target(%dma_start3A_66 : memref<10240x128xbf16, #tpu.memory_space<vmem_shared>>) offsets(%dma_start3A_63 : memref<128xi32, #tpu.memory_space<vmem>>) semaphore(%arg16 : memref<!tpu.dma_semaphore, #tpu.memory_space<semaphore_mem>>) {add = true}
      %mul3A_67 = arith.constant 4 : i32
      %mul3A_68 = arith.muli %scan3A_49, %mul3A_67 : i32
      %add3A_69 = arith.constant 1 : i32
      %add3A_70 = arith.addi %mul3A_68, %add3A_69 : i32
      %dma_start3A_71 = arith.constant 0 : i32
      %dma_start3A_72 = tpu.memref_slice %arg8[%add3A_70, %dma_start3A_71] : memref<80x128xi32, #tpu.memory_space<vmem>> -> memref<1x128xi32, #tpu.memory_space<vmem>>
      %dma_start3A_73 = tpu.memref_squeeze %dma_start3A_72 : memref<1x128xi32, #tpu.memory_space<vmem>> -> memref<128xi32, #tpu.memory_space<vmem>>
      %dma_start3A_74 = arith.constant 0 : i32
      %dma_start3A_75 = arith.constant 0 : i32
      %dma_start3A_76 = tpu.memref_slice %arg14[%dma_start3A_74, %dma_start3A_75] : memref<10240x128xbf16, #tpu.memory_space<vmem_shared>> -> memref<10240x128xbf16, #tpu.memory_space<vmem_shared>>
      tpu.enqueue_indirect_dma source(%arg10 : memref<128x128xbf16, #tpu.memory_space<vmem>>) target(%dma_start3A_76 : memref<10240x128xbf16, #tpu.memory_space<vmem_shared>>) offsets(%dma_start3A_73 : memref<128xi32, #tpu.memory_space<vmem>>) semaphore(%arg16 : memref<!tpu.dma_semaphore, #tpu.memory_space<semaphore_mem>>) {add = true}
      %mul3A_77 = arith.constant 4 : i32
      %mul3A_78 = arith.muli %scan3A_49, %mul3A_77 : i32
      %add3A_79 = arith.constant 2 : i32
      %add3A_80 = arith.addi %mul3A_78, %add3A_79 : i32
      %dma_start3A_81 = arith.constant 0 : i32
      %dma_start3A_82 = tpu.memref_slice %arg8[%add3A_80, %dma_start3A_81] : memref<80x128xi32, #tpu.memory_space<vmem>> -> memref<1x128xi32, #tpu.memory_space<vmem>>
      %dma_start3A_83 = tpu.memref_squeeze %dma_start3A_82 : memref<1x128xi32, #tpu.memory_space<vmem>> -> memref<128xi32, #tpu.memory_space<vmem>>
      %dma_start3A_84 = arith.constant 0 : i32
      %dma_start3A_85 = arith.constant 0 : i32
      %dma_start3A_86 = tpu.memref_slice %arg14[%dma_start3A_84, %dma_start3A_85] : memref<10240x128xbf16, #tpu.memory_space<vmem_shared>> -> memref<10240x128xbf16, #tpu.memory_space<vmem_shared>>
      tpu.enqueue_indirect_dma source(%arg11 : memref<128x128xbf16, #tpu.memory_space<vmem>>) target(%dma_start3A_86 : memref<10240x128xbf16, #tpu.memory_space<vmem_shared>>) offsets(%dma_start3A_83 : memref<128xi32, #tpu.memory_space<vmem>>) semaphore(%arg16 : memref<!tpu.dma_semaphore, #tpu.memory_space<semaphore_mem>>) {add = true}
      %mul3A_87 = arith.constant 4 : i32
      %mul3A_88 = arith.muli %scan3A_49, %mul3A_87 : i32
      %add3A_89 = arith.constant 3 : i32
      %add3A_90 = arith.addi %mul3A_88, %add3A_89 : i32
      %dma_start3A_91 = arith.constant 0 : i32
      %dma_start3A_92 = tpu.memref_slice %arg8[%add3A_90, %dma_start3A_91] : memref<80x128xi32, #tpu.memory_space<vmem>> -> memref<1x128xi32, #tpu.memory_space<vmem>>
      %dma_start3A_93 = tpu.memref_squeeze %dma_start3A_92 : memref<1x128xi32, #tpu.memory_space<vmem>> -> memref<128xi32, #tpu.memory_space<vmem>>
      %dma_start3A_94 = arith.constant 0 : i32
      %dma_start3A_95 = arith.constant 0 : i32
      %dma_start3A_96 = tpu.memref_slice %arg14[%dma_start3A_94, %dma_start3A_95] : memref<10240x128xbf16, #tpu.memory_space<vmem_shared>> -> memref<10240x128xbf16, #tpu.memory_space<vmem_shared>>
      tpu.enqueue_indirect_dma source(%arg12 : memref<128x128xbf16, #tpu.memory_space<vmem>>) target(%dma_start3A_96 : memref<10240x128xbf16, #tpu.memory_space<vmem_shared>>) offsets(%dma_start3A_93 : memref<128xi32, #tpu.memory_space<vmem>>) semaphore(%arg16 : memref<!tpu.dma_semaphore, #tpu.memory_space<semaphore_mem>>) {add = true}
      %dma_wait3A = arith.constant 0 : i32
      %dma_wait3A_97 = tpu.memref_slice %arg8[%add3A_61, %dma_wait3A] : memref<80x128xi32, #tpu.memory_space<vmem>> -> memref<1x128xi32, #tpu.memory_space<vmem>>
      %dma_wait3A_98 = tpu.memref_squeeze %dma_wait3A_97 : memref<1x128xi32, #tpu.memory_space<vmem>> -> memref<128xi32, #tpu.memory_space<vmem>>
      %dma_wait3A_99 = arith.constant 0 : i32
      %dma_wait3A_100 = arith.constant 0 : i32
      %dma_wait3A_101 = tpu.memref_slice %arg14[%dma_wait3A_99, %dma_wait3A_100] : memref<10240x128xbf16, #tpu.memory_space<vmem_shared>> -> memref<10240x128xbf16, #tpu.memory_space<vmem_shared>>
      tpu.wait_indirect_dma semaphore(%arg16 : memref<!tpu.dma_semaphore, #tpu.memory_space<semaphore_mem>>) src(%arg9 : memref<128x128xbf16, #tpu.memory_space<vmem>>) dst(%dma_wait3A_101 : memref<10240x128xbf16, #tpu.memory_space<vmem_shared>>)
      %dma_wait3A_102 = arith.constant 0 : i32
      %dma_wait3A_103 = tpu.memref_slice %arg8[%add3A_70, %dma_wait3A_102] : memref<80x128xi32, #tpu.memory_space<vmem>> -> memref<1x128xi32, #tpu.memory_space<vmem>>
      %dma_wait3A_104 = tpu.memref_squeeze %dma_wait3A_103 : memref<1x128xi32, #tpu.memory_space<vmem>> -> memref<128xi32, #tpu.memory_space<vmem>>
      %dma_wait3A_105 = arith.constant 0 : i32
      %dma_wait3A_106 = arith.constant 0 : i32
      %dma_wait3A_107 = tpu.memref_slice %arg14[%dma_wait3A_105, %dma_wait3A_106] : memref<10240x128xbf16, #tpu.memory_space<vmem_shared>> -> memref<10240x128xbf16, #tpu.memory_space<vmem_shared>>
      tpu.wait_indirect_dma semaphore(%arg16 : memref<!tpu.dma_semaphore, #tpu.memory_space<semaphore_mem>>) src(%arg10 : memref<128x128xbf16, #tpu.memory_space<vmem>>) dst(%dma_wait3A_107 : memref<10240x128xbf16, #tpu.memory_space<vmem_shared>>)
      %dma_wait3A_108 = arith.constant 0 : i32
      %dma_wait3A_109 = tpu.memref_slice %arg8[%add3A_80, %dma_wait3A_108] : memref<80x128xi32, #tpu.memory_space<vmem>> -> memref<1x128xi32, #tpu.memory_space<vmem>>
      %dma_wait3A_110 = tpu.memref_squeeze %dma_wait3A_109 : memref<1x128xi32, #tpu.memory_space<vmem>> -> memref<128xi32, #tpu.memory_space<vmem>>
      %dma_wait3A_111 = arith.constant 0 : i32
      %dma_wait3A_112 = arith.constant 0 : i32
      %dma_wait3A_113 = tpu.memref_slice %arg14[%dma_wait3A_111, %dma_wait3A_112] : memref<10240x128xbf16, #tpu.memory_space<vmem_shared>> -> memref<10240x128xbf16, #tpu.memory_space<vmem_shared>>
      tpu.wait_indirect_dma semaphore(%arg16 : memref<!tpu.dma_semaphore, #tpu.memory_space<semaphore_mem>>) src(%arg11 : memref<128x128xbf16, #tpu.memory_space<vmem>>) dst(%dma_wait3A_113 : memref<10240x128xbf16, #tpu.memory_space<vmem_shared>>)
      %dma_wait3A_114 = arith.constant 0 : i32
      %dma_wait3A_115 = tpu.memref_slice %arg8[%add3A_90, %dma_wait3A_114] : memref<80x128xi32, #tpu.memory_space<vmem>> -> memref<1x128xi32, #tpu.memory_space<vmem>>
      %dma_wait3A_116 = tpu.memref_squeeze %dma_wait3A_115 : memref<1x128xi32, #tpu.memory_space<vmem>> -> memref<128xi32, #tpu.memory_space<vmem>>
      %dma_wait3A_117 = arith.constant 0 : i32
      %dma_wait3A_118 = arith.constant 0 : i32
      %dma_wait3A_119 = tpu.memref_slice %arg14[%dma_wait3A_117, %dma_wait3A_118] : memref<10240x128xbf16, #tpu.memory_space<vmem_shared>> -> memref<10240x128xbf16, #tpu.memory_space<vmem_shared>>
      tpu.wait_indirect_dma semaphore(%arg16 : memref<!tpu.dma_semaphore, #tpu.memory_space<semaphore_mem>>) src(%arg12 : memref<128x128xbf16, #tpu.memory_space<vmem>>) dst(%dma_wait3A_119 : memref<10240x128xbf16, #tpu.memory_space<vmem_shared>>)
      %scan3A_120 = arith.constant 0 : i32
      scf.yield %scan3A_120 : i32
    }
    %scan3A_43 = arith.constant 20 : i32
    %barrier3A_44 = arith.constant 0 : index
    tpu.barrier barrier_id(%barrier3A_44)
    %mul3A_45 = arith.constant 640 : i32
    %mul3A_46 = arith.muli %arg1, %mul3A_45 : i32
    %mul3A_47 = arith.constant 640 : i32
    %mul3A_48 = arith.muli %arg1, %mul3A_47 : i32
    "tpu.region"() ({
      %run_scoped3A = tpu.sem_alloc : memref<!tpu.dma_semaphore, #tpu.memory_space<semaphore_mem>>
      %dma_start3A = arith.constant 0 : i32
      %dma_start3A_49 = arith.constant 0 : i32
      %dma_start3A_50 = tpu.memref_slice %arg6[%arg0, %dma_start3A, %dma_start3A_49] : memref<2x10240x128xbf16, #tpu.memory_space<hbm>> -> memref<1x10240x128xbf16, #tpu.memory_space<hbm>>
      %dma_start3A_51 = tpu.memref_squeeze %dma_start3A_50 : memref<1x10240x128xbf16, #tpu.memory_space<hbm>> -> memref<10240x128xbf16, #tpu.memory_space<hbm>>
      %dma_start3A_52 = arith.constant 0 : i32
      %dma_start3A_53 = tpu.memref_slice %dma_start3A_51[%mul3A_48, %dma_start3A_52] : memref<10240x128xbf16, #tpu.memory_space<hbm>> -> memref<640x128xbf16, #tpu.memory_space<hbm>>
      %dma_start3A_54 = arith.constant 0 : i32
      %dma_start3A_55 = tpu.memref_slice %arg14[%mul3A_46, %dma_start3A_54] : memref<10240x128xbf16, #tpu.memory_space<vmem_shared>> -> memref<640x128xbf16, #tpu.memory_space<vmem_shared>>
      tpu.enqueue_dma source(%dma_start3A_55 : memref<640x128xbf16, #tpu.memory_space<vmem_shared>>) target(%dma_start3A_53 : memref<640x128xbf16, #tpu.memory_space<hbm>>) target_semaphore(%run_scoped3A : memref<!tpu.dma_semaphore, #tpu.memory_space<semaphore_mem>>)
      %dma_wait3A = arith.constant 0 : i32
      %dma_wait3A_56 = arith.constant 0 : i32
      %dma_wait3A_57 = tpu.memref_slice %arg6[%arg0, %dma_wait3A, %dma_wait3A_56] : memref<2x10240x128xbf16, #tpu.memory_space<hbm>> -> memref<1x10240x128xbf16, #tpu.memory_space<hbm>>
      %dma_wait3A_58 = tpu.memref_squeeze %dma_wait3A_57 : memref<1x10240x128xbf16, #tpu.memory_space<hbm>> -> memref<10240x128xbf16, #tpu.memory_space<hbm>>
      %dma_wait3A_59 = arith.constant 0 : i32
      %dma_wait3A_60 = tpu.memref_slice %dma_wait3A_58[%mul3A_48, %dma_wait3A_59] : memref<10240x128xbf16, #tpu.memory_space<hbm>> -> memref<640x128xbf16, #tpu.memory_space<hbm>>
      %dma_wait3A_61 = arith.constant 0 : i32
      %dma_wait3A_62 = tpu.memref_slice %arg14[%mul3A_46, %dma_wait3A_61] : memref<10240x128xbf16, #tpu.memory_space<vmem_shared>> -> memref<640x128xbf16, #tpu.memory_space<vmem_shared>>
      tpu.wait_dma2 semaphore(%run_scoped3A : memref<!tpu.dma_semaphore, #tpu.memory_space<semaphore_mem>>) src(%dma_wait3A_62 : memref<640x128xbf16, #tpu.memory_space<vmem_shared>>) dst(%dma_wait3A_60 : memref<640x128xbf16, #tpu.memory_space<hbm>>)
      tpu.yield
    }) : () -> ()
    return
  }
}

module attributes {stable_mosaic.version = 14 : i64} {
  func.func @_t1_body(%arg0: i32, %arg1: memref<2560x256xf32, #tpu.memory_space<vmem>>, %arg2: memref<2x2560x128xbf16, #tpu.memory_space<vmem>>, %arg3: memref<16x2560xf32, #tpu.memory_space<vmem>>, %arg4: memref<2x128x256xf32, #tpu.memory_space<vmem>>, %arg5: memref<256x256xf32, #tpu.memory_space<vmem>>, %arg6: memref<1x256xf32, #tpu.memory_space<vmem>>, %arg7: memref<256x32xf32, #tpu.memory_space<vmem>>, %arg8: memref<256x32xf32, #tpu.memory_space<vmem>>, %arg9: memref<1x32xf32, #tpu.memory_space<vmem>>, %arg10: memref<2560x32xbf16, #tpu.memory_space<vmem>>, %arg11: memref<2560x32xf32, #tpu.memory_space<vmem>>, %arg12: memref<2560x1xf32, #tpu.memory_space<vmem>>) attributes {dimension_semantics = [#tpu.dimension_semantics<arbitrary>], iteration_bounds = array<i64: 4>, scalar_prefetch = 0 : i64, scratch_operands = 0 : i64, tpu.core_type = #tpu.core_type<tc>, window_params = [{transform_indices = @transform_0, window_bounds = array<i64: 2560, 256>}, {transform_indices = @transform_1, window_bounds = array<i64: 2, 2560, 128>}, {transform_indices = @transform_2, window_bounds = array<i64: 16, 2560>}, {pipeline_mode = #tpu.pipeline_mode<synchronous>, transform_indices = @transform_3, window_bounds = array<i64: 2, 128, 256>}, {pipeline_mode = #tpu.pipeline_mode<synchronous>, transform_indices = @transform_4, window_bounds = array<i64: 256, 256>}, {pipeline_mode = #tpu.pipeline_mode<synchronous>, transform_indices = @transform_5, window_bounds = array<i64: 1, 256>}, {pipeline_mode = #tpu.pipeline_mode<synchronous>, transform_indices = @transform_6, window_bounds = array<i64: 256, 32>}, {pipeline_mode = #tpu.pipeline_mode<synchronous>, transform_indices = @transform_7, window_bounds = array<i64: 256, 32>}, {pipeline_mode = #tpu.pipeline_mode<synchronous>, transform_indices = @transform_8, window_bounds = array<i64: 1, 32>}, {transform_indices = @transform_9, window_bounds = array<i64: 2560, 32>}, {transform_indices = @transform_10, window_bounds = array<i64: 2560, 32>}, {transform_indices = @transform_11, window_bounds = array<i64: 2560, 1>}]} {
    %get3A = arith.constant 0 : index
    %get3A_0 = arith.constant 0 : index
    %get3A_1 = vector.load %arg3[%get3A, %get3A_0] : memref<16x2560xf32, #tpu.memory_space<vmem>>, vector<16x2560xf32>
    %reduce_sum3A = arith.constant dense<0.000000e+00> : vector<2560xf32>
    %reduce_sum3A_2 = vector.multi_reduction <add>, %get3A_1, %reduce_sum3A [0] : vector<16x2560xf32> to vector<2560xf32>
    %jit3A = arith.constant 1.000000e+00 : f32
    %max3A = vector.broadcast %jit3A : f32 to vector<2560xf32>
    %max3A_3 = arith.maximumf %max3A, %reduce_sum3A_2 : vector<2560xf32>
    %div3A = arith.constant 1.000000e+00 : f32
    %div3A_4 = vector.broadcast %div3A : f32 to vector<2560xf32>
    %div3A_5 = arith.divf %div3A_4, %max3A_3 : vector<2560xf32>
    %broadcast_in_dim3A = vector.shape_cast %div3A_5 : vector<2560xf32> to vector<2560x1xf32>
    %get3A_6 = arith.constant 0 : index
    %get3A_7 = arith.constant 0 : index
    %get3A_8 = arith.constant 0 : index
    %get3A_9 = vector.load %arg2[%get3A_6, %get3A_7, %get3A_8] : memref<2x2560x128xbf16, #tpu.memory_space<vmem>>, vector<1x2560x128xbf16>
    %get3A_10 = vector.shape_cast %get3A_9 : vector<1x2560x128xbf16> to vector<2560x128xbf16>
    %convert_element_type3A = arith.extf %get3A_10 : vector<2560x128xbf16> to vector<2560x128xf32>
    %get3A_11 = arith.constant 0 : index
    %get3A_12 = arith.constant 0 : index
    %get3A_13 = arith.constant 0 : index
    %get3A_14 = vector.load %arg4[%get3A_11, %get3A_12, %get3A_13] : memref<2x128x256xf32, #tpu.memory_space<vmem>>, vector<1x128x256xf32>
    %get3A_15 = vector.shape_cast %get3A_14 : vector<1x128x256xf32> to vector<128x256xf32>
    %dot_general3A = arith.constant dense<0.000000e+00> : vector<2560x256xf32>
    %dot_general3A_16 = tpu.matmul %convert_element_type3A, %get3A_15, %dot_general3A {dimension_numbers = #tpu.dot_dimension_numbers<[1], [0], [0], [1], [0, 0, 1, 1], [], []>, transpose_lhs_hint = false} : vector<2560x128xf32>, vector<128x256xf32>, vector<2560x256xf32> -> vector<2560x256xf32>
    %add3A = arith.constant 0.000000e+00 : f32
    %add3A_17 = vector.broadcast %add3A : f32 to vector<2560x256xf32>
    %add3A_18 = arith.addf %add3A_17, %dot_general3A_16 : vector<2560x256xf32>
    %get3A_19 = arith.constant 1 : index
    %get3A_20 = arith.constant 0 : index
    %get3A_21 = arith.constant 0 : index
    %get3A_22 = vector.load %arg2[%get3A_19, %get3A_20, %get3A_21] : memref<2x2560x128xbf16, #tpu.memory_space<vmem>>, vector<1x2560x128xbf16>
    %get3A_23 = vector.shape_cast %get3A_22 : vector<1x2560x128xbf16> to vector<2560x128xbf16>
    %convert_element_type3A_24 = arith.extf %get3A_23 : vector<2560x128xbf16> to vector<2560x128xf32>
    %get3A_25 = arith.constant 1 : index
    %get3A_26 = arith.constant 0 : index
    %get3A_27 = arith.constant 0 : index
    %get3A_28 = vector.load %arg4[%get3A_25, %get3A_26, %get3A_27] : memref<2x128x256xf32, #tpu.memory_space<vmem>>, vector<1x128x256xf32>
    %get3A_29 = vector.shape_cast %get3A_28 : vector<1x128x256xf32> to vector<128x256xf32>
    %dot_general3A_30 = arith.constant dense<0.000000e+00> : vector<2560x256xf32>
    %dot_general3A_31 = tpu.matmul %convert_element_type3A_24, %get3A_29, %dot_general3A_30 {dimension_numbers = #tpu.dot_dimension_numbers<[1], [0], [0], [1], [0, 0, 1, 1], [], []>, transpose_lhs_hint = false} : vector<2560x128xf32>, vector<128x256xf32>, vector<2560x256xf32> -> vector<2560x256xf32>
    %add3A_32 = arith.addf %add3A_18, %dot_general3A_31 : vector<2560x256xf32>
    %mul3A = vector.broadcast %broadcast_in_dim3A : vector<2560x1xf32> to vector<2560x256xf32>
    %mul3A_33 = arith.mulf %add3A_32, %mul3A : vector<2560x256xf32>
    %get3A_34 = arith.constant 0 : index
    %get3A_35 = arith.constant 0 : index
    %get3A_36 = vector.load %arg1[%get3A_34, %get3A_35] : memref<2560x256xf32, #tpu.memory_space<vmem>>, vector<2560x256xf32>
    %get3A_37 = arith.constant 0 : index
    %get3A_38 = arith.constant 0 : index
    %get3A_39 = vector.load %arg5[%get3A_37, %get3A_38] : memref<256x256xf32, #tpu.memory_space<vmem>>, vector<256x256xf32>
    %dot_general3A_40 = arith.constant dense<0.000000e+00> : vector<2560x256xf32>
    %dot_general3A_41 = tpu.matmul %get3A_36, %get3A_39, %dot_general3A_40 {dimension_numbers = #tpu.dot_dimension_numbers<[1], [0], [0], [1], [0, 0, 1, 1], [], []>, transpose_lhs_hint = false} : vector<2560x256xf32>, vector<256x256xf32>, vector<2560x256xf32> -> vector<2560x256xf32>
    %add3A_42 = arith.addf %mul3A_33, %dot_general3A_41 : vector<2560x256xf32>
    %get3A_43 = arith.constant 0 : index
    %get3A_44 = arith.constant 0 : index
    %get3A_45 = vector.load %arg6[%get3A_43, %get3A_44] : memref<1x256xf32, #tpu.memory_space<vmem>>, vector<1x256xf32>
    %add3A_46 = vector.broadcast %get3A_45 : vector<1x256xf32> to vector<2560x256xf32>
    %add3A_47 = arith.addf %add3A_42, %add3A_46 : vector<2560x256xf32>
    %max3A_48 = arith.constant 0.000000e+00 : f32
    %max3A_49 = vector.broadcast %max3A_48 : f32 to vector<2560x256xf32>
    %max3A_50 = arith.maximumf %add3A_47, %max3A_49 : vector<2560x256xf32>
    %get3A_51 = arith.constant 0 : index
    %get3A_52 = arith.constant 0 : index
    %get3A_53 = vector.load %arg7[%get3A_51, %get3A_52] : memref<256x32xf32, #tpu.memory_space<vmem>>, vector<256x32xf32>
    %dot_general3A_54 = arith.constant dense<0.000000e+00> : vector<2560x32xf32>
    %dot_general3A_55 = tpu.matmul %max3A_50, %get3A_53, %dot_general3A_54 {dimension_numbers = #tpu.dot_dimension_numbers<[1], [0], [0], [1], [0, 0, 1, 1], [], []>, transpose_lhs_hint = false} : vector<2560x256xf32>, vector<256x32xf32>, vector<2560x32xf32> -> vector<2560x32xf32>
    %convert_element_type3A_56 = arith.truncf %dot_general3A_55 : vector<2560x32xf32> to vector<2560x32xbf16>
    %swap3A = arith.constant 0 : index
    %swap3A_57 = arith.constant 0 : index
    %swap3A_58 = vector.load %arg10[%swap3A, %swap3A_57] : memref<2560x32xbf16, #tpu.memory_space<vmem>>, vector<2560x32xbf16>
    tpu.vector_store %arg10[%swap3A, %swap3A_57], %convert_element_type3A_56 {strides = array<i32>} : memref<2560x32xbf16, #tpu.memory_space<vmem>>, vector<2560x32xbf16>,
    %get3A_59 = arith.constant 0 : index
    %get3A_60 = arith.constant 0 : index
    %get3A_61 = vector.load %arg8[%get3A_59, %get3A_60] : memref<256x32xf32, #tpu.memory_space<vmem>>, vector<256x32xf32>
    %dot_general3A_62 = arith.constant dense<0.000000e+00> : vector<2560x32xf32>
    %dot_general3A_63 = tpu.matmul %max3A_50, %get3A_61, %dot_general3A_62 {dimension_numbers = #tpu.dot_dimension_numbers<[1], [0], [0], [1], [0, 0, 1, 1], [], []>, transpose_lhs_hint = false} : vector<2560x256xf32>, vector<256x32xf32>, vector<2560x32xf32> -> vector<2560x32xf32>
    %get3A_64 = arith.constant 0 : index
    %get3A_65 = arith.constant 0 : index
    %get3A_66 = vector.load %arg9[%get3A_64, %get3A_65] : memref<1x32xf32, #tpu.memory_space<vmem>>, vector<1x32xf32>
    %add3A_67 = vector.broadcast %get3A_66 : vector<1x32xf32> to vector<2560x32xf32>
    %add3A_68 = arith.addf %dot_general3A_63, %add3A_67 : vector<2560x32xf32>
    %swap3A_69 = arith.constant 0 : index
    %swap3A_70 = arith.constant 0 : index
    %swap3A_71 = vector.load %arg11[%swap3A_69, %swap3A_70] : memref<2560x32xf32, #tpu.memory_space<vmem>>, vector<2560x32xf32>
    tpu.vector_store %arg11[%swap3A_69, %swap3A_70], %add3A_68 {strides = array<i32>} : memref<2560x32xf32, #tpu.memory_space<vmem>>, vector<2560x32xf32>,
    %swap3A_72 = arith.constant 0 : index
    %swap3A_73 = arith.constant 0 : index
    %swap3A_74 = vector.load %arg12[%swap3A_72, %swap3A_73] : memref<2560x1xf32, #tpu.memory_space<vmem>>, vector<2560x1xf32>
    tpu.vector_store %arg12[%swap3A_72, %swap3A_73], %broadcast_in_dim3A {strides = array<i32>} : memref<2560x1xf32, #tpu.memory_space<vmem>>, vector<2560x1xf32>,
    return
  }
  func.func @transform_0(%arg0: i32) -> (i32, i32) {
    %c0_i32 = arith.constant 0 : i32
    %c0_i32_0 = arith.constant 0 : i32
    return %arg0, %c0_i32 : i32, i32
  }
  func.func @transform_1(%arg0: i32) -> (i32, i32, i32) {
    %c0_i32 = arith.constant 0 : i32
    %c0_i32_0 = arith.constant 0 : i32
    %c0_i32_1 = arith.constant 0 : i32
    return %c0_i32, %arg0, %c0_i32_0 : i32, i32, i32
  }
  func.func @transform_2(%arg0: i32) -> (i32, i32) {
    %c0_i32 = arith.constant 0 : i32
    %c0_i32_0 = arith.constant 0 : i32
    return %c0_i32, %arg0 : i32, i32
  }
  func.func @transform_3(%arg0: i32) -> (i32, i32, i32) {
    %c0_i32 = arith.constant 0 : i32
    %c0_i32_0 = arith.constant 0 : i32
    %c0_i32_1 = arith.constant 0 : i32
    %c0_i32_2 = arith.constant 0 : i32
    return %c0_i32, %c0_i32_0, %c0_i32_1 : i32, i32, i32
  }
  func.func @transform_4(%arg0: i32) -> (i32, i32) {
    %c0_i32 = arith.constant 0 : i32
    %c0_i32_0 = arith.constant 0 : i32
    %c0_i32_1 = arith.constant 0 : i32
    return %c0_i32, %c0_i32_0 : i32, i32
  }
  func.func @transform_5(%arg0: i32) -> (i32, i32) {
    %c0_i32 = arith.constant 0 : i32
    %c0_i32_0 = arith.constant 0 : i32
    %c0_i32_1 = arith.constant 0 : i32
    return %c0_i32, %c0_i32_0 : i32, i32
  }
  func.func @transform_6(%arg0: i32) -> (i32, i32) {
    %c0_i32 = arith.constant 0 : i32
    %c0_i32_0 = arith.constant 0 : i32
    %c0_i32_1 = arith.constant 0 : i32
    return %c0_i32, %c0_i32_0 : i32, i32
  }
  func.func @transform_7(%arg0: i32) -> (i32, i32) {
    %c0_i32 = arith.constant 0 : i32
    %c0_i32_0 = arith.constant 0 : i32
    %c0_i32_1 = arith.constant 0 : i32
    return %c0_i32, %c0_i32_0 : i32, i32
  }
  func.func @transform_8(%arg0: i32) -> (i32, i32) {
    %c0_i32 = arith.constant 0 : i32
    %c0_i32_0 = arith.constant 0 : i32
    %c0_i32_1 = arith.constant 0 : i32
    return %c0_i32, %c0_i32_0 : i32, i32
  }
  func.func @transform_9(%arg0: i32) -> (i32, i32) {
    %c0_i32 = arith.constant 0 : i32
    %c0_i32_0 = arith.constant 0 : i32
    return %arg0, %c0_i32 : i32, i32
  }
  func.func @transform_10(%arg0: i32) -> (i32, i32) {
    %c0_i32 = arith.constant 0 : i32
    %c0_i32_0 = arith.constant 0 : i32
    return %arg0, %c0_i32 : i32, i32
  }
  func.func @transform_11(%arg0: i32) -> (i32, i32) {
    %c0_i32 = arith.constant 0 : i32
    %c0_i32_0 = arith.constant 0 : i32
    return %arg0, %c0_i32 : i32, i32
  }
}

module attributes {stable_mosaic.version = 14 : i64} {
  func.func @_t2_body(%arg0: memref<2x10240x32xbf16, #tpu.memory_space<vmem>>, %arg1: memref<10240x32xf32, #tpu.memory_space<vmem>>, %arg2: memref<10240x1xf32, #tpu.memory_space<vmem>>, %arg3: memref<10240x32xf32, #tpu.memory_space<vmem>>, %arg4: memref<10240x32xf32, #tpu.memory_space<vmem>>, %arg5: memref<10240x32xbf16, #tpu.memory_space<vmem>>) attributes {dimension_semantics = [], scalar_prefetch = 0 : i64, scratch_operands = 0 : i64, tpu.core_type = #tpu.core_type<tc>} {
    %get3A = arith.constant 0 : index
    %get3A_0 = arith.constant 0 : index
    %get3A_1 = arith.constant 0 : index
    %get3A_2 = vector.load %arg0[%get3A, %get3A_0, %get3A_1] : memref<2x10240x32xbf16, #tpu.memory_space<vmem>>, vector<1x10240x32xbf16>
    %get3A_3 = vector.shape_cast %get3A_2 : vector<1x10240x32xbf16> to vector<10240x32xbf16>
    %convert_element_type3A = arith.extf %get3A_3 : vector<10240x32xbf16> to vector<10240x32xf32>
    %get3A_4 = arith.constant 1 : index
    %get3A_5 = arith.constant 0 : index
    %get3A_6 = arith.constant 0 : index
    %get3A_7 = vector.load %arg0[%get3A_4, %get3A_5, %get3A_6] : memref<2x10240x32xbf16, #tpu.memory_space<vmem>>, vector<1x10240x32xbf16>
    %get3A_8 = vector.shape_cast %get3A_7 : vector<1x10240x32xbf16> to vector<10240x32xbf16>
    %convert_element_type3A_9 = arith.extf %get3A_8 : vector<10240x32xbf16> to vector<10240x32xf32>
    %add3A = arith.addf %convert_element_type3A, %convert_element_type3A_9 : vector<10240x32xf32>
    %get3A_10 = arith.constant 0 : index
    %get3A_11 = arith.constant 0 : index
    %get3A_12 = vector.load %arg2[%get3A_10, %get3A_11] : memref<10240x1xf32, #tpu.memory_space<vmem>>, vector<10240x1xf32>
    %mul3A = vector.broadcast %get3A_12 : vector<10240x1xf32> to vector<10240x32xf32>
    %mul3A_13 = arith.mulf %add3A, %mul3A : vector<10240x32xf32>
    %get3A_14 = arith.constant 0 : index
    %get3A_15 = arith.constant 0 : index
    %get3A_16 = vector.load %arg1[%get3A_14, %get3A_15] : memref<10240x32xf32, #tpu.memory_space<vmem>>, vector<10240x32xf32>
    %add3A_17 = arith.addf %mul3A_13, %get3A_16 : vector<10240x32xf32>
    %get3A_18 = arith.constant 0 : index
    %get3A_19 = arith.constant 0 : index
    %get3A_20 = vector.load %arg3[%get3A_18, %get3A_19] : memref<10240x32xf32, #tpu.memory_space<vmem>>, vector<10240x32xf32>
    %add3A_21 = arith.addf %add3A_17, %get3A_20 : vector<10240x32xf32>
    %slice3A = vector.extract_strided_slice %add3A_21 {offsets = [0, 0], sizes = [10240, 10], strides = [1, 1]} : vector<10240x32xf32> to vector<10240x10xf32>
    %reduce_max3A = arith.constant dense<0xFF800000> : vector<10240xf32>
    %reduce_max3A_22 = vector.multi_reduction <maximumf>, %slice3A, %reduce_max3A [1] : vector<10240x10xf32> to vector<10240xf32>
    %broadcast_in_dim3A = vector.shape_cast %reduce_max3A_22 : vector<10240xf32> to vector<10240x1xf32>
    %sub3A = vector.broadcast %broadcast_in_dim3A : vector<10240x1xf32> to vector<10240x10xf32>
    %sub3A_23 = arith.subf %slice3A, %sub3A : vector<10240x10xf32>
    %exp3A = math.exp %sub3A_23 : vector<10240x10xf32>
    %reduce_sum3A = arith.constant dense<0.000000e+00> : vector<10240xf32>
    %reduce_sum3A_24 = vector.multi_reduction <add>, %exp3A, %reduce_sum3A [1] : vector<10240x10xf32> to vector<10240xf32>
    %broadcast_in_dim3A_25 = vector.shape_cast %reduce_sum3A_24 : vector<10240xf32> to vector<10240x1xf32>
    %div3A = vector.broadcast %broadcast_in_dim3A_25 : vector<10240x1xf32> to vector<10240x10xf32>
    %div3A_26 = arith.divf %exp3A, %div3A : vector<10240x10xf32>
    %slice3A_27 = vector.extract_strided_slice %add3A_21 {offsets = [0, 10], sizes = [10240, 10], strides = [1, 1]} : vector<10240x32xf32> to vector<10240x10xf32>
    %reduce_max3A_28 = arith.constant dense<0xFF800000> : vector<10240xf32>
    %reduce_max3A_29 = vector.multi_reduction <maximumf>, %slice3A_27, %reduce_max3A_28 [1] : vector<10240x10xf32> to vector<10240xf32>
    %broadcast_in_dim3A_30 = vector.shape_cast %reduce_max3A_29 : vector<10240xf32> to vector<10240x1xf32>
    %sub3A_31 = vector.broadcast %broadcast_in_dim3A_30 : vector<10240x1xf32> to vector<10240x10xf32>
    %sub3A_32 = arith.subf %slice3A_27, %sub3A_31 : vector<10240x10xf32>
    %exp3A_33 = math.exp %sub3A_32 : vector<10240x10xf32>
    %reduce_sum3A_34 = arith.constant dense<0.000000e+00> : vector<10240xf32>
    %reduce_sum3A_35 = vector.multi_reduction <add>, %exp3A_33, %reduce_sum3A_34 [1] : vector<10240x10xf32> to vector<10240xf32>
    %broadcast_in_dim3A_36 = vector.shape_cast %reduce_sum3A_35 : vector<10240xf32> to vector<10240x1xf32>
    %div3A_37 = vector.broadcast %broadcast_in_dim3A_36 : vector<10240x1xf32> to vector<10240x10xf32>
    %div3A_38 = arith.divf %exp3A_33, %div3A_37 : vector<10240x10xf32>
    %broadcast_in_dim3A_39 = arith.constant 0.000000e+00 : f32
    %broadcast_in_dim3A_40 = vector.broadcast %broadcast_in_dim3A_39 : f32 to vector<10240x12xf32>
    %concatenate3A = tpu.concatenate %div3A_26, %div3A_38, %broadcast_in_dim3A_40 in 1 : vector<10240x10xf32>, vector<10240x10xf32>, vector<10240x12xf32> -> vector<10240x32xf32>
    %swap3A = arith.constant 0 : index
    %swap3A_41 = arith.constant 0 : index
    %swap3A_42 = vector.load %arg4[%swap3A, %swap3A_41] : memref<10240x32xf32, #tpu.memory_space<vmem>>, vector<10240x32xf32>
    tpu.vector_store %arg4[%swap3A, %swap3A_41], %concatenate3A {strides = array<i32>} : memref<10240x32xf32, #tpu.memory_space<vmem>>, vector<10240x32xf32>,
    %convert_element_type3A_43 = arith.truncf %concatenate3A : vector<10240x32xf32> to vector<10240x32xbf16>
    %swap3A_44 = arith.constant 0 : index
    %swap3A_45 = arith.constant 0 : index
    %swap3A_46 = vector.load %arg5[%swap3A_44, %swap3A_45] : memref<10240x32xbf16, #tpu.memory_space<vmem>>, vector<10240x32xbf16>
    tpu.vector_store %arg5[%swap3A_44, %swap3A_45], %convert_element_type3A_43 {strides = array<i32>} : memref<10240x32xbf16, #tpu.memory_space<vmem>>, vector<10240x32xbf16>,
    return
  }
}

module attributes {stable_mosaic.version = 14 : i64} {
  func.func @_t3_body(%arg0: memref<2x10240x32xbf16, #tpu.memory_space<vmem>>, %arg1: memref<10240x32xf32, #tpu.memory_space<vmem>>, %arg2: memref<10240x1xf32, #tpu.memory_space<vmem>>, %arg3: memref<32x256xf32, #tpu.memory_space<vmem>>, %arg4: memref<32x256xf32, #tpu.memory_space<vmem>>, %arg5: memref<1x256xf32, #tpu.memory_space<vmem>>, %arg6: memref<10240x256xf32, #tpu.memory_space<vmem>>, %arg7: memref<2x10240x128xbf16, #tpu.memory_space<vmem>>) attributes {dimension_semantics = [], scalar_prefetch = 0 : i64, scratch_operands = 0 : i64, tpu.core_type = #tpu.core_type<tc>} {
    %get3A = arith.constant 0 : index
    %get3A_0 = arith.constant 0 : index
    %get3A_1 = arith.constant 0 : index
    %get3A_2 = vector.load %arg0[%get3A, %get3A_0, %get3A_1] : memref<2x10240x32xbf16, #tpu.memory_space<vmem>>, vector<1x10240x32xbf16>
    %get3A_3 = vector.shape_cast %get3A_2 : vector<1x10240x32xbf16> to vector<10240x32xbf16>
    %convert_element_type3A = arith.extf %get3A_3 : vector<10240x32xbf16> to vector<10240x32xf32>
    %get3A_4 = arith.constant 1 : index
    %get3A_5 = arith.constant 0 : index
    %get3A_6 = arith.constant 0 : index
    %get3A_7 = vector.load %arg0[%get3A_4, %get3A_5, %get3A_6] : memref<2x10240x32xbf16, #tpu.memory_space<vmem>>, vector<1x10240x32xbf16>
    %get3A_8 = vector.shape_cast %get3A_7 : vector<1x10240x32xbf16> to vector<10240x32xbf16>
    %convert_element_type3A_9 = arith.extf %get3A_8 : vector<10240x32xbf16> to vector<10240x32xf32>
    %add3A = arith.addf %convert_element_type3A, %convert_element_type3A_9 : vector<10240x32xf32>
    %get3A_10 = arith.constant 0 : index
    %get3A_11 = arith.constant 0 : index
    %get3A_12 = vector.load %arg2[%get3A_10, %get3A_11] : memref<10240x1xf32, #tpu.memory_space<vmem>>, vector<10240x1xf32>
    %mul3A = vector.broadcast %get3A_12 : vector<10240x1xf32> to vector<10240x32xf32>
    %mul3A_13 = arith.mulf %add3A, %mul3A : vector<10240x32xf32>
    %get3A_14 = arith.constant 0 : index
    %get3A_15 = arith.constant 0 : index
    %get3A_16 = vector.load %arg3[%get3A_14, %get3A_15] : memref<32x256xf32, #tpu.memory_space<vmem>>, vector<32x256xf32>
    %dot_general3A = arith.constant dense<0.000000e+00> : vector<10240x256xf32>
    %dot_general3A_17 = tpu.matmul %mul3A_13, %get3A_16, %dot_general3A {dimension_numbers = #tpu.dot_dimension_numbers<[1], [0], [0], [1], [0, 0, 1, 1], [], []>, transpose_lhs_hint = false} : vector<10240x32xf32>, vector<32x256xf32>, vector<10240x256xf32> -> vector<10240x256xf32>
    %get3A_18 = arith.constant 0 : index
    %get3A_19 = arith.constant 0 : index
    %get3A_20 = vector.load %arg1[%get3A_18, %get3A_19] : memref<10240x32xf32, #tpu.memory_space<vmem>>, vector<10240x32xf32>
    %get3A_21 = arith.constant 0 : index
    %get3A_22 = arith.constant 0 : index
    %get3A_23 = vector.load %arg4[%get3A_21, %get3A_22] : memref<32x256xf32, #tpu.memory_space<vmem>>, vector<32x256xf32>
    %dot_general3A_24 = arith.constant dense<0.000000e+00> : vector<10240x256xf32>
    %dot_general3A_25 = tpu.matmul %get3A_20, %get3A_23, %dot_general3A_24 {dimension_numbers = #tpu.dot_dimension_numbers<[1], [0], [0], [1], [0, 0, 1, 1], [], []>, transpose_lhs_hint = false} : vector<10240x32xf32>, vector<32x256xf32>, vector<10240x256xf32> -> vector<10240x256xf32>
    %add3A_26 = arith.addf %dot_general3A_17, %dot_general3A_25 : vector<10240x256xf32>
    %get3A_27 = arith.constant 0 : index
    %get3A_28 = arith.constant 0 : index
    %get3A_29 = vector.load %arg5[%get3A_27, %get3A_28] : memref<1x256xf32, #tpu.memory_space<vmem>>, vector<1x256xf32>
    %add3A_30 = vector.broadcast %get3A_29 : vector<1x256xf32> to vector<10240x256xf32>
    %add3A_31 = arith.addf %add3A_26, %add3A_30 : vector<10240x256xf32>
    %max3A = arith.constant 0.000000e+00 : f32
    %max3A_32 = vector.broadcast %max3A : f32 to vector<10240x256xf32>
    %max3A_33 = arith.maximumf %add3A_31, %max3A_32 : vector<10240x256xf32>
    %swap3A = arith.constant 0 : index
    %swap3A_34 = arith.constant 0 : index
    %swap3A_35 = vector.load %arg6[%swap3A, %swap3A_34] : memref<10240x256xf32, #tpu.memory_space<vmem>>, vector<10240x256xf32>
    tpu.vector_store %arg6[%swap3A, %swap3A_34], %max3A_33 {strides = array<i32>} : memref<10240x256xf32, #tpu.memory_space<vmem>>, vector<10240x256xf32>,
    %slice3A = vector.extract_strided_slice %max3A_33 {offsets = [0, 0], sizes = [10240, 128], strides = [1, 1]} : vector<10240x256xf32> to vector<10240x128xf32>
    %convert_element_type3A_36 = arith.truncf %slice3A : vector<10240x128xf32> to vector<10240x128xbf16>
    %swap3A_37 = arith.constant 0 : index
    %swap3A_38 = arith.constant 0 : index
    %swap3A_39 = arith.constant 0 : index
    %swap3A_40 = vector.load %arg7[%swap3A_37, %swap3A_38, %swap3A_39] : memref<2x10240x128xbf16, #tpu.memory_space<vmem>>, vector<1x10240x128xbf16>
    %swap3A_41 = vector.shape_cast %swap3A_40 : vector<1x10240x128xbf16> to vector<10240x128xbf16>
    %swap3A_42 = vector.shape_cast %convert_element_type3A_36 : vector<10240x128xbf16> to vector<1x10240x128xbf16>
    tpu.vector_store %arg7[%swap3A_37, %swap3A_38, %swap3A_39], %swap3A_42 {strides = array<i32>} : memref<2x10240x128xbf16, #tpu.memory_space<vmem>>, vector<1x10240x128xbf16>,
    %slice3A_43 = vector.extract_strided_slice %max3A_33 {offsets = [0, 128], sizes = [10240, 128], strides = [1, 1]} : vector<10240x256xf32> to vector<10240x128xf32>
    %convert_element_type3A_44 = arith.truncf %slice3A_43 : vector<10240x128xf32> to vector<10240x128xbf16>
    %swap3A_45 = arith.constant 1 : index
    %swap3A_46 = arith.constant 0 : index
    %swap3A_47 = arith.constant 0 : index
    %swap3A_48 = vector.load %arg7[%swap3A_45, %swap3A_46, %swap3A_47] : memref<2x10240x128xbf16, #tpu.memory_space<vmem>>, vector<1x10240x128xbf16>
    %swap3A_49 = vector.shape_cast %swap3A_48 : vector<1x10240x128xbf16> to vector<10240x128xbf16>
    %swap3A_50 = vector.shape_cast %convert_element_type3A_44 : vector<10240x128xbf16> to vector<1x10240x128xbf16>
    tpu.vector_store %arg7[%swap3A_45, %swap3A_46, %swap3A_47], %swap3A_50 {strides = array<i32>} : memref<2x10240x128xbf16, #tpu.memory_space<vmem>>, vector<1x10240x128xbf16>,
    return
  }
}

module attributes {stable_mosaic.version = 14 : i64} {
  func.func @_t4_body(%arg0: i32, %arg1: memref<2x2560x128xbf16, #tpu.memory_space<vmem>>, %arg2: memref<2560x256xf32, #tpu.memory_space<vmem>>, %arg3: memref<2560x1xf32, #tpu.memory_space<vmem>>, %arg4: memref<2x128x256xf32, #tpu.memory_space<vmem>>, %arg5: memref<256x256xf32, #tpu.memory_space<vmem>>, %arg6: memref<1x256xf32, #tpu.memory_space<vmem>>, %arg7: memref<2560x256xf32, #tpu.memory_space<vmem>>) attributes {dimension_semantics = [#tpu.dimension_semantics<arbitrary>], iteration_bounds = array<i64: 4>, scalar_prefetch = 0 : i64, scratch_operands = 0 : i64, tpu.core_type = #tpu.core_type<tc>, window_params = [{transform_indices = @transform_0, window_bounds = array<i64: 2, 2560, 128>}, {transform_indices = @transform_1, window_bounds = array<i64: 2560, 256>}, {transform_indices = @transform_2, window_bounds = array<i64: 2560, 1>}, {pipeline_mode = #tpu.pipeline_mode<synchronous>, transform_indices = @transform_3, window_bounds = array<i64: 2, 128, 256>}, {pipeline_mode = #tpu.pipeline_mode<synchronous>, transform_indices = @transform_4, window_bounds = array<i64: 256, 256>}, {pipeline_mode = #tpu.pipeline_mode<synchronous>, transform_indices = @transform_5, window_bounds = array<i64: 1, 256>}, {transform_indices = @transform_6, window_bounds = array<i64: 2560, 256>}]} {
    %get3A = arith.constant 0 : index
    %get3A_0 = arith.constant 0 : index
    %get3A_1 = arith.constant 0 : index
    %get3A_2 = vector.load %arg1[%get3A, %get3A_0, %get3A_1] : memref<2x2560x128xbf16, #tpu.memory_space<vmem>>, vector<1x2560x128xbf16>
    %get3A_3 = vector.shape_cast %get3A_2 : vector<1x2560x128xbf16> to vector<2560x128xbf16>
    %convert_element_type3A = arith.extf %get3A_3 : vector<2560x128xbf16> to vector<2560x128xf32>
    %get3A_4 = arith.constant 0 : index
    %get3A_5 = arith.constant 0 : index
    %get3A_6 = arith.constant 0 : index
    %get3A_7 = vector.load %arg4[%get3A_4, %get3A_5, %get3A_6] : memref<2x128x256xf32, #tpu.memory_space<vmem>>, vector<1x128x256xf32>
    %get3A_8 = vector.shape_cast %get3A_7 : vector<1x128x256xf32> to vector<128x256xf32>
    %dot_general3A = arith.constant dense<0.000000e+00> : vector<2560x256xf32>
    %dot_general3A_9 = tpu.matmul %convert_element_type3A, %get3A_8, %dot_general3A {dimension_numbers = #tpu.dot_dimension_numbers<[1], [0], [0], [1], [0, 0, 1, 1], [], []>, transpose_lhs_hint = false} : vector<2560x128xf32>, vector<128x256xf32>, vector<2560x256xf32> -> vector<2560x256xf32>
    %add3A = arith.constant 0.000000e+00 : f32
    %add3A_10 = vector.broadcast %add3A : f32 to vector<2560x256xf32>
    %add3A_11 = arith.addf %add3A_10, %dot_general3A_9 : vector<2560x256xf32>
    %get3A_12 = arith.constant 1 : index
    %get3A_13 = arith.constant 0 : index
    %get3A_14 = arith.constant 0 : index
    %get3A_15 = vector.load %arg1[%get3A_12, %get3A_13, %get3A_14] : memref<2x2560x128xbf16, #tpu.memory_space<vmem>>, vector<1x2560x128xbf16>
    %get3A_16 = vector.shape_cast %get3A_15 : vector<1x2560x128xbf16> to vector<2560x128xbf16>
    %convert_element_type3A_17 = arith.extf %get3A_16 : vector<2560x128xbf16> to vector<2560x128xf32>
    %get3A_18 = arith.constant 1 : index
    %get3A_19 = arith.constant 0 : index
    %get3A_20 = arith.constant 0 : index
    %get3A_21 = vector.load %arg4[%get3A_18, %get3A_19, %get3A_20] : memref<2x128x256xf32, #tpu.memory_space<vmem>>, vector<1x128x256xf32>
    %get3A_22 = vector.shape_cast %get3A_21 : vector<1x128x256xf32> to vector<128x256xf32>
    %dot_general3A_23 = arith.constant dense<0.000000e+00> : vector<2560x256xf32>
    %dot_general3A_24 = tpu.matmul %convert_element_type3A_17, %get3A_22, %dot_general3A_23 {dimension_numbers = #tpu.dot_dimension_numbers<[1], [0], [0], [1], [0, 0, 1, 1], [], []>, transpose_lhs_hint = false} : vector<2560x128xf32>, vector<128x256xf32>, vector<2560x256xf32> -> vector<2560x256xf32>
    %add3A_25 = arith.addf %add3A_11, %dot_general3A_24 : vector<2560x256xf32>
    %get3A_26 = arith.constant 0 : index
    %get3A_27 = arith.constant 0 : index
    %get3A_28 = vector.load %arg2[%get3A_26, %get3A_27] : memref<2560x256xf32, #tpu.memory_space<vmem>>, vector<2560x256xf32>
    %get3A_29 = arith.constant 0 : index
    %get3A_30 = arith.constant 0 : index
    %get3A_31 = vector.load %arg5[%get3A_29, %get3A_30] : memref<256x256xf32, #tpu.memory_space<vmem>>, vector<256x256xf32>
    %dot_general3A_32 = arith.constant dense<0.000000e+00> : vector<2560x256xf32>
    %dot_general3A_33 = tpu.matmul %get3A_28, %get3A_31, %dot_general3A_32 {dimension_numbers = #tpu.dot_dimension_numbers<[1], [0], [0], [1], [0, 0, 1, 1], [], []>, transpose_lhs_hint = false} : vector<2560x256xf32>, vector<256x256xf32>, vector<2560x256xf32> -> vector<2560x256xf32>
    %get3A_34 = arith.constant 0 : index
    %get3A_35 = arith.constant 0 : index
    %get3A_36 = vector.load %arg3[%get3A_34, %get3A_35] : memref<2560x1xf32, #tpu.memory_space<vmem>>, vector<2560x1xf32>
    %mul3A = vector.broadcast %get3A_36 : vector<2560x1xf32> to vector<2560x256xf32>
    %mul3A_37 = arith.mulf %add3A_25, %mul3A : vector<2560x256xf32>
    %add3A_38 = arith.addf %mul3A_37, %dot_general3A_33 : vector<2560x256xf32>
    %get3A_39 = arith.constant 0 : index
    %get3A_40 = arith.constant 0 : index
    %get3A_41 = vector.load %arg6[%get3A_39, %get3A_40] : memref<1x256xf32, #tpu.memory_space<vmem>>, vector<1x256xf32>
    %add3A_42 = vector.broadcast %get3A_41 : vector<1x256xf32> to vector<2560x256xf32>
    %add3A_43 = arith.addf %add3A_38, %add3A_42 : vector<2560x256xf32>
    %swap3A = arith.constant 0 : index
    %swap3A_44 = arith.constant 0 : index
    %swap3A_45 = vector.load %arg7[%swap3A, %swap3A_44] : memref<2560x256xf32, #tpu.memory_space<vmem>>, vector<2560x256xf32>
    tpu.vector_store %arg7[%swap3A, %swap3A_44], %add3A_43 {strides = array<i32>} : memref<2560x256xf32, #tpu.memory_space<vmem>>, vector<2560x256xf32>,
    return
  }
  func.func @transform_0(%arg0: i32) -> (i32, i32, i32) {
    %c0_i32 = arith.constant 0 : i32
    %c0_i32_0 = arith.constant 0 : i32
    %c0_i32_1 = arith.constant 0 : i32
    return %c0_i32, %arg0, %c0_i32_0 : i32, i32, i32
  }
  func.func @transform_1(%arg0: i32) -> (i32, i32) {
    %c0_i32 = arith.constant 0 : i32
    %c0_i32_0 = arith.constant 0 : i32
    return %arg0, %c0_i32 : i32, i32
  }
  func.func @transform_2(%arg0: i32) -> (i32, i32) {
    %c0_i32 = arith.constant 0 : i32
    %c0_i32_0 = arith.constant 0 : i32
    return %arg0, %c0_i32 : i32, i32
  }
  func.func @transform_3(%arg0: i32) -> (i32, i32, i32) {
    %c0_i32 = arith.constant 0 : i32
    %c0_i32_0 = arith.constant 0 : i32
    %c0_i32_1 = arith.constant 0 : i32
    %c0_i32_2 = arith.constant 0 : i32
    return %c0_i32, %c0_i32_0, %c0_i32_1 : i32, i32, i32
  }
  func.func @transform_4(%arg0: i32) -> (i32, i32) {
    %c0_i32 = arith.constant 0 : i32
    %c0_i32_0 = arith.constant 0 : i32
    %c0_i32_1 = arith.constant 0 : i32
    return %c0_i32, %c0_i32_0 : i32, i32
  }
  func.func @transform_5(%arg0: i32) -> (i32, i32) {
    %c0_i32 = arith.constant 0 : i32
    %c0_i32_0 = arith.constant 0 : i32
    %c0_i32_1 = arith.constant 0 : i32
    return %c0_i32, %c0_i32_0 : i32, i32
  }
  func.func @transform_6(%arg0: i32) -> (i32, i32) {
    %c0_i32 = arith.constant 0 : i32
    %c0_i32_0 = arith.constant 0 : i32
    return %arg0, %c0_i32 : i32, i32
  }
}

</mosaic_0001>

<sc_bundles>
// kernel: kernel.10.cloned.1.call-start
scs
__scs_entry_jumppad:
0x0: {  	(pc) =	sbr.rel $0x88, $3  }
0x1: {  	(tag) =	ssettag $0x0;
	lr =	simm.s32 $0x1  }
0x2: {  	[smem:$0x3F93] =	sst lr;
	_ =	strace $0xD0000000  }
0x3: {  	_ = 	snop  }
0x4: {  	_ = 	snop  }
0x5: {  	_ = 	snop  }
0x6: {  	_ = 	snop  }
0x7: {  	_ = 	snop  }
__scs_overlays_trampoline_lowered:
0x8: {  	[smem:$0x3FA2] =	sst s0  }
0x9: {  	[smem:$0x3FA3] =	sst s1  }
0xa: {  	[smem:$0x3FA4] =	sst s2  }
0xb: {  	[smem:$0x3FA5] =	sst s3  }
0xc: {  	[smem:$0x3FA6] =	sst s4  }
0xd: {  	[smem:$0x3FA7] =	sst s5  }
0xe: {  	[smem:$0x3FA8] =	sst s6  }
0xf: {  	[smem:$0x3FA9] =	sst s7  }
0x10: {  	[smem:$0x3FAA] =	sst s8  }
0x11: {  	[smem:$0x3FAB] =	sst s9;
	s0 =	simm.s32 @!p0 $0x0  }
0x12: {  	s1 =	sld [smem:$0x3F91];
	s0 =	simm.s32 @p0 $0x1  }
0x13: {  	[smem:$0x3FAC] =	sst s0;
	s0 =	simm.s32 @!p1 $0x0  }
0x14: {  	s2 =	sld [smem:$0x3F90];
	s0 =	simm.s32 @p1 $0x1  }
0x15: {  	[smem:$0x3FAD] =	sst s0;
	s0 =	simm.s32 @!p2 $0x0  }
0x16: {  	s3 =	sld [smem:$0x3FDB];
	s0 =	simm.s32 @p2 $0x1  }
0x17: {  	s4 =	simm.s32 $0x1BF5;
	[smem:$0x3FAF] =	sst s0  }
0x18: {  	s0 =	sld [smem:$0x3F92];
	_ =	swait.ge [sflag:s4], $0x0  }
0x19: {  	s7 =	sld [smem:$0x3F93]  }
0x1a: {  	s8 =	sadd.s32 $0xFFFFE003, lr  }
0x1b: {  	s9 =	sadd.s32 $0xFFFFFEF7, lr;
	s5 =	simm.s32 $0xFFFFFFFF;
	p2 =	slt.u32 s8, $0xFFFFF086  }
0x1c: {  	p1 =	slt.u32 s9, $0xF7A;
	s5 =	simm.s32 @!p2 $0x0  }
0x1d: {  	s5 =	simm.s32 @p1 $0x1;
	p0 =	seq.s32 s7, s2  }
0x1e: {  	s7 =	smul.u32 @!p0 $0xF7A, s2;
	p2 =	seq.s32 @!p0 s5, $0x0  }
0x1f: {  	s9 =	smul.u32 $0xF7A, s1;
	s8 =	simm.s32 @!p0 $0x1BF5;
	p2 =	por !p2, p0  }
0x20: {  	[sflag:s8] =	ssyncset.s32 @!p0 $0xFFFFF086;
	s6 =	sadd.s32 @!p0 s3, s7;
	s7 =	simm.s32 @!p0 $0x108  }
0x21: {  	s3 =	sadd.s32 s3, s9;
	s6 =	sadd.s32 @!p0 $0x88, s6;
	s7 =	simm.s32 @p2 $0x1082  }
0x22: {  	[simem:s7], [sflag:s8] =	dma.local @!p0 [hbm:s6], $0xF7A  }
0x23: {  	s9 =	sor.u32 $0xD0000000, s2;
	s6 =	simm.s32 $0x108;
	_ =	swait.ge @!p0 [sflag:s8], $0x0  }
0x24: {  	s3 =	sadd.s32 $0x88, s3;
	s6 =	simm.s32 @!p1 $0x1082;
	[sflag:s4] =	ssyncset.s32 $0xFFFFF086  }
0x25: {  	[simem:s6], [sflag:s4] =	dma.local [hbm:s3], $0xF7A  }
0x26: {  	[smem:$0x3F93] =	sst s1;
	(tag) =	ssettag s2;
	_ =	strace s9  }
0x27: {  	s1 =	sld [smem:$0x3FA3]  }
0x28: {  	s2 =	sld [smem:$0x3FA4]  }
0x29: {  	s4 =	sld [smem:$0x3FA6]  }
0x2a: {  	p0 =	seq.s32 s5, $0x0;
	s5 =	sld [smem:$0x3FA7]  }
0x2b: {  	s6 =	sld [smem:$0x3FA8]  }
0x2c: {  	s7 =	sld [smem:$0x3FA9]  }
0x2d: {  	s3 =	simm.s32 $0x108;
	s8 =	sld [smem:$0x3FAA]  }
0x2e: {  	s3 =	simm.s32 @!p0 $0x1082;
	s9 =	sld [smem:$0x3FAB]  }
0x2f: {  	lr =	sadd.s32 s0, s3;
	s0 =	sld [smem:$0x3FA2]  }
0x30: {  	s3 =	sld [smem:$0x3FA5]  }
0x31: {  	[smem:$0x3FAE] =	sst s10  }
0x32: {  	s10 =	sld [smem:$0x3FAC];
	_ =	sdelay $0x3  }
0x33: {  	p0 =	seq.s32 s10, $0x1;
	s10 =	sld [smem:$0x3FAE];
	_ =	sdelay $0x3  }
0x34: {  	[smem:$0x3FAE] =	sst s10  }
0x35: {  	s10 =	sld [smem:$0x3FAD];
	_ =	sdelay $0x3  }
0x36: {  	p1 =	seq.s32 s10, $0x1;
	s10 =	sld [smem:$0x3FAE];
	_ =	sdelay $0x3  }
0x37: {  	[smem:$0x3FAE] =	sst s10  }
0x38: {  	s10 =	sld [smem:$0x3FAF]  }
0x39: {  	_ = 	snop;
	(pc) =	sbr.ind lr, $3  }
0x3a: {  	_ = 	snop  }
0x3b: {  	_ = 	snop  }
0x3c: {  	p2 =	seq.s32 s10, $0x1;
	s10 =	sld [smem:$0x3FAE]  }
0x3d: {  	_ =	shalt  }
0x3e: {  	_ =	shalt  }
0x3f: {  	_ =	shalt  }
0x40: {  	_ =	shalt  }
0x41: {  	_ =	shalt  }
0x42: {  	_ =	shalt  }
0x43: {  	_ =	shalt  }
0x44: {  	_ =	shalt  }
0x45: {  	_ =	shalt  }
0x46: {  	_ =	shalt  }
0x47: {  	_ =	shalt  }
0x48: {  	_ =	shalt  }
0x49: {  	_ =	shalt  }
0x4a: {  	_ =	shalt  }
0x4b: {  	_ =	shalt  }
0x4c: {  	_ =	shalt  }
0x4d: {  	_ =	shalt  }
0x4e: {  	_ =	shalt  }
0x4f: {  	_ =	shalt  }
0x50: {  	_ =	shalt  }
0x51: {  	_ =	shalt  }
0x52: {  	_ =	shalt  }
0x53: {  	_ =	shalt  }
0x54: {  	_ =	shalt  }
0x55: {  	_ =	shalt  }
0x56: {  	_ =	shalt  }
0x57: {  	_ =	shalt  }
0x58: {  	_ =	shalt  }
0x59: {  	_ =	shalt  }
0x5a: {  	_ =	shalt  }
0x5b: {  	_ =	shalt  }
0x5c: {  	_ =	shalt  }
0x5d: {  	_ =	shalt  }
0x5e: {  	_ =	shalt  }
0x5f: {  	_ =	shalt  }
0x60: {  	_ =	shalt  }
0x61: {  	_ =	shalt  }
0x62: {  	_ =	shalt  }
0x63: {  	_ =	shalt  }
0x64: {  	_ =	shalt  }
0x65: {  	_ =	shalt  }
0x66: {  	_ =	shalt  }
0x67: {  	_ =	shalt  }
0x68: {  	_ =	shalt  }
0x69: {  	_ =	shalt  }
0x6a: {  	_ =	shalt  }
0x6b: {  	_ =	shalt  }
0x6c: {  	_ =	shalt  }
0x6d: {  	_ =	shalt  }
0x6e: {  	_ =	shalt  }
0x6f: {  	_ =	shalt  }
0x70: {  	_ =	shalt  }
0x71: {  	_ =	shalt  }
0x72: {  	_ =	shalt  }
0x73: {  	_ =	shalt  }
0x74: {  	_ =	shalt  }
0x75: {  	_ =	shalt  }
0x76: {  	_ =	shalt  }
0x77: {  	_ =	shalt  }
0x78: {  	_ =	shalt  }
0x79: {  	_ =	shalt  }
0x7a: {  	_ =	shalt  }
0x7b: {  	_ =	shalt  }
0x7c: {  	_ =	shalt  }
0x7d: {  	_ =	shalt  }
0x7e: {  	_ =	shalt  }
0x7f: {  	_ =	shalt  }
0x80: {  	_ =	shalt  }
0x81: {  	_ =	shalt  }
0x82: {  	_ =	shalt  }
0x83: {  	_ =	shalt  }
0x84: {  	_ =	shalt  }
0x85: {  	_ =	shalt  }
0x86: {  	_ =	shalt  }
0x87: {  	_ =	shalt  }
.Lfunc_end0:
.L_simem_size_0:
called_computation_lowered:
.L_overlay_start_0:
0x88: {  	s2 =	sld [smem:$0x3FD9]  }
0x89: {  	s3 =	sld [smem:$0x3FFE];
	_ =	sdelay $0x1  }
0x8a: {  	s1 =	srdreg.scid  }
0x8b: {  	s0 =	sand.u32 $0x1, s1  }
0x8c: {  	s17 =	sshll.u32 s0, $0xA;
	s2 =	sadd.s32 s3, s2  }
0x8d: {  	s2 =	sadd.s32 s2, s17  }
0x8e: {  	[smem:$0x3FBA] =	sst s2  }
0x8f: {  	_ = 	snop  }
0x90: {  	s2 =	sld [smem:$0x3FD0];
	(tm) =	ssettm $0x1  }
0x91: {  	s18 =	sld [smem:$0x3FFB];
	_ =	sdelay $0x3  }
0x92: {  	_ =	strace s18  }
0x93: {  	s3 =	sld [smem:$0x3FFC];
	_ =	sdelay $0x3  }
0x94: {  	_ =	strace s3  }
0x95: {  	s3 =	sld [smem:$0x3FFD];
	_ =	sdelay $0x3  }
0x96: {  	_ =	strace s3  }
0x97: {  	_ =	strace $0x8FFFFFFF  }
0x98: {  	s19 =	sld [smem:$0x3FDB];
	_ =	sdelay $0x1  }
0x99: {  	s4 =	simm.s32 $_scs_section_size  }
0x9a: {  	s5 =	simm.s32 $_size__tile_overlayer_lowered;
	s6 =	simm.s32 $_tile_overlayer_lowered  }
0x9b: {  	s22 =	simm.s32 $0x1BFF;
	s21 =	sshll.u32 s6, $0x1;
	s3 =	sadd.s32 s4, s19  }
0x9c: {  	s7 =	simm.s32 $0x0;
	s20 =	sshll.u32 s5, $0x1;
	s5 =	sadd.s32 s21, s3  }
0x9d: {  	[timem:s7], [sflag:s22] =	dma.local [hbm:s5], s20  }
0x9e: {  	_ =	swait.ge [sflag:s22], s20  }
0x9f: {  	s4 =	ssub.s32 $0x0, s20;
	[sflag:s22] =	ssyncset.done $0x0  }
0xa0: {  	[sflag:s22] =	ssyncadd.s32 s4;
	_ =	sdelay $0x1  }
0xa1: {  	s23 =	simm.s32 $0x1B8B  }
0xa2: {  	_ =	swait.ge [sflag:s23], $0x1  }
0xa3: {  	[sflag:s23] =	ssyncset.done $0x0  }
0xa4: {  	s25 =	simm.s32 $0x1B8E;
	s24 =	sld [smem:$0x3FFE];
	[sflag:s23] =	ssyncadd.s32 $0xFFFFFFFF  }
0xa5: {  	s26 =	simm.s32 $execute0_lowered;
	[smem:$0x3FD2] =	sst s25  }
0xa6: {  	s5 =	sshll.u32 s26, $0x1;
	_ =	strace $0x80000046;
	[dreg:$0x1] =	wrdreg $0xFFFFFFFF  }
0xa7: {  	s28 =	simm.s32 $_size_execute0_lowered;
	s3 =	sadd.s32 s3, s5;
	[dreg:$0x0] =	wrdreg $0x0  }
0xa8: {  	s5 =	sshll.u32 s28, $0x1;
	[dreg:$0x2] =	wrdreg s3  }
0xa9: {  	[dreg:$0x3] =	wrdreg s5  }
0xaa: {  	[dreg:$0x4] =	wrdreg $0xC0  }
0xab: {  	_ =	task [dreg:s7], $0x5FFFF  }
0xac: {  	[dreg:$0x1] =	wrdreg $0xFFFFFFFF  }
0xad: {  	[dreg:$0x0] =	wrdreg $0x60  }
0xae: {  	[dreg:$0x2] =	wrdreg s24  }
0xaf: {  	[dreg:$0x3] =	wrdreg s2  }
0xb0: {  	[dreg:$0x4] =	wrdreg $0xF0000  }
0xb1: {  	[dreg:$0x5] =	wrdreg $0x9  }
0xb2: {  	_ =	task.clear_ibuf [dreg:s7], $0x6FFFF;
	_ =	strace $0x90000046  }
0xb3: {  	s29 =	simm.s32 $0x9;
	_ =	strace $0x80000048  }
0xb4: {  	_ =	swait.ge [sflag:s29], $0x1  }
0xb5: {  	[sflag:s29] =	ssyncadd.s32 $0xFFFFFFFF  }
0xb6: {  	_ =	strace $0x90000048  }
0xb7: {  	_ =	sfence  }
0xb8: {  	s30 =	sld [smem:$0x0];
	_ =	sdelay $0x2  }
0xb9: {  	s31 =	sshll.u32 s1, $0xD;
	s1 =	sshrl.u32 s1, $0x2  }
0xba: {  	s3 =	sand.u32 $0x4000, s31;
	s1 =	sadd.s32 s1, s30  }
0xbb: {  	s0 =	sor.u32 s3, s0;
	s1 =	sshll.u32 s1, $0x11  }
0xbc: {  	s0 =	sor.u32 s1, s0  }
0xbd: {  	s0 =	sadd.s32 $0x8F2B, s0  }
0xbe: {  	[sflag:s0] =	ssyncadd.remote.s32 $0x1  }
0xbf: {  	_ =	sfence.sel $0xFFFF  }
0xc0: {  	[dreg:$0x0] =	wrdreg $0xFFFFFFFF;
	(pc) =	sbr.abs _section_cstart, $3  }
0xc1: {  	[dreg:$0x1] =	wrdreg $0xFFFFFFFF  }
0xc2: {  	_ =	task.clear_ibuf [dreg:s7], $0x2FFFF;
	_ =	strace $0x9FFFFFFF  }
0xc3: {  	(tm) =	ssettm $0x7FFFFFFF  }
tec
execute0_lowered:
.L_overlay_start_1:
0x0: {  	(tag) =	ssettag $0x1  }
0x1: {  	s1 =	rddreg [dreg:$0x0]  }
0x2: {  	s3 =	rddreg [dreg:$0x1]  }
0x3: {  	s0 =	stileid.u32;
	s4 =	srdreg.scid  }
0x4: {  	s2 =	rddreg [dreg:$0x2];
	s5 =	simm.s32 $0x0;
	s16 =	simm.s32 $0x80  }
0x5: {  	s17 =	simm.s32 $0x5000;
	s18 =	simm.s32 $0x7000;
	s19 =	simm.s32 $0x9000  }
0x6: {  	s20 =	simm.s32 $0xB000;
	s21 =	simm.s32 $0x1;
	s24 =	smul.u32 $0x500, s0  }
0x7: {  	s23 =	simm.s32 $0x2;
	s26 =	simm.s32 $0x0;
	s12 =	smul.u32 $0x14000, s0  }
0x8: {  	s28 =	simm.s32 $0x0;
	s11 =	sand.u32 $0x1, s4;
	s7 =	smul.u32 $0x28000, s0  }
0x9: {  	[smem:$0x7FF] =	sst s5;
	s4 =	smul.u32 $0x5000, s11;
	s30 =	ssub.s32 $0x2, s11  }
0xa: {  	_ =	strace $0x80000047;
	s15 =	smul.u32 $0x14000, s11;
	p0 =	seq.s32 s11, $0x1  }
0xb: {  	s6 =	sshrl.u32 s30, $0x1;
	s8 =	sadd.s32 s24, s1;
	s31 =	sshrl.u32 s12, $0x1  }
0xc: {  	s7 =	sshrl.u32 s7, $0x2;
	s22 =	sshrl.u32 s12, $0x4;
	s12 =	simm.s32 $0x4800  }
0xd: {  	s13 =	sadd.s32 s4, s1;
	s14 =	ssub.s32 s30, s6;
	s4 =	sadd.s32 $0x31800, s8  }
0xe: {  	s5 =	sadd.s32 $0x2C800, s8;
	s6 =	sadd.s32 s31, s2;
	s10 =	sadd.s32 s7, s2  }
0xf: {  	s3 =	sadd.s32 s3, s15;
	s12 =	simm.s32 @!p0 $0x18800;
	s15 =	simm.s32 $0xD000  }
0x10: {  	s7 =	sadd.s32 $0x2000, s10;
	s8 =	sadd.s32 $0x4000, s10;
	s9 =	sadd.s32 $0x6000, s10  }
0x11: {  	s10 =	sadd.s32 $0x8000, s10;
	s25 =	sadd.s32 $0x36800, s13;
	s11 =	smax.u32 s14, $0x1  }
0x12: {  	s12 =	sadd.s32 s12, s1;
	s13 =	simm.s32 $0x3;
	s14 =	simm.s32 $0x2800  }
0x13: {  	v0 =	vimm.bf16 $0.0e+00;
	v1 =	vimm.f32 $0.0e+00;
	v2 =	vimm.f32 $1.000000000e+00;
	s22 =	sadd.s32 s22, s3;
	s24 =	sadd.s32 s24, s25;
	s25 =	simm.s32 $0x19000  }
.LBB2_1:
0x14: {  	s1 =	simm.s32 $0x0  }
.LBB2_2:
0x15: {  	p0 =	sne.s32 s1, $0x7F00  }
.Ltmp0:
0x16: {  	s3 =	sshra.s32 s1, $0x2;
	(pc) =	sbr.rel @p0 .LBB2_2-.Ltmp0, $4  }
0x17: {  	[tilespmem:s3+$0xD000] =	vst v0  }
0x18: {  	[tilespmem:s3+$0xD010] =	vst v0  }
0x19: {  	[tilespmem:s3+$0xD020] =	vst v0  }
0x1a: {  	s1 =	sadd.s32 $0x100, s1;
	[tilespmem:s3+$0xD030] =	vst v0  }
0x1b: {  	s1 =	simm.s32 $0x40;
	s3 =	simm.s32 $0x0  }
.LBB2_4:
0x1c: {  	p0 =	sne.s32 s1, $0x9FC0;
	[tilespmem:s3+$0x19000] =	vst v1;
	s3 =	smov.u32 s1;
	s1 =	sadd.s32 $0x40, s1  }
.Ltmp1:
0x1d: {  	(pc) =	sbr.rel @p0 .LBB2_4-.Ltmp1, $2  }
0x1e: {  	_ =	sdelay $0x2  }
0x1f: {  	s3 =	sshra.s32 s3, $0x2  }
0x20: {  	[tilespmem:s3+$0x19000] =	vst v1  }
0x21: {  	[tilespmem:s28], [sflag:$0x3] =	stream.linear.gather [hbm4b:s4+s28], $0x2800, $0x38;
	[tilespmem:$0x1B800] =	vst v63  }
0x22: {  	_ =	swait.ge [sflag:s13], $0x2800  }
0x23: {  	[sflag:s13] =	ssyncset.done $0x0  }
0x24: {  	[sflag:s13] =	ssyncadd.s32 $0xFFFFD800  }
0x25: {  	[tilespmem:s14], [sflag:$0x3] =	stream.linear.gather [hbm4b:s5+s28], $0x2800, $0x38;
	[tilespmem:$0x1B800] =	vst v63  }
0x26: {  	_ =	swait.ge [sflag:s13], $0x2800  }
0x27: {  	[sflag:s13] =	ssyncset.done $0x0  }
0x28: {  	[sflag:s13] =	ssyncadd.s32 $0xFFFFD800  }
0x29: {  	[spmem:s6] =	stream.linear.scatter [tilespmem:s15], [sflag:$0x3], $0x2000, $0x38;
	[tilespmem:$0x1B800] =	vst v63  }
0x2a: {  	_ =	swait.ge [sflag:s13], $0x2000  }
0x2b: {  	[sflag:s13] =	ssyncset.done $0x0  }
0x2c: {  	[sflag:s13] =	ssyncadd.s32 $0xFFFFE000  }
0x2d: {  	[spmem:s7] =	stream.linear.scatter [tilespmem:s15], [sflag:$0x3], $0x2000, $0x38;
	[tilespmem:$0x1B800] =	vst v63  }
0x2e: {  	_ =	swait.ge [sflag:s13], $0x2000  }
0x2f: {  	[sflag:s13] =	ssyncset.done $0x0  }
0x30: {  	[sflag:s13] =	ssyncadd.s32 $0xFFFFE000  }
0x31: {  	[spmem:s8] =	stream.linear.scatter [tilespmem:s15], [sflag:$0x3], $0x2000, $0x38;
	[tilespmem:$0x1B800] =	vst v63  }
0x32: {  	_ =	swait.ge [sflag:s13], $0x2000  }
0x33: {  	[sflag:s13] =	ssyncset.done $0x0  }
0x34: {  	[sflag:s13] =	ssyncadd.s32 $0xFFFFE000  }
0x35: {  	[spmem:s9] =	stream.linear.scatter [tilespmem:s15], [sflag:$0x3], $0x2000, $0x38;
	[tilespmem:$0x1B800] =	vst v63  }
0x36: {  	_ =	swait.ge [sflag:s13], $0x2000  }
0x37: {  	[sflag:s13] =	ssyncset.done $0x0  }
0x38: {  	[sflag:s13] =	ssyncadd.s32 $0xFFFFE000  }
0x39: {  	[spmem:s10] =	stream.linear.scatter [tilespmem:s15], [sflag:$0x3], $0x2000, $0x38;
	[tilespmem:$0x1B800] =	vst v63  }
0x3a: {  	_ =	swait.ge [sflag:s13], $0x2000  }
0x3b: {  	[sflag:s13] =	ssyncset.done $0x0  }
0x3c: {  	[sflag:s13] =	ssyncadd.s32 $0xFFFFE000  }
0x3d: {  	s29 =	simm.s32 $0x0;
	[bflag:$0x0] =	sbarrier.arrive $0xFFFF  }
.LBB2_6:
0x3e: {  	s1 =	sshll.u32 s29, $0x9  }
0x3f: {  	s1 =	sand.u32 $0x3FFFFE00, s1  }
0x40: {  	[tilespmem:s17], [sflag:$0x1] =	stream.indirect.gather [hbm4b:s12+s16], $0x40, s1, s16, $0xb8;
	[tilespmem:$0x1B800] =	vst v63  }
0x41: {  	s3 =	sor.u32 $0x80, s1  }
0x42: {  	[tilespmem:s18], [sflag:$0x1] =	stream.indirect.gather [hbm4b:s12+s16], $0x40, s3, s16, $0xb8;
	[tilespmem:$0x1B800] =	vst v63  }
0x43: {  	s0 =	sor.u32 $0x100, s1  }
0x44: {  	[tilespmem:s19], [sflag:$0x1] =	stream.indirect.gather [hbm4b:s12+s16], $0x40, s0, s16, $0xb8;
	[tilespmem:$0x1B800] =	vst v63  }
0x45: {  	s0 =	sor.u32 $0x180, s1  }
0x46: {  	[tilespmem:s20], [sflag:$0x1] =	stream.indirect.gather [hbm4b:s12+s16], $0x40, s0, s16, $0xb8;
	[tilespmem:$0x1B800] =	vst v63  }
0x47: {  	_ =	swait.ge [sflag:s21], $0x2000  }
0x48: {  	[sflag:s21] =	ssyncset.done $0x0  }
0x49: {  	[sflag:s21] =	ssyncadd.s32 $0xFFFFE000  }
0x4a: {  	_ =	swait.ge [sflag:s21], $0x2000  }
0x4b: {  	[sflag:s21] =	ssyncset.done $0x0  }
0x4c: {  	[sflag:s21] =	ssyncadd.s32 $0xFFFFE000  }
0x4d: {  	_ =	swait.ge [sflag:s21], $0x2000  }
0x4e: {  	[sflag:s21] =	ssyncset.done $0x0  }
0x4f: {  	[sflag:s21] =	ssyncadd.s32 $0xFFFFE000  }
0x50: {  	_ =	swait.ge [sflag:s21], $0x2000  }
0x51: {  	[sflag:s21] =	ssyncset.done $0x0  }
0x52: {  	s30 =	sadd.s32 $0x2800, s1;
	[sflag:s21] =	ssyncadd.s32 $0xFFFFE000  }
0x53: {  	[spmem:s2] =	stream.indirect.scatter.add.bf16 [tilespmem:s17], [sflag:$0x2], $0x40, s30, s16, $0xb8;
	[tilespmem:$0x1B800] =	vst v63  }
0x54: {  	s0 =	sadd.s32 $0x2880, s1  }
0x55: {  	[spmem:s2] =	stream.indirect.scatter.add.bf16 [tilespmem:s18], [sflag:$0x2], $0x40, s0, s16, $0xb8;
	[tilespmem:$0x1B800] =	vst v63  }
0x56: {  	s0 =	sadd.s32 $0x2900, s1  }
0x57: {  	[spmem:s2] =	stream.indirect.scatter.add.bf16 [tilespmem:s19], [sflag:$0x2], $0x40, s0, s16, $0xb8;
	[tilespmem:$0x1B800] =	vst v63  }
0x58: {  	s1 =	sadd.s32 $0x2980, s1  }
0x59: {  	[spmem:s2] =	stream.indirect.scatter.add.bf16 [tilespmem:s20], [sflag:$0x2], $0x40, s1, s16, $0xb8;
	[tilespmem:$0x1B800] =	vst v63  }
0x5a: {  	_ =	swait.ge [sflag:s23], $0x2000  }
0x5b: {  	[sflag:s23] =	ssyncset.done $0x0  }
0x5c: {  	[sflag:s23] =	ssyncadd.s32 $0xFFFFE000  }
0x5d: {  	_ =	swait.ge [sflag:s23], $0x2000  }
0x5e: {  	[sflag:s23] =	ssyncset.done $0x0  }
0x5f: {  	[sflag:s23] =	ssyncadd.s32 $0xFFFFE000  }
0x60: {  	_ =	swait.ge [sflag:s23], $0x2000  }
0x61: {  	[sflag:s23] =	ssyncset.done $0x0  }
0x62: {  	s3 =	sand.u32 $0x600, s28;
	[sflag:s23] =	ssyncadd.s32 $0xFFFFE000  }
0x63: {  	s1 =	sshrl.u32 s3, $0x2;
	_ =	swait.ge [sflag:s23], $0x2000  }
0x64: {  	s0 =	sand.u32 $0x70, s28;
	s1 =	sadd.s32 s1, s30;
	[sflag:s23] =	ssyncset.done $0x0  }
0x65: {  	s1 =	sadd.s32 s0, s1;
	[sflag:s23] =	ssyncadd.s32 $0xFFFFE000  }
0x66: {  	v3 =	vld [tilespmem:s1+$0x0];
	_ =	sdelay $0x3  }
0x67: {  	s31 =	simm.s32 $0x40  }
0x68: {  	s3 =	sand.u32 $0x600, s31;
	s31 =	simm.s32 $0x0;
	s1 =	simm.s32 $0x80  }
.LBB2_7:
0x69: {  	p0 =	sne.s32 s1, $0x7C0;
	s3 =	sshrl.u32 s3, $0x2;
	s31 =	sadd.s32 $0x10, s31  }
0x6a: {  	s0 =	sand.u32 $0x70, s31;
	s3 =	sadd.s32 s3, s30  }
0x6b: {  	s0 =	sadd.s32 s0, s3;
	[tilespmem:v3+s25+$0x0] =	vst.idx.add.f32.msk $0xffff, v2  }
0x6c: {  	v3 =	vld [tilespmem:s0+$0x0]  }
.Ltmp2:
0x6d: {  	(pc) =	sbr.rel @p0 .LBB2_7-.Ltmp2, $2  }
0x6e: {  	_ =	sdelay $0x2  }
0x6f: {  	s3 =	sand.u32 $0x600, s1;
	s1 =	sadd.s32 $0x40, s1  }
0x70: {  	_ =	sdelay $0x1  }
0x71: {  	s0 =	sshrl.u32 s3, $0x2;
	s1 =	sadd.s32 $0x10, s31  }
0x72: {  	s1 =	sand.u32 $0x70, s1;
	s0 =	sadd.s32 s0, s30  }
0x73: {  	[tilespmem:v3+s25+$0x0] =	vst.idx.add.f32.msk $0xffff, v2;
	s0 =	sadd.s32 s1, s0  }
0x74: {  	v3 =	vld [tilespmem:s0+$0x0];
	_ =	sdelay $0x1  }
0x75: {  	s29 =	sadd.s32 $0x1, s29  }
0x76: {  	p0 =	sne.s32 s29, $0x14  }
.Ltmp3:
0x77: {  	_ = 	snop;
	(pc) =	sbr.rel @p0 .LBB2_6-.Ltmp3, $2  }
0x78: {  	_ =	sdelay $0x2  }
0x79: {  	[tilespmem:v3+s25+$0x0] =	vst.idx.add.f32.msk $0xffff, v2  }
0x7a: {  	s0 =	stileid.u32  }
0x7b: {  	s0 =	sshll.u32 s0, $0x6  }
0x7c: {  	[bflag:$0x0] =	sbarrier.arrive $0xFFFF;
	s1 =	sshrl.u32 s6, $0x3;
	s0 =	sor.u32 $0x1C03, s0  }
0x7d: {  	[hbm:s22], [sflag:s0] =	dma.local [spmem:s1], $0x1400  }
0x7e: {  	s26 =	sadd.s32 $0x1, s26;
	_ =	swait.ge [sflag:s13], $0x1400  }
0x7f: {  	p0 =	sne.s32 s26, s11;
	[sflag:s13] =	ssyncset.done $0x0  }
.Ltmp4:
0x80: {  	s31 =	simm.s32 $0x0;
	[sflag:s13] =	ssyncadd.s32 $0xFFFFEC00;
	(pc) =	sbr.rel @p0 .LBB2_1-.Ltmp4, $4  }
0x81: {  	[hbm4b:s24+s31] =	stream.linear.scatter [tilespmem:s25], [sflag:$0x3], $0x2800, $0x38;
	[tilespmem:$0x1B800] =	vst v63  }
0x82: {  	_ =	swait.ge [sflag:s13], $0x2800  }
0x83: {  	[sflag:s13] =	ssyncset.done $0x0  }
0x84: {  	[sflag:s13] =	ssyncadd.s32 $0xFFFFD800  }
0x85: {  	_ =	sfence.sel $0x180000  }
0x86: {  	[bflag:$0x0] =	sbarrier.arrive $0xFFFF  }
0x87: {  	_ =	strace $0x90000047  }
0x88: {  	s0 =	stileid.u32;
	[bflag:$0x2] =	sbarrier.arrive $0xFFFF  }
0x89: {  	p0 =	sne.s32 s0, $0x0;
	s0 =	rddreg [dreg:$0x3]  }
0x8a: {  	s0 =	sadd.s32 @!p0 $0x100000, s0  }
0x8b: {  	[sflag:s0] =	ssyncadd.tile.s32 @!p0 $0x1;
	_ =	shalt  }
.Lfunc_end2:
_tile_overlayer_lowered:
.L_overlay_start_2:
0x8c: {  	(tag) =	ssettag $0x2  }
0x8d: {  	s0 =	rddreg [dreg:$0x0];
	s2 =	stileid.u32  }
0x8e: {  	s1 =	rddreg [dreg:$0x1];
	p0 =	sne.s32 s2, $0x0  }
0x8f: {  	s3 =	rddreg [dreg:$0x2];
	[bflag:$0x3] =	sbarrier.arrive $0xFFFF;
	s2 =	simm.s32 @!p0 $0x1C03  }
0x90: {  	[timem:s3], [sflag:s2] =	dma.local @!p0 [hbm:s0], s1  }
0x91: {  	s0 =	simm.s32 @!p0 $0x3  }
0x92: {  	_ =	swait.ge @!p0 [sflag:s0], s1  }
0x93: {  	s1 =	ssub.s32 @!p0 $0x0, s1;
	[sflag:s0] =	ssyncset.done @!p0 $0x0  }
0x94: {  	[sflag:s0] =	ssyncadd.s32 @!p0 s1  }
0x95: {  	[bflag:$0x3] =	sbarrier.arrive $0xFFFF  }
0x96: {  	_ =	shalt  }

// kernel: kernel.13.cloned.1.call-start
scs
__scs_entry_jumppad:
0x0: {  	(pc) =	sbr.rel $0x88, $3  }
0x1: {  	(tag) =	ssettag $0x0;
	lr =	simm.s32 $0x1  }
0x2: {  	[smem:$0x3F93] =	sst lr;
	_ =	strace $0xD0000000  }
0x3: {  	_ = 	snop  }
0x4: {  	_ = 	snop  }
0x5: {  	_ = 	snop  }
0x6: {  	_ = 	snop  }
0x7: {  	_ = 	snop  }
__scs_overlays_trampoline_lowered:
0x8: {  	[smem:$0x3FA2] =	sst s0  }
0x9: {  	[smem:$0x3FA3] =	sst s1  }
0xa: {  	[smem:$0x3FA4] =	sst s2  }
0xb: {  	[smem:$0x3FA5] =	sst s3  }
0xc: {  	[smem:$0x3FA6] =	sst s4  }
0xd: {  	[smem:$0x3FA7] =	sst s5  }
0xe: {  	[smem:$0x3FA8] =	sst s6  }
0xf: {  	[smem:$0x3FA9] =	sst s7  }
0x10: {  	[smem:$0x3FAA] =	sst s8  }
0x11: {  	[smem:$0x3FAB] =	sst s9;
	s0 =	simm.s32 @!p0 $0x0  }
0x12: {  	s1 =	sld [smem:$0x3F91];
	s0 =	simm.s32 @p0 $0x1  }
0x13: {  	[smem:$0x3FAC] =	sst s0;
	s0 =	simm.s32 @!p1 $0x0  }
0x14: {  	s2 =	sld [smem:$0x3F90];
	s0 =	simm.s32 @p1 $0x1  }
0x15: {  	[smem:$0x3FAD] =	sst s0;
	s0 =	simm.s32 @!p2 $0x0  }
0x16: {  	s3 =	sld [smem:$0x3FDB];
	s0 =	simm.s32 @p2 $0x1  }
0x17: {  	s4 =	simm.s32 $0x1BF5;
	[smem:$0x3FAF] =	sst s0  }
0x18: {  	s0 =	sld [smem:$0x3F92];
	_ =	swait.ge [sflag:s4], $0x0  }
0x19: {  	s7 =	sld [smem:$0x3F93]  }
0x1a: {  	s8 =	sadd.s32 $0xFFFFE003, lr  }
0x1b: {  	s9 =	sadd.s32 $0xFFFFFEF7, lr;
	s5 =	simm.s32 $0xFFFFFFFF;
	p2 =	slt.u32 s8, $0xFFFFF086  }
0x1c: {  	p1 =	slt.u32 s9, $0xF7A;
	s5 =	simm.s32 @!p2 $0x0  }
0x1d: {  	s5 =	simm.s32 @p1 $0x1;
	p0 =	seq.s32 s7, s2  }
0x1e: {  	s7 =	smul.u32 @!p0 $0xF7A, s2;
	p2 =	seq.s32 @!p0 s5, $0x0  }
0x1f: {  	s9 =	smul.u32 $0xF7A, s1;
	s8 =	simm.s32 @!p0 $0x1BF5;
	p2 =	por !p2, p0  }
0x20: {  	[sflag:s8] =	ssyncset.s32 @!p0 $0xFFFFF086;
	s6 =	sadd.s32 @!p0 s3, s7;
	s7 =	simm.s32 @!p0 $0x108  }
0x21: {  	s3 =	sadd.s32 s3, s9;
	s6 =	sadd.s32 @!p0 $0x88, s6;
	s7 =	simm.s32 @p2 $0x1082  }
0x22: {  	[simem:s7], [sflag:s8] =	dma.local @!p0 [hbm:s6], $0xF7A  }
0x23: {  	s9 =	sor.u32 $0xD0000000, s2;
	s6 =	simm.s32 $0x108;
	_ =	swait.ge @!p0 [sflag:s8], $0x0  }
0x24: {  	s3 =	sadd.s32 $0x88, s3;
	s6 =	simm.s32 @!p1 $0x1082;
	[sflag:s4] =	ssyncset.s32 $0xFFFFF086  }
0x25: {  	[simem:s6], [sflag:s4] =	dma.local [hbm:s3], $0xF7A  }
0x26: {  	[smem:$0x3F93] =	sst s1;
	(tag) =	ssettag s2;
	_ =	strace s9  }
0x27: {  	s1 =	sld [smem:$0x3FA3]  }
0x28: {  	s2 =	sld [smem:$0x3FA4]  }
0x29: {  	s4 =	sld [smem:$0x3FA6]  }
0x2a: {  	p0 =	seq.s32 s5, $0x0;
	s5 =	sld [smem:$0x3FA7]  }
0x2b: {  	s6 =	sld [smem:$0x3FA8]  }
0x2c: {  	s7 =	sld [smem:$0x3FA9]  }
0x2d: {  	s3 =	simm.s32 $0x108;
	s8 =	sld [smem:$0x3FAA]  }
0x2e: {  	s3 =	simm.s32 @!p0 $0x1082;
	s9 =	sld [smem:$0x3FAB]  }
0x2f: {  	lr =	sadd.s32 s0, s3;
	s0 =	sld [smem:$0x3FA2]  }
0x30: {  	s3 =	sld [smem:$0x3FA5]  }
0x31: {  	[smem:$0x3FAE] =	sst s10  }
0x32: {  	s10 =	sld [smem:$0x3FAC];
	_ =	sdelay $0x3  }
0x33: {  	p0 =	seq.s32 s10, $0x1;
	s10 =	sld [smem:$0x3FAE];
	_ =	sdelay $0x3  }
0x34: {  	[smem:$0x3FAE] =	sst s10  }
0x35: {  	s10 =	sld [smem:$0x3FAD];
	_ =	sdelay $0x3  }
0x36: {  	p1 =	seq.s32 s10, $0x1;
	s10 =	sld [smem:$0x3FAE];
	_ =	sdelay $0x3  }
0x37: {  	[smem:$0x3FAE] =	sst s10  }
0x38: {  	s10 =	sld [smem:$0x3FAF]  }
0x39: {  	_ = 	snop;
	(pc) =	sbr.ind lr, $3  }
0x3a: {  	_ = 	snop  }
0x3b: {  	_ = 	snop  }
0x3c: {  	p2 =	seq.s32 s10, $0x1;
	s10 =	sld [smem:$0x3FAE]  }
0x3d: {  	_ =	shalt  }
0x3e: {  	_ =	shalt  }
0x3f: {  	_ =	shalt  }
0x40: {  	_ =	shalt  }
0x41: {  	_ =	shalt  }
0x42: {  	_ =	shalt  }
0x43: {  	_ =	shalt  }
0x44: {  	_ =	shalt  }
0x45: {  	_ =	shalt  }
0x46: {  	_ =	shalt  }
0x47: {  	_ =	shalt  }
0x48: {  	_ =	shalt  }
0x49: {  	_ =	shalt  }
0x4a: {  	_ =	shalt  }
0x4b: {  	_ =	shalt  }
0x4c: {  	_ =	shalt  }
0x4d: {  	_ =	shalt  }
0x4e: {  	_ =	shalt  }
0x4f: {  	_ =	shalt  }
0x50: {  	_ =	shalt  }
0x51: {  	_ =	shalt  }
0x52: {  	_ =	shalt  }
0x53: {  	_ =	shalt  }
0x54: {  	_ =	shalt  }
0x55: {  	_ =	shalt  }
0x56: {  	_ =	shalt  }
0x57: {  	_ =	shalt  }
0x58: {  	_ =	shalt  }
0x59: {  	_ =	shalt  }
0x5a: {  	_ =	shalt  }
0x5b: {  	_ =	shalt  }
0x5c: {  	_ =	shalt  }
0x5d: {  	_ =	shalt  }
0x5e: {  	_ =	shalt  }
0x5f: {  	_ =	shalt  }
0x60: {  	_ =	shalt  }
0x61: {  	_ =	shalt  }
0x62: {  	_ =	shalt  }
0x63: {  	_ =	shalt  }
0x64: {  	_ =	shalt  }
0x65: {  	_ =	shalt  }
0x66: {  	_ =	shalt  }
0x67: {  	_ =	shalt  }
0x68: {  	_ =	shalt  }
0x69: {  	_ =	shalt  }
0x6a: {  	_ =	shalt  }
0x6b: {  	_ =	shalt  }
0x6c: {  	_ =	shalt  }
0x6d: {  	_ =	shalt  }
0x6e: {  	_ =	shalt  }
0x6f: {  	_ =	shalt  }
0x70: {  	_ =	shalt  }
0x71: {  	_ =	shalt  }
0x72: {  	_ =	shalt  }
0x73: {  	_ =	shalt  }
0x74: {  	_ =	shalt  }
0x75: {  	_ =	shalt  }
0x76: {  	_ =	shalt  }
0x77: {  	_ =	shalt  }
0x78: {  	_ =	shalt  }
0x79: {  	_ =	shalt  }
0x7a: {  	_ =	shalt  }
0x7b: {  	_ =	shalt  }
0x7c: {  	_ =	shalt  }
0x7d: {  	_ =	shalt  }
0x7e: {  	_ =	shalt  }
0x7f: {  	_ =	shalt  }
0x80: {  	_ =	shalt  }
0x81: {  	_ =	shalt  }
0x82: {  	_ =	shalt  }
0x83: {  	_ =	shalt  }
0x84: {  	_ =	shalt  }
0x85: {  	_ =	shalt  }
0x86: {  	_ =	shalt  }
0x87: {  	_ =	shalt  }
.Lfunc_end0:
.L_simem_size_0:
called_computation.1_lowered:
.L_overlay_start_0:
0x88: {  	s2 =	sld [smem:$0x3FD9]  }
0x89: {  	s3 =	sld [smem:$0x3FFE];
	_ =	sdelay $0x1  }
0x8a: {  	s1 =	srdreg.scid  }
0x8b: {  	s0 =	sand.u32 $0x1, s1  }
0x8c: {  	s16 =	sshll.u32 s0, $0xA;
	s2 =	sadd.s32 s3, s2  }
0x8d: {  	s2 =	sadd.s32 s2, s16  }
0x8e: {  	[smem:$0x3FBA] =	sst s2  }
0x8f: {  	_ = 	snop  }
0x90: {  	(tm) =	ssettm $0x1  }
0x91: {  	s17 =	sld [smem:$0x3FFB];
	_ =	sdelay $0x3  }
0x92: {  	_ =	strace s17  }
0x93: {  	s2 =	sld [smem:$0x3FFC];
	_ =	sdelay $0x3  }
0x94: {  	_ =	strace s2  }
0x95: {  	s2 =	sld [smem:$0x3FFD];
	_ =	sdelay $0x3  }
0x96: {  	_ =	strace s2  }
0x97: {  	_ =	strace $0x8FFFFFFF  }
0x98: {  	s18 =	sld [smem:$0x3FDB];
	_ =	sdelay $0x1  }
0x99: {  	s19 =	simm.s32 $_scs_section_size  }
0x9a: {  	s4 =	simm.s32 $_size__tile_overlayer_lowered;
	s5 =	simm.s32 $_tile_overlayer_lowered  }
0x9b: {  	s22 =	simm.s32 $0x1BFF;
	s21 =	sshll.u32 s5, $0x1;
	s2 =	sadd.s32 s19, s18  }
0x9c: {  	s6 =	simm.s32 $0x0;
	s20 =	sshll.u32 s4, $0x1;
	s4 =	sadd.s32 s21, s2  }
0x9d: {  	[timem:s6], [sflag:s22] =	dma.local [hbm:s4], s20  }
0x9e: {  	_ =	swait.ge [sflag:s22], s20  }
0x9f: {  	s3 =	ssub.s32 $0x0, s20;
	[sflag:s22] =	ssyncset.done $0x0  }
0xa0: {  	[sflag:s22] =	ssyncadd.s32 s3;
	_ =	sdelay $0x1  }
0xa1: {  	s23 =	simm.s32 $0x1B8B  }
0xa2: {  	_ =	swait.ge [sflag:s23], $0x1  }
0xa3: {  	[sflag:s23] =	ssyncset.done $0x0  }
0xa4: {  	s25 =	simm.s32 $0x1B8E;
	s24 =	sld [smem:$0x3FFE];
	[sflag:s23] =	ssyncadd.s32 $0xFFFFFFFF  }
0xa5: {  	s26 =	simm.s32 $execute0_lowered;
	[smem:$0x3FD2] =	sst s25  }
0xa6: {  	s4 =	sshll.u32 s26, $0x1;
	_ =	strace $0x80000049;
	[dreg:$0x1] =	wrdreg $0xFFFFFFFF  }
0xa7: {  	s28 =	simm.s32 $_size_execute0_lowered;
	s2 =	sadd.s32 s2, s4;
	[dreg:$0x0] =	wrdreg $0x0  }
0xa8: {  	s4 =	sshll.u32 s28, $0x1;
	[dreg:$0x2] =	wrdreg s2  }
0xa9: {  	[dreg:$0x3] =	wrdreg s4  }
0xaa: {  	[dreg:$0x4] =	wrdreg $0xC0  }
0xab: {  	_ =	task [dreg:s6], $0x5FFFF  }
0xac: {  	[dreg:$0x1] =	wrdreg $0xFFFFFFFF  }
0xad: {  	[dreg:$0x0] =	wrdreg $0x60  }
0xae: {  	[dreg:$0x2] =	wrdreg s24  }
0xaf: {  	[dreg:$0x3] =	wrdreg $0x5C000  }
0xb0: {  	[dreg:$0x4] =	wrdreg $0x9  }
0xb1: {  	_ =	task.clear_ibuf [dreg:s6], $0x5FFFF;
	_ =	strace $0x90000049  }
0xb2: {  	s29 =	simm.s32 $0x9;
	_ =	strace $0x8000004B  }
0xb3: {  	_ =	swait.ge [sflag:s29], $0x1  }
0xb4: {  	[sflag:s29] =	ssyncadd.s32 $0xFFFFFFFF  }
0xb5: {  	_ =	strace $0x9000004B  }
0xb6: {  	_ =	sfence  }
0xb7: {  	s30 =	sld [smem:$0x0];
	_ =	sdelay $0x2  }
0xb8: {  	s31 =	sshll.u32 s1, $0xD;
	s1 =	sshrl.u32 s1, $0x2  }
0xb9: {  	s3 =	sand.u32 $0x4000, s31;
	s1 =	sadd.s32 s1, s30  }
0xba: {  	s0 =	sor.u32 s3, s0;
	s1 =	sshll.u32 s1, $0x11  }
0xbb: {  	s0 =	sor.u32 s1, s0  }
0xbc: {  	s0 =	sadd.s32 $0x8F2B, s0  }
0xbd: {  	[sflag:s0] =	ssyncadd.remote.s32 $0x1  }
0xbe: {  	_ =	sfence.sel $0xFFFF  }
0xbf: {  	[dreg:$0x0] =	wrdreg $0xFFFFFFFF;
	(pc) =	sbr.abs _section_cstart, $3  }
0xc0: {  	[dreg:$0x1] =	wrdreg $0xFFFFFFFF  }
0xc1: {  	_ =	task.clear_ibuf [dreg:s6], $0x2FFFF;
	_ =	strace $0x9FFFFFFF  }
0xc2: {  	(tm) =	ssettm $0x7FFFFFFF  }
0xc3: {  	_ =	shalt  }
tec
execute0_lowered:
.L_overlay_start_1:
0x0: {  	(tag) =	ssettag $0x1  }
0x1: {  	s6 =	rddreg [dreg:$0x0]  }
0x2: {  	s0 =	srdreg.scid;
	s2 =	rddreg [dreg:$0x1]  }
0x3: {  	s3 =	simm.s32 $0x0;
	s13 =	simm.s32 $0x80;
	s14 =	simm.s32 $0x2800  }
0x4: {  	s15 =	simm.s32 $0x3000;
	s16 =	simm.s32 $0x3800;
	s17 =	simm.s32 $0x4000  }
0x5: {  	s18 =	simm.s32 $0x1;
	s5 =	sand.u32 $0x1, s0;
	s0 =	stileid.u32  }
0x6: {  	s19 =	simm.s32 $0x2;
	[smem:$0x7FF] =	sst s3;
	s9 =	smul.u32 $0x5000, s0  }
0x7: {  	s1 =	sshll.u32 s5, $0x4;
	s8 =	smul.u32 $0x5000, s5;
	s28 =	ssub.s32 $0x2, s5  }
0x8: {  	s4 =	sor.u32 s0, s1;
	s1 =	rddreg [dreg:$0x2];
	_ =	strace $0x8000004A  }
0x9: {  	s30 =	sshrl.u32 s28, $0x1;
	s7 =	smul.u32 $0x280, s4;
	s4 =	sadd.s32 $0x4800, s6  }
0xa: {  	s29 =	sshrl.u32 s9, $0x2;
	s11 =	sadd.s32 s8, s6;
	s12 =	ssub.s32 s28, s30  }
0xb: {  	s31 =	sshrl.u32 s9, $0x1;
	s21 =	sshrl.u32 s9, $0x4;
	s5 =	sadd.s32 s29, s2  }
0xc: {  	s20 =	sadd.s32 $0x9800, s11;
	s22 =	sadd.s32 s31, s2;
	s9 =	smax.u32 s12, $0x1  }
0xd: {  	s11 =	simm.s32 $0x3;
	s12 =	simm.s32 $0x1400;
	s10 =	sadd.s32 s7, s6  }
0xe: {  	s6 =	sadd.s32 $0x14000, s5;
	s20 =	sadd.s32 s21, s20;
	s21 =	sshrl.u32 s22, $0x3  }
0xf: {  	v0 =	vimm.bf16 $0.0e+00;
	s7 =	sadd.s32 $0x31800, s10;
	s8 =	sadd.s32 $0x2C800, s10;
	s10 =	simm.s32 $0x4800  }
.LBB2_1:
0x10: {  	s22 =	simm.s32 $0x40;
	s23 =	simm.s32 $0x0  }
.LBB2_2:
0x11: {  	p0 =	sne.s32 s22, $0x4FC0;
	[tilespmem:s23+$0x4800] =	vst v0;
	s23 =	smov.u32 s22;
	s22 =	sadd.s32 $0x40, s22  }
.Ltmp0:
0x12: {  	(pc) =	sbr.rel @p0 .LBB2_2-.Ltmp0, $2  }
0x13: {  	_ =	sdelay $0x2  }
0x14: {  	s23 =	sshra.s32 s23, $0x2  }
0x15: {  	[tilespmem:s23+$0x4800] =	vst v0  }
0x16: {  	[spmem:s5] =	stream.linear.scatter [tilespmem:s10], [sflag:$0x3], $0x1400, $0x38;
	[tilespmem:$0x8400] =	vst v63  }
0x17: {  	_ =	swait.ge [sflag:s11], $0x1400  }
0x18: {  	[sflag:s11] =	ssyncset.done $0x0  }
0x19: {  	[sflag:s11] =	ssyncadd.s32 $0xFFFFEC00  }
0x1a: {  	[spmem:s6] =	stream.linear.scatter [tilespmem:s10], [sflag:$0x3], $0x1400, $0x38;
	[tilespmem:$0x8400] =	vst v63  }
0x1b: {  	_ =	swait.ge [sflag:s11], $0x1400  }
0x1c: {  	[sflag:s11] =	ssyncset.done $0x0  }
0x1d: {  	s22 =	simm.s32 $0x0;
	[sflag:s11] =	ssyncadd.s32 $0xFFFFEC00  }
0x1e: {  	[tilespmem:s22], [sflag:$0x3] =	stream.linear.gather [hbm4b:s7+s22], $0x1400, $0x38;
	[tilespmem:$0x8400] =	vst v63  }
0x1f: {  	_ =	swait.ge [sflag:s11], $0x1400  }
0x20: {  	[sflag:s11] =	ssyncset.done $0x0  }
0x21: {  	[sflag:s11] =	ssyncadd.s32 $0xFFFFEC00  }
0x22: {  	[tilespmem:s12], [sflag:$0x3] =	stream.linear.gather [hbm4b:s8+s22], $0x1400, $0x38;
	[tilespmem:$0x8400] =	vst v63  }
0x23: {  	_ =	swait.ge [sflag:s11], $0x1400  }
0x24: {  	[sflag:s11] =	ssyncset.done $0x0  }
0x25: {  	[sflag:s11] =	ssyncadd.s32 $0xFFFFEC00  }
0x26: {  	s23 =	simm.s32 $0x0;
	[bflag:$0x0] =	sbarrier.arrive $0xFFFF  }
0x27: {  	[tilespmem:s14], [sflag:$0x1] =	stream.indirect.gather [hbm4b:s4+s13], $0x10, s23, s13, $0xb8;
	[tilespmem:$0x8400] =	vst v63  }
0x28: {  	s24 =	simm.s32 $0x80  }
0x29: {  	[tilespmem:s15], [sflag:$0x1] =	stream.indirect.gather [hbm4b:s4+s13], $0x10, s24, s13, $0xb8;
	[tilespmem:$0x8400] =	vst v63  }
0x2a: {  	s25 =	simm.s32 $0x100  }
0x2b: {  	[tilespmem:s16], [sflag:$0x1] =	stream.indirect.gather [hbm4b:s4+s13], $0x10, s25, s13, $0xb8;
	[tilespmem:$0x8400] =	vst v63  }
0x2c: {  	s26 =	simm.s32 $0x180  }
0x2d: {  	[tilespmem:s17], [sflag:$0x1] =	stream.indirect.gather [hbm4b:s4+s13], $0x10, s26, s13, $0xb8;
	[tilespmem:$0x8400] =	vst v63  }
0x2e: {  	_ =	swait.ge [sflag:s18], $0x800  }
0x2f: {  	[sflag:s18] =	ssyncset.done $0x0  }
0x30: {  	[sflag:s18] =	ssyncadd.s32 $0xFFFFF800  }
0x31: {  	_ =	swait.ge [sflag:s18], $0x800  }
0x32: {  	[sflag:s18] =	ssyncset.done $0x0  }
0x33: {  	[sflag:s18] =	ssyncadd.s32 $0xFFFFF800  }
0x34: {  	_ =	swait.ge [sflag:s18], $0x800  }
0x35: {  	[sflag:s18] =	ssyncset.done $0x0  }
0x36: {  	[sflag:s18] =	ssyncadd.s32 $0xFFFFF800  }
0x37: {  	_ =	swait.ge [sflag:s18], $0x800  }
0x38: {  	[sflag:s18] =	ssyncset.done $0x0  }
0x39: {  	s28 =	simm.s32 $0x1400;
	[sflag:s18] =	ssyncadd.s32 $0xFFFFF800  }
0x3a: {  	[spmem:s2] =	stream.indirect.scatter.add.bf16 [tilespmem:s14], [sflag:$0x2], $0x10, s28, s13, $0xb8;
	[tilespmem:$0x8400] =	vst v63  }
0x3b: {  	s29 =	simm.s32 $0x1480  }
0x3c: {  	[spmem:s2] =	stream.indirect.scatter.add.bf16 [tilespmem:s15], [sflag:$0x2], $0x10, s29, s13, $0xb8;
	[tilespmem:$0x8400] =	vst v63  }
0x3d: {  	s30 =	simm.s32 $0x1500  }
0x3e: {  	[spmem:s2] =	stream.indirect.scatter.add.bf16 [tilespmem:s16], [sflag:$0x2], $0x10, s30, s13, $0xb8;
	[tilespmem:$0x8400] =	vst v63  }
0x3f: {  	s31 =	simm.s32 $0x1580  }
0x40: {  	[spmem:s2] =	stream.indirect.scatter.add.bf16 [tilespmem:s17], [sflag:$0x2], $0x10, s31, s13, $0xb8;
	[tilespmem:$0x8400] =	vst v63  }
0x41: {  	_ =	swait.ge [sflag:s19], $0x800  }
0x42: {  	[sflag:s19] =	ssyncset.done $0x0  }
0x43: {  	[sflag:s19] =	ssyncadd.s32 $0xFFFFF800  }
0x44: {  	_ =	swait.ge [sflag:s19], $0x800  }
0x45: {  	[sflag:s19] =	ssyncset.done $0x0  }
0x46: {  	[sflag:s19] =	ssyncadd.s32 $0xFFFFF800  }
0x47: {  	_ =	swait.ge [sflag:s19], $0x800  }
0x48: {  	[sflag:s19] =	ssyncset.done $0x0  }
0x49: {  	[sflag:s19] =	ssyncadd.s32 $0xFFFFF800  }
0x4a: {  	_ =	swait.ge [sflag:s19], $0x800  }
0x4b: {  	s22 =	simm.s32 $0x800;
	s24 =	simm.s32 $0x1000;
	[sflag:s19] =	ssyncset.done $0x0  }
.LBB2_4:
0x4c: {  	s25 =	sshra.s32 s22, $0x2  }
0x4d: {  	[sflag:s19] =	ssyncadd.s32 $0xFFFFF800;
	s22 =	smov.u32 s24;
	s23 =	sadd.s32 $0x800, s24  }
0x4e: {  	[tilespmem:s14], [sflag:$0x1] =	stream.indirect.gather [hbm4b:s4+s13], $0x10, s25, s13, $0xb8;
	[tilespmem:$0x8400] =	vst v63  }
0x4f: {  	p0 =	sne.s32 s24, $0x4800;
	s24 =	sadd.s32 $0x80, s25  }
0x50: {  	[tilespmem:s15], [sflag:$0x1] =	stream.indirect.gather [hbm4b:s4+s13], $0x10, s24, s13, $0xb8;
	[tilespmem:$0x8400] =	vst v63  }
0x51: {  	s24 =	sadd.s32 $0x100, s25  }
0x52: {  	[tilespmem:s16], [sflag:$0x1] =	stream.indirect.gather [hbm4b:s4+s13], $0x10, s24, s13, $0xb8;
	[tilespmem:$0x8400] =	vst v63  }
0x53: {  	s24 =	sadd.s32 $0x180, s25  }
0x54: {  	[tilespmem:s17], [sflag:$0x1] =	stream.indirect.gather [hbm4b:s4+s13], $0x10, s24, s13, $0xb8;
	[tilespmem:$0x8400] =	vst v63  }
0x55: {  	_ =	swait.ge [sflag:s18], $0x800  }
0x56: {  	[sflag:s18] =	ssyncset.done $0x0  }
0x57: {  	[sflag:s18] =	ssyncadd.s32 $0xFFFFF800  }
0x58: {  	_ =	swait.ge [sflag:s18], $0x800  }
0x59: {  	[sflag:s18] =	ssyncset.done $0x0  }
0x5a: {  	[sflag:s18] =	ssyncadd.s32 $0xFFFFF800  }
0x5b: {  	_ =	swait.ge [sflag:s18], $0x800  }
0x5c: {  	[sflag:s18] =	ssyncset.done $0x0  }
0x5d: {  	[sflag:s18] =	ssyncadd.s32 $0xFFFFF800  }
0x5e: {  	_ =	swait.ge [sflag:s18], $0x800  }
0x5f: {  	[sflag:s18] =	ssyncset.done $0x0  }
0x60: {  	s24 =	sadd.s32 $0x1400, s25;
	[sflag:s18] =	ssyncadd.s32 $0xFFFFF800  }
0x61: {  	[spmem:s2] =	stream.indirect.scatter.add.bf16 [tilespmem:s14], [sflag:$0x2], $0x10, s24, s13, $0xb8;
	[tilespmem:$0x8400] =	vst v63  }
0x62: {  	s24 =	sadd.s32 $0x1480, s25  }
0x63: {  	[spmem:s2] =	stream.indirect.scatter.add.bf16 [tilespmem:s15], [sflag:$0x2], $0x10, s24, s13, $0xb8;
	[tilespmem:$0x8400] =	vst v63  }
0x64: {  	s24 =	sadd.s32 $0x1500, s25  }
0x65: {  	[spmem:s2] =	stream.indirect.scatter.add.bf16 [tilespmem:s16], [sflag:$0x2], $0x10, s24, s13, $0xb8;
	[tilespmem:$0x8400] =	vst v63  }
0x66: {  	s24 =	sadd.s32 $0x1580, s25  }
0x67: {  	[spmem:s2] =	stream.indirect.scatter.add.bf16 [tilespmem:s17], [sflag:$0x2], $0x10, s24, s13, $0xb8;
	[tilespmem:$0x8400] =	vst v63  }
0x68: {  	_ =	swait.ge [sflag:s19], $0x800  }
0x69: {  	[sflag:s19] =	ssyncset.done $0x0  }
0x6a: {  	[sflag:s19] =	ssyncadd.s32 $0xFFFFF800  }
0x6b: {  	_ =	swait.ge [sflag:s19], $0x800  }
0x6c: {  	[sflag:s19] =	ssyncset.done $0x0  }
0x6d: {  	[sflag:s19] =	ssyncadd.s32 $0xFFFFF800  }
.Ltmp1:
0x6e: {  	_ =	swait.ge [sflag:s19], $0x800;
	(pc) =	sbr.rel @p0 .LBB2_4-.Ltmp1, $4  }
0x6f: {  	[sflag:s19] =	ssyncset.done $0x0  }
0x70: {  	[sflag:s19] =	ssyncadd.s32 $0xFFFFF800  }
0x71: {  	_ =	swait.ge [sflag:s19], $0x800  }
0x72: {  	s24 =	smov.u32 s23;
	[sflag:s19] =	ssyncset.done $0x0  }
0x73: {  	s22 =	sshra.s32 s22, $0x2;
	[sflag:s19] =	ssyncadd.s32 $0xFFFFF800  }
0x74: {  	[tilespmem:s14], [sflag:$0x1] =	stream.indirect.gather [hbm4b:s4+s13], $0x10, s22, s13, $0xb8;
	[tilespmem:$0x8400] =	vst v63  }
0x75: {  	s23 =	sadd.s32 $0x80, s22  }
0x76: {  	[tilespmem:s15], [sflag:$0x1] =	stream.indirect.gather [hbm4b:s4+s13], $0x10, s23, s13, $0xb8;
	[tilespmem:$0x8400] =	vst v63  }
0x77: {  	s25 =	sadd.s32 $0x100, s22  }
0x78: {  	[tilespmem:s16], [sflag:$0x1] =	stream.indirect.gather [hbm4b:s4+s13], $0x10, s25, s13, $0xb8;
	[tilespmem:$0x8400] =	vst v63  }
0x79: {  	s26 =	sadd.s32 $0x180, s22  }
0x7a: {  	[tilespmem:s17], [sflag:$0x1] =	stream.indirect.gather [hbm4b:s4+s13], $0x10, s26, s13, $0xb8;
	[tilespmem:$0x8400] =	vst v63  }
0x7b: {  	_ =	swait.ge [sflag:s18], $0x800  }
0x7c: {  	[sflag:s18] =	ssyncset.done $0x0  }
0x7d: {  	[sflag:s18] =	ssyncadd.s32 $0xFFFFF800  }
0x7e: {  	_ =	swait.ge [sflag:s18], $0x800  }
0x7f: {  	[sflag:s18] =	ssyncset.done $0x0  }
0x80: {  	[sflag:s18] =	ssyncadd.s32 $0xFFFFF800  }
0x81: {  	_ =	swait.ge [sflag:s18], $0x800  }
0x82: {  	[sflag:s18] =	ssyncset.done $0x0  }
0x83: {  	[sflag:s18] =	ssyncadd.s32 $0xFFFFF800  }
0x84: {  	_ =	swait.ge [sflag:s18], $0x800  }
0x85: {  	[sflag:s18] =	ssyncset.done $0x0  }
0x86: {  	s28 =	sadd.s32 $0x1400, s22;
	[sflag:s18] =	ssyncadd.s32 $0xFFFFF800  }
0x87: {  	[spmem:s2] =	stream.indirect.scatter.add.bf16 [tilespmem:s14], [sflag:$0x2], $0x10, s28, s13, $0xb8;
	[tilespmem:$0x8400] =	vst v63  }
0x88: {  	s29 =	sadd.s32 $0x1480, s22  }
0x89: {  	[spmem:s2] =	stream.indirect.scatter.add.bf16 [tilespmem:s15], [sflag:$0x2], $0x10, s29, s13, $0xb8;
	[tilespmem:$0x8400] =	vst v63  }
0x8a: {  	s30 =	sadd.s32 $0x1500, s22  }
0x8b: {  	[spmem:s2] =	stream.indirect.scatter.add.bf16 [tilespmem:s16], [sflag:$0x2], $0x10, s30, s13, $0xb8;
	[tilespmem:$0x8400] =	vst v63  }
0x8c: {  	s22 =	sadd.s32 $0x1580, s22  }
0x8d: {  	[spmem:s2] =	stream.indirect.scatter.add.bf16 [tilespmem:s17], [sflag:$0x2], $0x10, s22, s13, $0xb8;
	[tilespmem:$0x8400] =	vst v63  }
0x8e: {  	_ =	swait.ge [sflag:s19], $0x800  }
0x8f: {  	[sflag:s19] =	ssyncset.done $0x0  }
0x90: {  	[sflag:s19] =	ssyncadd.s32 $0xFFFFF800  }
0x91: {  	_ =	swait.ge [sflag:s19], $0x800  }
0x92: {  	[sflag:s19] =	ssyncset.done $0x0  }
0x93: {  	[sflag:s19] =	ssyncadd.s32 $0xFFFFF800  }
0x94: {  	_ =	swait.ge [sflag:s19], $0x800  }
0x95: {  	[sflag:s19] =	ssyncset.done $0x0  }
0x96: {  	[sflag:s19] =	ssyncadd.s32 $0xFFFFF800  }
0x97: {  	_ =	swait.ge [sflag:s19], $0x800  }
0x98: {  	s3 =	sadd.s32 $0x1, s3;
	[sflag:s19] =	ssyncset.done $0x0  }
0x99: {  	s31 =	sshll.u32 s0, $0x6;
	p0 =	sne.s32 s3, s9;
	[sflag:s19] =	ssyncadd.s32 $0xFFFFF800  }
.Ltmp2:
0x9a: {  	s22 =	sor.u32 $0x1C03, s31;
	[bflag:$0x0] =	sbarrier.arrive $0xFFFF;
	(pc) =	sbr.rel @p0 .LBB2_1-.Ltmp2, $4  }
0x9b: {  	[hbm:s20], [sflag:s22] =	dma.local [spmem:s21], $0x500  }
0x9c: {  	_ =	swait.ge [sflag:s11], $0x500  }
0x9d: {  	[sflag:s11] =	ssyncset.done $0x0  }
0x9e: {  	[sflag:s11] =	ssyncadd.s32 $0xFFFFFB00  }
0x9f: {  	_ =	sfence.sel $0x180000  }
0xa0: {  	[bflag:$0x0] =	sbarrier.arrive $0xFFFF  }
0xa1: {  	p0 =	sne.s32 s0, $0x0;
	_ =	strace $0x9000004A  }
0xa2: {  	s0 =	sadd.s32 @!p0 $0x100000, s1;
	[bflag:$0x2] =	sbarrier.arrive $0xFFFF  }
0xa3: {  	[sflag:s0] =	ssyncadd.tile.s32 @!p0 $0x1;
	_ =	shalt  }
.Lfunc_end2:
_tile_overlayer_lowered:
.L_overlay_start_2:
0xa4: {  	(tag) =	ssettag $0x2  }
0xa5: {  	s0 =	rddreg [dreg:$0x0];
	s2 =	stileid.u32  }
0xa6: {  	s1 =	rddreg [dreg:$0x1];
	p0 =	sne.s32 s2, $0x0  }
0xa7: {  	s3 =	rddreg [dreg:$0x2];
	[bflag:$0x3] =	sbarrier.arrive $0xFFFF;
	s2 =	simm.s32 @!p0 $0x1C03  }
0xa8: {  	[timem:s3], [sflag:s2] =	dma.local @!p0 [hbm:s0], s1  }
0xa9: {  	s0 =	simm.s32 @!p0 $0x3  }
0xaa: {  	_ =	swait.ge @!p0 [sflag:s0], s1  }
0xab: {  	s1 =	ssub.s32 @!p0 $0x0, s1;
	[sflag:s0] =	ssyncset.done @!p0 $0x0  }
0xac: {  	[sflag:s0] =	ssyncadd.s32 @!p0 s1  }
0xad: {  	[bflag:$0x3] =	sbarrier.arrive $0xFFFF  }
0xae: {  	_ =	shalt  }

// kernel: kernel.16.cloned.1.call-start
scs
__scs_entry_jumppad:
0x0: {  	(pc) =	sbr.rel $0x88, $3  }
0x1: {  	(tag) =	ssettag $0x0;
	lr =	simm.s32 $0x1  }
0x2: {  	[smem:$0x3F93] =	sst lr;
	_ =	strace $0xD0000000  }
0x3: {  	_ = 	snop  }
0x4: {  	_ = 	snop  }
0x5: {  	_ = 	snop  }
0x6: {  	_ = 	snop  }
0x7: {  	_ = 	snop  }
__scs_overlays_trampoline_lowered:
0x8: {  	[smem:$0x3FA2] =	sst s0  }
0x9: {  	[smem:$0x3FA3] =	sst s1  }
0xa: {  	[smem:$0x3FA4] =	sst s2  }
0xb: {  	[smem:$0x3FA5] =	sst s3  }
0xc: {  	[smem:$0x3FA6] =	sst s4  }
0xd: {  	[smem:$0x3FA7] =	sst s5  }
0xe: {  	[smem:$0x3FA8] =	sst s6  }
0xf: {  	[smem:$0x3FA9] =	sst s7  }
0x10: {  	[smem:$0x3FAA] =	sst s8  }
0x11: {  	[smem:$0x3FAB] =	sst s9;
	s0 =	simm.s32 @!p0 $0x0  }
0x12: {  	s1 =	sld [smem:$0x3F91];
	s0 =	simm.s32 @p0 $0x1  }
0x13: {  	[smem:$0x3FAC] =	sst s0;
	s0 =	simm.s32 @!p1 $0x0  }
0x14: {  	s2 =	sld [smem:$0x3F90];
	s0 =	simm.s32 @p1 $0x1  }
0x15: {  	[smem:$0x3FAD] =	sst s0;
	s0 =	simm.s32 @!p2 $0x0  }
0x16: {  	s3 =	sld [smem:$0x3FDB];
	s0 =	simm.s32 @p2 $0x1  }
0x17: {  	s4 =	simm.s32 $0x1BF5;
	[smem:$0x3FAF] =	sst s0  }
0x18: {  	s0 =	sld [smem:$0x3F92];
	_ =	swait.ge [sflag:s4], $0x0  }
0x19: {  	s7 =	sld [smem:$0x3F93]  }
0x1a: {  	s8 =	sadd.s32 $0xFFFFE003, lr  }
0x1b: {  	s9 =	sadd.s32 $0xFFFFFEF7, lr;
	s5 =	simm.s32 $0xFFFFFFFF;
	p2 =	slt.u32 s8, $0xFFFFF086  }
0x1c: {  	p1 =	slt.u32 s9, $0xF7A;
	s5 =	simm.s32 @!p2 $0x0  }
0x1d: {  	s5 =	simm.s32 @p1 $0x1;
	p0 =	seq.s32 s7, s2  }
0x1e: {  	s7 =	smul.u32 @!p0 $0xF7A, s2;
	p2 =	seq.s32 @!p0 s5, $0x0  }
0x1f: {  	s9 =	smul.u32 $0xF7A, s1;
	s8 =	simm.s32 @!p0 $0x1BF5;
	p2 =	por !p2, p0  }
0x20: {  	[sflag:s8] =	ssyncset.s32 @!p0 $0xFFFFF086;
	s6 =	sadd.s32 @!p0 s3, s7;
	s7 =	simm.s32 @!p0 $0x108  }
0x21: {  	s3 =	sadd.s32 s3, s9;
	s6 =	sadd.s32 @!p0 $0x88, s6;
	s7 =	simm.s32 @p2 $0x1082  }
0x22: {  	[simem:s7], [sflag:s8] =	dma.local @!p0 [hbm:s6], $0xF7A  }
0x23: {  	s9 =	sor.u32 $0xD0000000, s2;
	s6 =	simm.s32 $0x108;
	_ =	swait.ge @!p0 [sflag:s8], $0x0  }
0x24: {  	s3 =	sadd.s32 $0x88, s3;
	s6 =	simm.s32 @!p1 $0x1082;
	[sflag:s4] =	ssyncset.s32 $0xFFFFF086  }
0x25: {  	[simem:s6], [sflag:s4] =	dma.local [hbm:s3], $0xF7A  }
0x26: {  	[smem:$0x3F93] =	sst s1;
	(tag) =	ssettag s2;
	_ =	strace s9  }
0x27: {  	s1 =	sld [smem:$0x3FA3]  }
0x28: {  	s2 =	sld [smem:$0x3FA4]  }
0x29: {  	s4 =	sld [smem:$0x3FA6]  }
0x2a: {  	p0 =	seq.s32 s5, $0x0;
	s5 =	sld [smem:$0x3FA7]  }
0x2b: {  	s6 =	sld [smem:$0x3FA8]  }
0x2c: {  	s7 =	sld [smem:$0x3FA9]  }
0x2d: {  	s3 =	simm.s32 $0x108;
	s8 =	sld [smem:$0x3FAA]  }
0x2e: {  	s3 =	simm.s32 @!p0 $0x1082;
	s9 =	sld [smem:$0x3FAB]  }
0x2f: {  	lr =	sadd.s32 s0, s3;
	s0 =	sld [smem:$0x3FA2]  }
0x30: {  	s3 =	sld [smem:$0x3FA5]  }
0x31: {  	[smem:$0x3FAE] =	sst s10  }
0x32: {  	s10 =	sld [smem:$0x3FAC];
	_ =	sdelay $0x3  }
0x33: {  	p0 =	seq.s32 s10, $0x1;
	s10 =	sld [smem:$0x3FAE];
	_ =	sdelay $0x3  }
0x34: {  	[smem:$0x3FAE] =	sst s10  }
0x35: {  	s10 =	sld [smem:$0x3FAD];
	_ =	sdelay $0x3  }
0x36: {  	p1 =	seq.s32 s10, $0x1;
	s10 =	sld [smem:$0x3FAE];
	_ =	sdelay $0x3  }
0x37: {  	[smem:$0x3FAE] =	sst s10  }
0x38: {  	s10 =	sld [smem:$0x3FAF]  }
0x39: {  	_ = 	snop;
	(pc) =	sbr.ind lr, $3  }
0x3a: {  	_ = 	snop  }
0x3b: {  	_ = 	snop  }
0x3c: {  	p2 =	seq.s32 s10, $0x1;
	s10 =	sld [smem:$0x3FAE]  }
0x3d: {  	_ =	shalt  }
0x3e: {  	_ =	shalt  }
0x3f: {  	_ =	shalt  }
0x40: {  	_ =	shalt  }
0x41: {  	_ =	shalt  }
0x42: {  	_ =	shalt  }
0x43: {  	_ =	shalt  }
0x44: {  	_ =	shalt  }
0x45: {  	_ =	shalt  }
0x46: {  	_ =	shalt  }
0x47: {  	_ =	shalt  }
0x48: {  	_ =	shalt  }
0x49: {  	_ =	shalt  }
0x4a: {  	_ =	shalt  }
0x4b: {  	_ =	shalt  }
0x4c: {  	_ =	shalt  }
0x4d: {  	_ =	shalt  }
0x4e: {  	_ =	shalt  }
0x4f: {  	_ =	shalt  }
0x50: {  	_ =	shalt  }
0x51: {  	_ =	shalt  }
0x52: {  	_ =	shalt  }
0x53: {  	_ =	shalt  }
0x54: {  	_ =	shalt  }
0x55: {  	_ =	shalt  }
0x56: {  	_ =	shalt  }
0x57: {  	_ =	shalt  }
0x58: {  	_ =	shalt  }
0x59: {  	_ =	shalt  }
0x5a: {  	_ =	shalt  }
0x5b: {  	_ =	shalt  }
0x5c: {  	_ =	shalt  }
0x5d: {  	_ =	shalt  }
0x5e: {  	_ =	shalt  }
0x5f: {  	_ =	shalt  }
0x60: {  	_ =	shalt  }
0x61: {  	_ =	shalt  }
0x62: {  	_ =	shalt  }
0x63: {  	_ =	shalt  }
0x64: {  	_ =	shalt  }
0x65: {  	_ =	shalt  }
0x66: {  	_ =	shalt  }
0x67: {  	_ =	shalt  }
0x68: {  	_ =	shalt  }
0x69: {  	_ =	shalt  }
0x6a: {  	_ =	shalt  }
0x6b: {  	_ =	shalt  }
0x6c: {  	_ =	shalt  }
0x6d: {  	_ =	shalt  }
0x6e: {  	_ =	shalt  }
0x6f: {  	_ =	shalt  }
0x70: {  	_ =	shalt  }
0x71: {  	_ =	shalt  }
0x72: {  	_ =	shalt  }
0x73: {  	_ =	shalt  }
0x74: {  	_ =	shalt  }
0x75: {  	_ =	shalt  }
0x76: {  	_ =	shalt  }
0x77: {  	_ =	shalt  }
0x78: {  	_ =	shalt  }
0x79: {  	_ =	shalt  }
0x7a: {  	_ =	shalt  }
0x7b: {  	_ =	shalt  }
0x7c: {  	_ =	shalt  }
0x7d: {  	_ =	shalt  }
0x7e: {  	_ =	shalt  }
0x7f: {  	_ =	shalt  }
0x80: {  	_ =	shalt  }
0x81: {  	_ =	shalt  }
0x82: {  	_ =	shalt  }
0x83: {  	_ =	shalt  }
0x84: {  	_ =	shalt  }
0x85: {  	_ =	shalt  }
0x86: {  	_ =	shalt  }
0x87: {  	_ =	shalt  }
.Lfunc_end0:
.L_simem_size_0:
called_computation.2_lowered:
.L_overlay_start_0:
0x88: {  	s2 =	sld [smem:$0x3FD9]  }
0x89: {  	s3 =	sld [smem:$0x3FFE];
	_ =	sdelay $0x1  }
0x8a: {  	s1 =	srdreg.scid  }
0x8b: {  	s0 =	sand.u32 $0x1, s1  }
0x8c: {  	s16 =	sshll.u32 s0, $0xA;
	s2 =	sadd.s32 s3, s2  }
0x8d: {  	s2 =	sadd.s32 s2, s16  }
0x8e: {  	[smem:$0x3FBA] =	sst s2  }
0x8f: {  	_ = 	snop  }
0x90: {  	(tm) =	ssettm $0x1  }
0x91: {  	s17 =	sld [smem:$0x3FFB];
	_ =	sdelay $0x3  }
0x92: {  	_ =	strace s17  }
0x93: {  	s2 =	sld [smem:$0x3FFC];
	_ =	sdelay $0x3  }
0x94: {  	_ =	strace s2  }
0x95: {  	s2 =	sld [smem:$0x3FFD];
	_ =	sdelay $0x3  }
0x96: {  	_ =	strace s2  }
0x97: {  	_ =	strace $0x8FFFFFFF  }
0x98: {  	s18 =	sld [smem:$0x3FDB];
	_ =	sdelay $0x1  }
0x99: {  	s19 =	simm.s32 $_scs_section_size  }
0x9a: {  	s4 =	simm.s32 $_size__tile_overlayer_lowered;
	s5 =	simm.s32 $_tile_overlayer_lowered  }
0x9b: {  	s22 =	simm.s32 $0x1BFF;
	s21 =	sshll.u32 s5, $0x1;
	s2 =	sadd.s32 s19, s18  }
0x9c: {  	s6 =	simm.s32 $0x0;
	s20 =	sshll.u32 s4, $0x1;
	s4 =	sadd.s32 s21, s2  }
0x9d: {  	[timem:s6], [sflag:s22] =	dma.local [hbm:s4], s20  }
0x9e: {  	_ =	swait.ge [sflag:s22], s20  }
0x9f: {  	s3 =	ssub.s32 $0x0, s20;
	[sflag:s22] =	ssyncset.done $0x0  }
0xa0: {  	[sflag:s22] =	ssyncadd.s32 s3;
	_ =	sdelay $0x1  }
0xa1: {  	s23 =	simm.s32 $0x1B8B  }
0xa2: {  	_ =	swait.ge [sflag:s23], $0x1  }
0xa3: {  	[sflag:s23] =	ssyncset.done $0x0  }
0xa4: {  	s25 =	simm.s32 $0x1B8E;
	s24 =	sld [smem:$0x3FFE];
	[sflag:s23] =	ssyncadd.s32 $0xFFFFFFFF  }
0xa5: {  	s26 =	simm.s32 $execute0_lowered;
	[smem:$0x3FD2] =	sst s25  }
0xa6: {  	s4 =	sshll.u32 s26, $0x1;
	_ =	strace $0x8000004C;
	[dreg:$0x1] =	wrdreg $0xFFFFFFFF  }
0xa7: {  	s28 =	simm.s32 $_size_execute0_lowered;
	s2 =	sadd.s32 s2, s4;
	[dreg:$0x0] =	wrdreg $0x0  }
0xa8: {  	s4 =	sshll.u32 s28, $0x1;
	[dreg:$0x2] =	wrdreg s2  }
0xa9: {  	[dreg:$0x3] =	wrdreg s4  }
0xaa: {  	[dreg:$0x4] =	wrdreg $0xC0  }
0xab: {  	_ =	task [dreg:s6], $0x5FFFF  }
0xac: {  	[dreg:$0x1] =	wrdreg $0xFFFFFFFF  }
0xad: {  	[dreg:$0x0] =	wrdreg $0x60  }
0xae: {  	[dreg:$0x2] =	wrdreg s24  }
0xaf: {  	[dreg:$0x3] =	wrdreg $0x5C000  }
0xb0: {  	[dreg:$0x4] =	wrdreg $0x9  }
0xb1: {  	_ =	task.clear_ibuf [dreg:s6], $0x5FFFF;
	_ =	strace $0x9000004C  }
0xb2: {  	s29 =	simm.s32 $0x9;
	_ =	strace $0x8000004E  }
0xb3: {  	_ =	swait.ge [sflag:s29], $0x1  }
0xb4: {  	[sflag:s29] =	ssyncadd.s32 $0xFFFFFFFF  }
0xb5: {  	_ =	strace $0x9000004E  }
0xb6: {  	_ =	sfence  }
0xb7: {  	s30 =	sld [smem:$0x0];
	_ =	sdelay $0x2  }
0xb8: {  	s31 =	sshll.u32 s1, $0xD;
	s1 =	sshrl.u32 s1, $0x2  }
0xb9: {  	s3 =	sand.u32 $0x4000, s31;
	s1 =	sadd.s32 s1, s30  }
0xba: {  	s0 =	sor.u32 s3, s0;
	s1 =	sshll.u32 s1, $0x11  }
0xbb: {  	s0 =	sor.u32 s1, s0  }
0xbc: {  	s0 =	sadd.s32 $0x8F2B, s0  }
0xbd: {  	[sflag:s0] =	ssyncadd.remote.s32 $0x1  }
0xbe: {  	_ =	sfence.sel $0xFFFF  }
0xbf: {  	[dreg:$0x0] =	wrdreg $0xFFFFFFFF;
	(pc) =	sbr.abs _section_cstart, $3  }
0xc0: {  	[dreg:$0x1] =	wrdreg $0xFFFFFFFF  }
0xc1: {  	_ =	task.clear_ibuf [dreg:s6], $0x2FFFF;
	_ =	strace $0x9FFFFFFF  }
0xc2: {  	(tm) =	ssettm $0x7FFFFFFF  }
0xc3: {  	_ =	shalt  }
tec
execute0_lowered:
.L_overlay_start_1:
0x0: {  	(tag) =	ssettag $0x1  }
0x1: {  	s6 =	rddreg [dreg:$0x0]  }
0x2: {  	s0 =	srdreg.scid;
	s2 =	rddreg [dreg:$0x1]  }
0x3: {  	s3 =	simm.s32 $0x0;
	s13 =	simm.s32 $0x80;
	s14 =	simm.s32 $0x2800  }
0x4: {  	s15 =	simm.s32 $0x3000;
	s16 =	simm.s32 $0x3800;
	s17 =	simm.s32 $0x4000  }
0x5: {  	s18 =	simm.s32 $0x1;
	s5 =	sand.u32 $0x1, s0;
	s0 =	stileid.u32  }
0x6: {  	s19 =	simm.s32 $0x2;
	[smem:$0x7FF] =	sst s3;
	s9 =	smul.u32 $0x5000, s0  }
0x7: {  	s1 =	sshll.u32 s5, $0x4;
	s8 =	smul.u32 $0x5000, s5;
	s28 =	ssub.s32 $0x2, s5  }
0x8: {  	s4 =	sor.u32 s0, s1;
	s1 =	rddreg [dreg:$0x2];
	_ =	strace $0x8000004D  }
0x9: {  	s30 =	sshrl.u32 s28, $0x1;
	s7 =	smul.u32 $0x280, s4;
	s4 =	sadd.s32 $0x4800, s6  }
0xa: {  	s29 =	sshrl.u32 s9, $0x2;
	s11 =	sadd.s32 s8, s6;
	s12 =	ssub.s32 s28, s30  }
0xb: {  	s31 =	sshrl.u32 s9, $0x1;
	s21 =	sshrl.u32 s9, $0x4;
	s5 =	sadd.s32 s29, s2  }
0xc: {  	s20 =	sadd.s32 $0x9800, s11;
	s22 =	sadd.s32 s31, s2;
	s9 =	smax.u32 s12, $0x1  }
0xd: {  	s11 =	simm.s32 $0x3;
	s12 =	simm.s32 $0x1400;
	s10 =	sadd.s32 s7, s6  }
0xe: {  	s6 =	sadd.s32 $0x14000, s5;
	s20 =	sadd.s32 s21, s20;
	s21 =	sshrl.u32 s22, $0x3  }
0xf: {  	v0 =	vimm.bf16 $0.0e+00;
	s7 =	sadd.s32 $0x31800, s10;
	s8 =	sadd.s32 $0x2C800, s10;
	s10 =	simm.s32 $0x4800  }
.LBB2_1:
0x10: {  	s22 =	simm.s32 $0x40;
	s23 =	simm.s32 $0x0  }
.LBB2_2:
0x11: {  	p0 =	sne.s32 s22, $0x4FC0;
	[tilespmem:s23+$0x4800] =	vst v0;
	s23 =	smov.u32 s22;
	s22 =	sadd.s32 $0x40, s22  }
.Ltmp0:
0x12: {  	(pc) =	sbr.rel @p0 .LBB2_2-.Ltmp0, $2  }
0x13: {  	_ =	sdelay $0x2  }
0x14: {  	s23 =	sshra.s32 s23, $0x2  }
0x15: {  	[tilespmem:s23+$0x4800] =	vst v0  }
0x16: {  	[spmem:s5] =	stream.linear.scatter [tilespmem:s10], [sflag:$0x3], $0x1400, $0x38;
	[tilespmem:$0x8400] =	vst v63  }
0x17: {  	_ =	swait.ge [sflag:s11], $0x1400  }
0x18: {  	[sflag:s11] =	ssyncset.done $0x0  }
0x19: {  	[sflag:s11] =	ssyncadd.s32 $0xFFFFEC00  }
0x1a: {  	[spmem:s6] =	stream.linear.scatter [tilespmem:s10], [sflag:$0x3], $0x1400, $0x38;
	[tilespmem:$0x8400] =	vst v63  }
0x1b: {  	_ =	swait.ge [sflag:s11], $0x1400  }
0x1c: {  	[sflag:s11] =	ssyncset.done $0x0  }
0x1d: {  	s22 =	simm.s32 $0x0;
	[sflag:s11] =	ssyncadd.s32 $0xFFFFEC00  }
0x1e: {  	[tilespmem:s22], [sflag:$0x3] =	stream.linear.gather [hbm4b:s7+s22], $0x1400, $0x38;
	[tilespmem:$0x8400] =	vst v63  }
0x1f: {  	_ =	swait.ge [sflag:s11], $0x1400  }
0x20: {  	[sflag:s11] =	ssyncset.done $0x0  }
0x21: {  	[sflag:s11] =	ssyncadd.s32 $0xFFFFEC00  }
0x22: {  	[tilespmem:s12], [sflag:$0x3] =	stream.linear.gather [hbm4b:s8+s22], $0x1400, $0x38;
	[tilespmem:$0x8400] =	vst v63  }
0x23: {  	_ =	swait.ge [sflag:s11], $0x1400  }
0x24: {  	[sflag:s11] =	ssyncset.done $0x0  }
0x25: {  	[sflag:s11] =	ssyncadd.s32 $0xFFFFEC00  }
0x26: {  	s23 =	simm.s32 $0x0;
	[bflag:$0x0] =	sbarrier.arrive $0xFFFF  }
0x27: {  	[tilespmem:s14], [sflag:$0x1] =	stream.indirect.gather [hbm4b:s4+s13], $0x10, s23, s13, $0xb8;
	[tilespmem:$0x8400] =	vst v63  }
0x28: {  	s24 =	simm.s32 $0x80  }
0x29: {  	[tilespmem:s15], [sflag:$0x1] =	stream.indirect.gather [hbm4b:s4+s13], $0x10, s24, s13, $0xb8;
	[tilespmem:$0x8400] =	vst v63  }
0x2a: {  	s25 =	simm.s32 $0x100  }
0x2b: {  	[tilespmem:s16], [sflag:$0x1] =	stream.indirect.gather [hbm4b:s4+s13], $0x10, s25, s13, $0xb8;
	[tilespmem:$0x8400] =	vst v63  }
0x2c: {  	s26 =	simm.s32 $0x180  }
0x2d: {  	[tilespmem:s17], [sflag:$0x1] =	stream.indirect.gather [hbm4b:s4+s13], $0x10, s26, s13, $0xb8;
	[tilespmem:$0x8400] =	vst v63  }
0x2e: {  	_ =	swait.ge [sflag:s18], $0x800  }
0x2f: {  	[sflag:s18] =	ssyncset.done $0x0  }
0x30: {  	[sflag:s18] =	ssyncadd.s32 $0xFFFFF800  }
0x31: {  	_ =	swait.ge [sflag:s18], $0x800  }
0x32: {  	[sflag:s18] =	ssyncset.done $0x0  }
0x33: {  	[sflag:s18] =	ssyncadd.s32 $0xFFFFF800  }
0x34: {  	_ =	swait.ge [sflag:s18], $0x800  }
0x35: {  	[sflag:s18] =	ssyncset.done $0x0  }
0x36: {  	[sflag:s18] =	ssyncadd.s32 $0xFFFFF800  }
0x37: {  	_ =	swait.ge [sflag:s18], $0x800  }
0x38: {  	[sflag:s18] =	ssyncset.done $0x0  }
0x39: {  	s28 =	simm.s32 $0x1400;
	[sflag:s18] =	ssyncadd.s32 $0xFFFFF800  }
0x3a: {  	[spmem:s2] =	stream.indirect.scatter.add.bf16 [tilespmem:s14], [sflag:$0x2], $0x10, s28, s13, $0xb8;
	[tilespmem:$0x8400] =	vst v63  }
0x3b: {  	s29 =	simm.s32 $0x1480  }
0x3c: {  	[spmem:s2] =	stream.indirect.scatter.add.bf16 [tilespmem:s15], [sflag:$0x2], $0x10, s29, s13, $0xb8;
	[tilespmem:$0x8400] =	vst v63  }
0x3d: {  	s30 =	simm.s32 $0x1500  }
0x3e: {  	[spmem:s2] =	stream.indirect.scatter.add.bf16 [tilespmem:s16], [sflag:$0x2], $0x10, s30, s13, $0xb8;
	[tilespmem:$0x8400] =	vst v63  }
0x3f: {  	s31 =	simm.s32 $0x1580  }
0x40: {  	[spmem:s2] =	stream.indirect.scatter.add.bf16 [tilespmem:s17], [sflag:$0x2], $0x10, s31, s13, $0xb8;
	[tilespmem:$0x8400] =	vst v63  }
0x41: {  	_ =	swait.ge [sflag:s19], $0x800  }
0x42: {  	[sflag:s19] =	ssyncset.done $0x0  }
0x43: {  	[sflag:s19] =	ssyncadd.s32 $0xFFFFF800  }
0x44: {  	_ =	swait.ge [sflag:s19], $0x800  }
0x45: {  	[sflag:s19] =	ssyncset.done $0x0  }
0x46: {  	[sflag:s19] =	ssyncadd.s32 $0xFFFFF800  }
0x47: {  	_ =	swait.ge [sflag:s19], $0x800  }
0x48: {  	[sflag:s19] =	ssyncset.done $0x0  }
0x49: {  	[sflag:s19] =	ssyncadd.s32 $0xFFFFF800  }
0x4a: {  	_ =	swait.ge [sflag:s19], $0x800  }
0x4b: {  	s22 =	simm.s32 $0x800;
	s24 =	simm.s32 $0x1000;
	[sflag:s19] =	ssyncset.done $0x0  }
.LBB2_4:
0x4c: {  	s25 =	sshra.s32 s22, $0x2  }
0x4d: {  	[sflag:s19] =	ssyncadd.s32 $0xFFFFF800;
	s22 =	smov.u32 s24;
	s23 =	sadd.s32 $0x800, s24  }
0x4e: {  	[tilespmem:s14], [sflag:$0x1] =	stream.indirect.gather [hbm4b:s4+s13], $0x10, s25, s13, $0xb8;
	[tilespmem:$0x8400] =	vst v63  }
0x4f: {  	p0 =	sne.s32 s24, $0x4800;
	s24 =	sadd.s32 $0x80, s25  }
0x50: {  	[tilespmem:s15], [sflag:$0x1] =	stream.indirect.gather [hbm4b:s4+s13], $0x10, s24, s13, $0xb8;
	[tilespmem:$0x8400] =	vst v63  }
0x51: {  	s24 =	sadd.s32 $0x100, s25  }
0x52: {  	[tilespmem:s16], [sflag:$0x1] =	stream.indirect.gather [hbm4b:s4+s13], $0x10, s24, s13, $0xb8;
	[tilespmem:$0x8400] =	vst v63  }
0x53: {  	s24 =	sadd.s32 $0x180, s25  }
0x54: {  	[tilespmem:s17], [sflag:$0x1] =	stream.indirect.gather [hbm4b:s4+s13], $0x10, s24, s13, $0xb8;
	[tilespmem:$0x8400] =	vst v63  }
0x55: {  	_ =	swait.ge [sflag:s18], $0x800  }
0x56: {  	[sflag:s18] =	ssyncset.done $0x0  }
0x57: {  	[sflag:s18] =	ssyncadd.s32 $0xFFFFF800  }
0x58: {  	_ =	swait.ge [sflag:s18], $0x800  }
0x59: {  	[sflag:s18] =	ssyncset.done $0x0  }
0x5a: {  	[sflag:s18] =	ssyncadd.s32 $0xFFFFF800  }
0x5b: {  	_ =	swait.ge [sflag:s18], $0x800  }
0x5c: {  	[sflag:s18] =	ssyncset.done $0x0  }
0x5d: {  	[sflag:s18] =	ssyncadd.s32 $0xFFFFF800  }
0x5e: {  	_ =	swait.ge [sflag:s18], $0x800  }
0x5f: {  	[sflag:s18] =	ssyncset.done $0x0  }
0x60: {  	s24 =	sadd.s32 $0x1400, s25;
	[sflag:s18] =	ssyncadd.s32 $0xFFFFF800  }
0x61: {  	[spmem:s2] =	stream.indirect.scatter.add.bf16 [tilespmem:s14], [sflag:$0x2], $0x10, s24, s13, $0xb8;
	[tilespmem:$0x8400] =	vst v63  }
0x62: {  	s24 =	sadd.s32 $0x1480, s25  }
0x63: {  	[spmem:s2] =	stream.indirect.scatter.add.bf16 [tilespmem:s15], [sflag:$0x2], $0x10, s24, s13, $0xb8;
	[tilespmem:$0x8400] =	vst v63  }
0x64: {  	s24 =	sadd.s32 $0x1500, s25  }
0x65: {  	[spmem:s2] =	stream.indirect.scatter.add.bf16 [tilespmem:s16], [sflag:$0x2], $0x10, s24, s13, $0xb8;
	[tilespmem:$0x8400] =	vst v63  }
0x66: {  	s24 =	sadd.s32 $0x1580, s25  }
0x67: {  	[spmem:s2] =	stream.indirect.scatter.add.bf16 [tilespmem:s17], [sflag:$0x2], $0x10, s24, s13, $0xb8;
	[tilespmem:$0x8400] =	vst v63  }
0x68: {  	_ =	swait.ge [sflag:s19], $0x800  }
0x69: {  	[sflag:s19] =	ssyncset.done $0x0  }
0x6a: {  	[sflag:s19] =	ssyncadd.s32 $0xFFFFF800  }
0x6b: {  	_ =	swait.ge [sflag:s19], $0x800  }
0x6c: {  	[sflag:s19] =	ssyncset.done $0x0  }
0x6d: {  	[sflag:s19] =	ssyncadd.s32 $0xFFFFF800  }
.Ltmp1:
0x6e: {  	_ =	swait.ge [sflag:s19], $0x800;
	(pc) =	sbr.rel @p0 .LBB2_4-.Ltmp1, $4  }
0x6f: {  	[sflag:s19] =	ssyncset.done $0x0  }
0x70: {  	[sflag:s19] =	ssyncadd.s32 $0xFFFFF800  }
0x71: {  	_ =	swait.ge [sflag:s19], $0x800  }
0x72: {  	s24 =	smov.u32 s23;
	[sflag:s19] =	ssyncset.done $0x0  }
0x73: {  	s22 =	sshra.s32 s22, $0x2;
	[sflag:s19] =	ssyncadd.s32 $0xFFFFF800  }
0x74: {  	[tilespmem:s14], [sflag:$0x1] =	stream.indirect.gather [hbm4b:s4+s13], $0x10, s22, s13, $0xb8;
	[tilespmem:$0x8400] =	vst v63  }
0x75: {  	s23 =	sadd.s32 $0x80, s22  }
0x76: {  	[tilespmem:s15], [sflag:$0x1] =	stream.indirect.gather [hbm4b:s4+s13], $0x10, s23, s13, $0xb8;
	[tilespmem:$0x8400] =	vst v63  }
0x77: {  	s25 =	sadd.s32 $0x100, s22  }
0x78: {  	[tilespmem:s16], [sflag:$0x1] =	stream.indirect.gather [hbm4b:s4+s13], $0x10, s25, s13, $0xb8;
	[tilespmem:$0x8400] =	vst v63  }
0x79: {  	s26 =	sadd.s32 $0x180, s22  }
0x7a: {  	[tilespmem:s17], [sflag:$0x1] =	stream.indirect.gather [hbm4b:s4+s13], $0x10, s26, s13, $0xb8;
	[tilespmem:$0x8400] =	vst v63  }
0x7b: {  	_ =	swait.ge [sflag:s18], $0x800  }
0x7c: {  	[sflag:s18] =	ssyncset.done $0x0  }
0x7d: {  	[sflag:s18] =	ssyncadd.s32 $0xFFFFF800  }
0x7e: {  	_ =	swait.ge [sflag:s18], $0x800  }
0x7f: {  	[sflag:s18] =	ssyncset.done $0x0  }
0x80: {  	[sflag:s18] =	ssyncadd.s32 $0xFFFFF800  }
0x81: {  	_ =	swait.ge [sflag:s18], $0x800  }
0x82: {  	[sflag:s18] =	ssyncset.done $0x0  }
0x83: {  	[sflag:s18] =	ssyncadd.s32 $0xFFFFF800  }
0x84: {  	_ =	swait.ge [sflag:s18], $0x800  }
0x85: {  	[sflag:s18] =	ssyncset.done $0x0  }
0x86: {  	s28 =	sadd.s32 $0x1400, s22;
	[sflag:s18] =	ssyncadd.s32 $0xFFFFF800  }
0x87: {  	[spmem:s2] =	stream.indirect.scatter.add.bf16 [tilespmem:s14], [sflag:$0x2], $0x10, s28, s13, $0xb8;
	[tilespmem:$0x8400] =	vst v63  }
0x88: {  	s29 =	sadd.s32 $0x1480, s22  }
0x89: {  	[spmem:s2] =	stream.indirect.scatter.add.bf16 [tilespmem:s15], [sflag:$0x2], $0x10, s29, s13, $0xb8;
	[tilespmem:$0x8400] =	vst v63  }
0x8a: {  	s30 =	sadd.s32 $0x1500, s22  }
0x8b: {  	[spmem:s2] =	stream.indirect.scatter.add.bf16 [tilespmem:s16], [sflag:$0x2], $0x10, s30, s13, $0xb8;
	[tilespmem:$0x8400] =	vst v63  }
0x8c: {  	s22 =	sadd.s32 $0x1580, s22  }
0x8d: {  	[spmem:s2] =	stream.indirect.scatter.add.bf16 [tilespmem:s17], [sflag:$0x2], $0x10, s22, s13, $0xb8;
	[tilespmem:$0x8400] =	vst v63  }
0x8e: {  	_ =	swait.ge [sflag:s19], $0x800  }
0x8f: {  	[sflag:s19] =	ssyncset.done $0x0  }
0x90: {  	[sflag:s19] =	ssyncadd.s32 $0xFFFFF800  }
0x91: {  	_ =	swait.ge [sflag:s19], $0x800  }
0x92: {  	[sflag:s19] =	ssyncset.done $0x0  }
0x93: {  	[sflag:s19] =	ssyncadd.s32 $0xFFFFF800  }
0x94: {  	_ =	swait.ge [sflag:s19], $0x800  }
0x95: {  	[sflag:s19] =	ssyncset.done $0x0  }
0x96: {  	[sflag:s19] =	ssyncadd.s32 $0xFFFFF800  }
0x97: {  	_ =	swait.ge [sflag:s19], $0x800  }
0x98: {  	s3 =	sadd.s32 $0x1, s3;
	[sflag:s19] =	ssyncset.done $0x0  }
0x99: {  	s31 =	sshll.u32 s0, $0x6;
	p0 =	sne.s32 s3, s9;
	[sflag:s19] =	ssyncadd.s32 $0xFFFFF800  }
.Ltmp2:
0x9a: {  	s22 =	sor.u32 $0x1C03, s31;
	[bflag:$0x0] =	sbarrier.arrive $0xFFFF;
	(pc) =	sbr.rel @p0 .LBB2_1-.Ltmp2, $4  }
0x9b: {  	[hbm:s20], [sflag:s22] =	dma.local [spmem:s21], $0x500  }
0x9c: {  	_ =	swait.ge [sflag:s11], $0x500  }
0x9d: {  	[sflag:s11] =	ssyncset.done $0x0  }
0x9e: {  	[sflag:s11] =	ssyncadd.s32 $0xFFFFFB00  }
0x9f: {  	_ =	sfence.sel $0x180000  }
0xa0: {  	[bflag:$0x0] =	sbarrier.arrive $0xFFFF  }
0xa1: {  	p0 =	sne.s32 s0, $0x0;
	_ =	strace $0x9000004D  }
0xa2: {  	s0 =	sadd.s32 @!p0 $0x100000, s1;
	[bflag:$0x2] =	sbarrier.arrive $0xFFFF  }
0xa3: {  	[sflag:s0] =	ssyncadd.tile.s32 @!p0 $0x1;
	_ =	shalt  }
.Lfunc_end2:
_tile_overlayer_lowered:
.L_overlay_start_2:
0xa4: {  	(tag) =	ssettag $0x2  }
0xa5: {  	s0 =	rddreg [dreg:$0x0];
	s2 =	stileid.u32  }
0xa6: {  	s1 =	rddreg [dreg:$0x1];
	p0 =	sne.s32 s2, $0x0  }
0xa7: {  	s3 =	rddreg [dreg:$0x2];
	[bflag:$0x3] =	sbarrier.arrive $0xFFFF;
	s2 =	simm.s32 @!p0 $0x1C03  }
0xa8: {  	[timem:s3], [sflag:s2] =	dma.local @!p0 [hbm:s0], s1  }
0xa9: {  	s0 =	simm.s32 @!p0 $0x3  }
0xaa: {  	_ =	swait.ge @!p0 [sflag:s0], s1  }
0xab: {  	s1 =	ssub.s32 @!p0 $0x0, s1;
	[sflag:s0] =	ssyncset.done @!p0 $0x0  }
0xac: {  	[sflag:s0] =	ssyncadd.s32 @!p0 s1  }
0xad: {  	[bflag:$0x3] =	sbarrier.arrive $0xFFFF  }
0xae: {  	_ =	shalt  }

// kernel: kernel.19.cloned.1.call-start
scs
__scs_entry_jumppad:
0x0: {  	(pc) =	sbr.rel $0x88, $3  }
0x1: {  	(tag) =	ssettag $0x0;
	lr =	simm.s32 $0x1  }
0x2: {  	[smem:$0x3F93] =	sst lr;
	_ =	strace $0xD0000000  }
0x3: {  	_ = 	snop  }
0x4: {  	_ = 	snop  }
0x5: {  	_ = 	snop  }
0x6: {  	_ = 	snop  }
0x7: {  	_ = 	snop  }
__scs_overlays_trampoline_lowered:
0x8: {  	[smem:$0x3FA2] =	sst s0  }
0x9: {  	[smem:$0x3FA3] =	sst s1  }
0xa: {  	[smem:$0x3FA4] =	sst s2  }
0xb: {  	[smem:$0x3FA5] =	sst s3  }
0xc: {  	[smem:$0x3FA6] =	sst s4  }
0xd: {  	[smem:$0x3FA7] =	sst s5  }
0xe: {  	[smem:$0x3FA8] =	sst s6  }
0xf: {  	[smem:$0x3FA9] =	sst s7  }
0x10: {  	[smem:$0x3FAA] =	sst s8  }
0x11: {  	[smem:$0x3FAB] =	sst s9;
	s0 =	simm.s32 @!p0 $0x0  }
0x12: {  	s1 =	sld [smem:$0x3F91];
	s0 =	simm.s32 @p0 $0x1  }
0x13: {  	[smem:$0x3FAC] =	sst s0;
	s0 =	simm.s32 @!p1 $0x0  }
0x14: {  	s2 =	sld [smem:$0x3F90];
	s0 =	simm.s32 @p1 $0x1  }
0x15: {  	[smem:$0x3FAD] =	sst s0;
	s0 =	simm.s32 @!p2 $0x0  }
0x16: {  	s3 =	sld [smem:$0x3FDB];
	s0 =	simm.s32 @p2 $0x1  }
0x17: {  	s4 =	simm.s32 $0x1BF5;
	[smem:$0x3FAF] =	sst s0  }
0x18: {  	s0 =	sld [smem:$0x3F92];
	_ =	swait.ge [sflag:s4], $0x0  }
0x19: {  	s7 =	sld [smem:$0x3F93]  }
0x1a: {  	s8 =	sadd.s32 $0xFFFFE003, lr  }
0x1b: {  	s9 =	sadd.s32 $0xFFFFFEF7, lr;
	s5 =	simm.s32 $0xFFFFFFFF;
	p2 =	slt.u32 s8, $0xFFFFF086  }
0x1c: {  	p1 =	slt.u32 s9, $0xF7A;
	s5 =	simm.s32 @!p2 $0x0  }
0x1d: {  	s5 =	simm.s32 @p1 $0x1;
	p0 =	seq.s32 s7, s2  }
0x1e: {  	s7 =	smul.u32 @!p0 $0xF7A, s2;
	p2 =	seq.s32 @!p0 s5, $0x0  }
0x1f: {  	s9 =	smul.u32 $0xF7A, s1;
	s8 =	simm.s32 @!p0 $0x1BF5;
	p2 =	por !p2, p0  }
0x20: {  	[sflag:s8] =	ssyncset.s32 @!p0 $0xFFFFF086;
	s6 =	sadd.s32 @!p0 s3, s7;
	s7 =	simm.s32 @!p0 $0x108  }
0x21: {  	s3 =	sadd.s32 s3, s9;
	s6 =	sadd.s32 @!p0 $0x88, s6;
	s7 =	simm.s32 @p2 $0x1082  }
0x22: {  	[simem:s7], [sflag:s8] =	dma.local @!p0 [hbm:s6], $0xF7A  }
0x23: {  	s9 =	sor.u32 $0xD0000000, s2;
	s6 =	simm.s32 $0x108;
	_ =	swait.ge @!p0 [sflag:s8], $0x0  }
0x24: {  	s3 =	sadd.s32 $0x88, s3;
	s6 =	simm.s32 @!p1 $0x1082;
	[sflag:s4] =	ssyncset.s32 $0xFFFFF086  }
0x25: {  	[simem:s6], [sflag:s4] =	dma.local [hbm:s3], $0xF7A  }
0x26: {  	[smem:$0x3F93] =	sst s1;
	(tag) =	ssettag s2;
	_ =	strace s9  }
0x27: {  	s1 =	sld [smem:$0x3FA3]  }
0x28: {  	s2 =	sld [smem:$0x3FA4]  }
0x29: {  	s4 =	sld [smem:$0x3FA6]  }
0x2a: {  	p0 =	seq.s32 s5, $0x0;
	s5 =	sld [smem:$0x3FA7]  }
0x2b: {  	s6 =	sld [smem:$0x3FA8]  }
0x2c: {  	s7 =	sld [smem:$0x3FA9]  }
0x2d: {  	s3 =	simm.s32 $0x108;
	s8 =	sld [smem:$0x3FAA]  }
0x2e: {  	s3 =	simm.s32 @!p0 $0x1082;
	s9 =	sld [smem:$0x3FAB]  }
0x2f: {  	lr =	sadd.s32 s0, s3;
	s0 =	sld [smem:$0x3FA2]  }
0x30: {  	s3 =	sld [smem:$0x3FA5]  }
0x31: {  	[smem:$0x3FAE] =	sst s10  }
0x32: {  	s10 =	sld [smem:$0x3FAC];
	_ =	sdelay $0x3  }
0x33: {  	p0 =	seq.s32 s10, $0x1;
	s10 =	sld [smem:$0x3FAE];
	_ =	sdelay $0x3  }
0x34: {  	[smem:$0x3FAE] =	sst s10  }
0x35: {  	s10 =	sld [smem:$0x3FAD];
	_ =	sdelay $0x3  }
0x36: {  	p1 =	seq.s32 s10, $0x1;
	s10 =	sld [smem:$0x3FAE];
	_ =	sdelay $0x3  }
0x37: {  	[smem:$0x3FAE] =	sst s10  }
0x38: {  	s10 =	sld [smem:$0x3FAF]  }
0x39: {  	_ = 	snop;
	(pc) =	sbr.ind lr, $3  }
0x3a: {  	_ = 	snop  }
0x3b: {  	_ = 	snop  }
0x3c: {  	p2 =	seq.s32 s10, $0x1;
	s10 =	sld [smem:$0x3FAE]  }
0x3d: {  	_ =	shalt  }
0x3e: {  	_ =	shalt  }
0x3f: {  	_ =	shalt  }
0x40: {  	_ =	shalt  }
0x41: {  	_ =	shalt  }
0x42: {  	_ =	shalt  }
0x43: {  	_ =	shalt  }
0x44: {  	_ =	shalt  }
0x45: {  	_ =	shalt  }
0x46: {  	_ =	shalt  }
0x47: {  	_ =	shalt  }
0x48: {  	_ =	shalt  }
0x49: {  	_ =	shalt  }
0x4a: {  	_ =	shalt  }
0x4b: {  	_ =	shalt  }
0x4c: {  	_ =	shalt  }
0x4d: {  	_ =	shalt  }
0x4e: {  	_ =	shalt  }
0x4f: {  	_ =	shalt  }
0x50: {  	_ =	shalt  }
0x51: {  	_ =	shalt  }
0x52: {  	_ =	shalt  }
0x53: {  	_ =	shalt  }
0x54: {  	_ =	shalt  }
0x55: {  	_ =	shalt  }
0x56: {  	_ =	shalt  }
0x57: {  	_ =	shalt  }
0x58: {  	_ =	shalt  }
0x59: {  	_ =	shalt  }
0x5a: {  	_ =	shalt  }
0x5b: {  	_ =	shalt  }
0x5c: {  	_ =	shalt  }
0x5d: {  	_ =	shalt  }
0x5e: {  	_ =	shalt  }
0x5f: {  	_ =	shalt  }
0x60: {  	_ =	shalt  }
0x61: {  	_ =	shalt  }
0x62: {  	_ =	shalt  }
0x63: {  	_ =	shalt  }
0x64: {  	_ =	shalt  }
0x65: {  	_ =	shalt  }
0x66: {  	_ =	shalt  }
0x67: {  	_ =	shalt  }
0x68: {  	_ =	shalt  }
0x69: {  	_ =	shalt  }
0x6a: {  	_ =	shalt  }
0x6b: {  	_ =	shalt  }
0x6c: {  	_ =	shalt  }
0x6d: {  	_ =	shalt  }
0x6e: {  	_ =	shalt  }
0x6f: {  	_ =	shalt  }
0x70: {  	_ =	shalt  }
0x71: {  	_ =	shalt  }
0x72: {  	_ =	shalt  }
0x73: {  	_ =	shalt  }
0x74: {  	_ =	shalt  }
0x75: {  	_ =	shalt  }
0x76: {  	_ =	shalt  }
0x77: {  	_ =	shalt  }
0x78: {  	_ =	shalt  }
0x79: {  	_ =	shalt  }
0x7a: {  	_ =	shalt  }
0x7b: {  	_ =	shalt  }
0x7c: {  	_ =	shalt  }
0x7d: {  	_ =	shalt  }
0x7e: {  	_ =	shalt  }
0x7f: {  	_ =	shalt  }
0x80: {  	_ =	shalt  }
0x81: {  	_ =	shalt  }
0x82: {  	_ =	shalt  }
0x83: {  	_ =	shalt  }
0x84: {  	_ =	shalt  }
0x85: {  	_ =	shalt  }
0x86: {  	_ =	shalt  }
0x87: {  	_ =	shalt  }
.Lfunc_end0:
.L_simem_size_0:
called_computation.3_lowered:
.L_overlay_start_0:
0x88: {  	s2 =	sld [smem:$0x3FD9]  }
0x89: {  	s3 =	sld [smem:$0x3FFE];
	_ =	sdelay $0x1  }
0x8a: {  	s1 =	srdreg.scid  }
0x8b: {  	s0 =	sand.u32 $0x1, s1  }
0x8c: {  	s17 =	sshll.u32 s0, $0xA;
	s2 =	sadd.s32 s3, s2  }
0x8d: {  	s2 =	sadd.s32 s2, s17  }
0x8e: {  	[smem:$0x3FBA] =	sst s2  }
0x8f: {  	_ = 	snop  }
0x90: {  	s2 =	sld [smem:$0x3FD0];
	(tm) =	ssettm $0x1  }
0x91: {  	s18 =	sld [smem:$0x3FFB];
	_ =	sdelay $0x3  }
0x92: {  	_ =	strace s18  }
0x93: {  	s3 =	sld [smem:$0x3FFC];
	_ =	sdelay $0x3  }
0x94: {  	_ =	strace s3  }
0x95: {  	s3 =	sld [smem:$0x3FFD];
	_ =	sdelay $0x3  }
0x96: {  	_ =	strace s3  }
0x97: {  	_ =	strace $0x8FFFFFFF  }
0x98: {  	s19 =	sld [smem:$0x3FDB];
	_ =	sdelay $0x1  }
0x99: {  	s4 =	simm.s32 $_scs_section_size  }
0x9a: {  	s5 =	simm.s32 $_size__tile_overlayer_lowered;
	s6 =	simm.s32 $_tile_overlayer_lowered  }
0x9b: {  	s22 =	simm.s32 $0x1BFF;
	s21 =	sshll.u32 s6, $0x1;
	s3 =	sadd.s32 s4, s19  }
0x9c: {  	s7 =	simm.s32 $0x0;
	s20 =	sshll.u32 s5, $0x1;
	s5 =	sadd.s32 s21, s3  }
0x9d: {  	[timem:s7], [sflag:s22] =	dma.local [hbm:s5], s20  }
0x9e: {  	_ =	swait.ge [sflag:s22], s20  }
0x9f: {  	s4 =	ssub.s32 $0x0, s20;
	[sflag:s22] =	ssyncset.done $0x0  }
0xa0: {  	[sflag:s22] =	ssyncadd.s32 s4;
	_ =	sdelay $0x1  }
0xa1: {  	s23 =	simm.s32 $0x1B8B  }
0xa2: {  	_ =	swait.ge [sflag:s23], $0x1  }
0xa3: {  	[sflag:s23] =	ssyncset.done $0x0  }
0xa4: {  	s25 =	simm.s32 $0x1B8E;
	s24 =	sld [smem:$0x3FFE];
	[sflag:s23] =	ssyncadd.s32 $0xFFFFFFFF  }
0xa5: {  	s26 =	simm.s32 $execute0_lowered;
	[smem:$0x3FD2] =	sst s25  }
0xa6: {  	s5 =	sshll.u32 s26, $0x1;
	_ =	strace $0x8000004F;
	[dreg:$0x1] =	wrdreg $0xFFFFFFFF  }
0xa7: {  	s28 =	simm.s32 $_size_execute0_lowered;
	s3 =	sadd.s32 s3, s5;
	[dreg:$0x0] =	wrdreg $0x0  }
0xa8: {  	s5 =	sshll.u32 s28, $0x1;
	[dreg:$0x2] =	wrdreg s3  }
0xa9: {  	[dreg:$0x3] =	wrdreg s5  }
0xaa: {  	[dreg:$0x4] =	wrdreg $0xC0  }
0xab: {  	_ =	task [dreg:s7], $0x5FFFF  }
0xac: {  	[dreg:$0x1] =	wrdreg $0xFFFFFFFF  }
0xad: {  	[dreg:$0x0] =	wrdreg $0x60  }
0xae: {  	[dreg:$0x2] =	wrdreg s24  }
0xaf: {  	[dreg:$0x3] =	wrdreg s2  }
0xb0: {  	[dreg:$0x4] =	wrdreg $0xF0000  }
0xb1: {  	[dreg:$0x5] =	wrdreg $0x9  }
0xb2: {  	_ =	task.clear_ibuf [dreg:s7], $0x6FFFF;
	_ =	strace $0x9000004F  }
0xb3: {  	s29 =	simm.s32 $0x9;
	_ =	strace $0x80000051  }
0xb4: {  	_ =	swait.ge [sflag:s29], $0x1  }
0xb5: {  	[sflag:s29] =	ssyncadd.s32 $0xFFFFFFFF  }
0xb6: {  	_ =	strace $0x90000051  }
0xb7: {  	_ =	sfence  }
0xb8: {  	s30 =	sld [smem:$0x0];
	_ =	sdelay $0x2  }
0xb9: {  	s31 =	sshll.u32 s1, $0xD;
	s1 =	sshrl.u32 s1, $0x2  }
0xba: {  	s3 =	sand.u32 $0x4000, s31;
	s1 =	sadd.s32 s1, s30  }
0xbb: {  	s0 =	sor.u32 s3, s0;
	s1 =	sshll.u32 s1, $0x11  }
0xbc: {  	s0 =	sor.u32 s1, s0  }
0xbd: {  	s0 =	sadd.s32 $0x8F2B, s0  }
0xbe: {  	[sflag:s0] =	ssyncadd.remote.s32 $0x1  }
0xbf: {  	_ =	sfence.sel $0xFFFF  }
0xc0: {  	[dreg:$0x0] =	wrdreg $0xFFFFFFFF;
	(pc) =	sbr.abs _section_cstart, $3  }
0xc1: {  	[dreg:$0x1] =	wrdreg $0xFFFFFFFF  }
0xc2: {  	_ =	task.clear_ibuf [dreg:s7], $0x2FFFF;
	_ =	strace $0x9FFFFFFF  }
0xc3: {  	(tm) =	ssettm $0x7FFFFFFF  }
tec
execute0_lowered:
.L_overlay_start_1:
0x0: {  	(tag) =	ssettag $0x1  }
0x1: {  	s12 =	rddreg [dreg:$0x0]  }
0x2: {  	s11 =	rddreg [dreg:$0x1]  }
0x3: {  	s2 =	rddreg [dreg:$0x2]  }
0x4: {  	s0 =	rddreg [dreg:$0x3]  }
0x5: {  	s3 =	simm.s32 $0x0;
	s1 =	stileid.u32;
	s4 =	srdreg.scid  }
0x6: {  	s17 =	simm.s32 $0x5000;
	s18 =	simm.s32 $0x7000;
	s19 =	simm.s32 $0x9000  }
0x7: {  	s20 =	simm.s32 $0xB000;
	s21 =	simm.s32 $0x1;
	s5 =	smul.u32 $0x500, s1  }
0x8: {  	s22 =	simm.s32 $0x2;
	[smem:$0x7FF] =	sst s3;
	s6 =	smul.u32 $0x28000, s1  }
0x9: {  	s13 =	sand.u32 $0x1, s4;
	s14 =	smul.u32 $0x14000, s1;
	_ =	strace $0x80000050  }
0xa: {  	s4 =	ssub.s32 $0x2, s13;
	s16 =	smul.u32 $0x14000, s13;
	p0 =	seq.s32 s13, $0x1  }
0xb: {  	s13 =	simm.s32 $0x4800;
	s5 =	sadd.s32 s5, s12;
	s7 =	sshrl.u32 s4, $0x1  }
0xc: {  	s6 =	sshrl.u32 s6, $0x2;
	s31 =	sshrl.u32 s14, $0x1;
	s24 =	sshrl.u32 s14, $0x4  }
0xd: {  	s13 =	simm.s32 @!p0 $0x18800;
	s14 =	simm.s32 $0x2800;
	s15 =	ssub.s32 s4, s7  }
0xe: {  	s4 =	sadd.s32 $0x31800, s5;
	s5 =	sadd.s32 $0x2C800, s5;
	s10 =	sadd.s32 s6, s2  }
0xf: {  	s6 =	sadd.s32 s31, s2;
	s23 =	sadd.s32 s11, s16;
	s12 =	sadd.s32 s13, s12  }
0x10: {  	s13 =	simm.s32 $0x3;
	s16 =	simm.s32 $0x80;
	s7 =	sadd.s32 $0x2000, s10  }
0x11: {  	s8 =	sadd.s32 $0x4000, s10;
	s9 =	sadd.s32 $0x6000, s10;
	s10 =	sadd.s32 $0x8000, s10  }
0x12: {  	v0 =	vimm.bf16 $0.0e+00;
	s11 =	smax.u32 s15, $0x1;
	s15 =	simm.s32 $0xD000;
	s23 =	sadd.s32 s24, s23  }
.LBB2_1:
0x13: {  	s25 =	simm.s32 $0x100;
	s24 =	simm.s32 $0x0  }
.LBB2_2:
0x14: {  	p0 =	sne.s32 s25, $0x7F00;
	[tilespmem:s24+$0xD030] =	vst v0;
	s26 =	smov.u32 s25;
	s25 =	sadd.s32 $0x100, s25  }
.Ltmp0:
0x15: {  	[tilespmem:s24+$0xD020] =	vst v0;
	(pc) =	sbr.rel @p0 .LBB2_2-.Ltmp0, $3  }
0x16: {  	[tilespmem:s24+$0xD000] =	vst v0  }
0x17: {  	[tilespmem:s24+$0xD010] =	vst v0;
	_ =	sdelay $0x1  }
0x18: {  	s24 =	sshra.s32 s26, $0x2  }
0x19: {  	[tilespmem:s24+$0xD030] =	vst v0  }
0x1a: {  	[tilespmem:s24+$0xD020] =	vst v0  }
0x1b: {  	[tilespmem:s24+$0xD000] =	vst v0  }
0x1c: {  	[tilespmem:s24+$0xD010] =	vst v0;
	s29 =	simm.s32 $0x0  }
0x1d: {  	[tilespmem:s29], [sflag:$0x3] =	stream.linear.gather [hbm4b:s4+s29], $0x2800, $0x38;
	[tilespmem:$0x19000] =	vst v63  }
0x1e: {  	_ =	swait.ge [sflag:s13], $0x2800  }
0x1f: {  	[sflag:s13] =	ssyncset.done $0x0  }
0x20: {  	[sflag:s13] =	ssyncadd.s32 $0xFFFFD800  }
0x21: {  	[tilespmem:s14], [sflag:$0x3] =	stream.linear.gather [hbm4b:s5+s29], $0x2800, $0x38;
	[tilespmem:$0x19000] =	vst v63  }
0x22: {  	_ =	swait.ge [sflag:s13], $0x2800  }
0x23: {  	[sflag:s13] =	ssyncset.done $0x0  }
0x24: {  	[sflag:s13] =	ssyncadd.s32 $0xFFFFD800  }
0x25: {  	[spmem:s6] =	stream.linear.scatter [tilespmem:s15], [sflag:$0x3], $0x2000, $0x38;
	[tilespmem:$0x19000] =	vst v63  }
0x26: {  	_ =	swait.ge [sflag:s13], $0x2000  }
0x27: {  	[sflag:s13] =	ssyncset.done $0x0  }
0x28: {  	[sflag:s13] =	ssyncadd.s32 $0xFFFFE000  }
0x29: {  	[spmem:s7] =	stream.linear.scatter [tilespmem:s15], [sflag:$0x3], $0x2000, $0x38;
	[tilespmem:$0x19000] =	vst v63  }
0x2a: {  	_ =	swait.ge [sflag:s13], $0x2000  }
0x2b: {  	[sflag:s13] =	ssyncset.done $0x0  }
0x2c: {  	[sflag:s13] =	ssyncadd.s32 $0xFFFFE000  }
0x2d: {  	[spmem:s8] =	stream.linear.scatter [tilespmem:s15], [sflag:$0x3], $0x2000, $0x38;
	[tilespmem:$0x19000] =	vst v63  }
0x2e: {  	_ =	swait.ge [sflag:s13], $0x2000  }
0x2f: {  	[sflag:s13] =	ssyncset.done $0x0  }
0x30: {  	[sflag:s13] =	ssyncadd.s32 $0xFFFFE000  }
0x31: {  	[spmem:s9] =	stream.linear.scatter [tilespmem:s15], [sflag:$0x3], $0x2000, $0x38;
	[tilespmem:$0x19000] =	vst v63  }
0x32: {  	_ =	swait.ge [sflag:s13], $0x2000  }
0x33: {  	[sflag:s13] =	ssyncset.done $0x0  }
0x34: {  	[sflag:s13] =	ssyncadd.s32 $0xFFFFE000  }
0x35: {  	[spmem:s10] =	stream.linear.scatter [tilespmem:s15], [sflag:$0x3], $0x2000, $0x38;
	[tilespmem:$0x19000] =	vst v63  }
0x36: {  	_ =	swait.ge [sflag:s13], $0x2000  }
0x37: {  	[sflag:s13] =	ssyncset.done $0x0  }
0x38: {  	[sflag:s13] =	ssyncadd.s32 $0xFFFFE000  }
0x39: {  	s30 =	simm.s32 $0x0;
	[bflag:$0x0] =	sbarrier.arrive $0xFFFF  }
0x3a: {  	[tilespmem:s17], [sflag:$0x1] =	stream.indirect.gather [hbm4b:s12+s16], $0x40, s30, s16, $0xb8;
	[tilespmem:$0x19000] =	vst v63  }
0x3b: {  	s31 =	simm.s32 $0x80  }
0x3c: {  	[tilespmem:s18], [sflag:$0x1] =	stream.indirect.gather [hbm4b:s12+s16], $0x40, s31, s16, $0xb8;
	[tilespmem:$0x19000] =	vst v63  }
0x3d: {  	s25 =	simm.s32 $0x100  }
0x3e: {  	[tilespmem:s19], [sflag:$0x1] =	stream.indirect.gather [hbm4b:s12+s16], $0x40, s25, s16, $0xb8;
	[tilespmem:$0x19000] =	vst v63  }
0x3f: {  	s26 =	simm.s32 $0x180  }
0x40: {  	[tilespmem:s20], [sflag:$0x1] =	stream.indirect.gather [hbm4b:s12+s16], $0x40, s26, s16, $0xb8;
	[tilespmem:$0x19000] =	vst v63  }
0x41: {  	_ =	swait.ge [sflag:s21], $0x2000  }
0x42: {  	[sflag:s21] =	ssyncset.done $0x0  }
0x43: {  	[sflag:s21] =	ssyncadd.s32 $0xFFFFE000  }
0x44: {  	_ =	swait.ge [sflag:s21], $0x2000  }
0x45: {  	[sflag:s21] =	ssyncset.done $0x0  }
0x46: {  	[sflag:s21] =	ssyncadd.s32 $0xFFFFE000  }
0x47: {  	_ =	swait.ge [sflag:s21], $0x2000  }
0x48: {  	[sflag:s21] =	ssyncset.done $0x0  }
0x49: {  	[sflag:s21] =	ssyncadd.s32 $0xFFFFE000  }
0x4a: {  	_ =	swait.ge [sflag:s21], $0x2000  }
0x4b: {  	[sflag:s21] =	ssyncset.done $0x0  }
0x4c: {  	s28 =	simm.s32 $0x2800;
	[sflag:s21] =	ssyncadd.s32 $0xFFFFE000  }
0x4d: {  	[spmem:s2] =	stream.indirect.scatter.add.bf16 [tilespmem:s17], [sflag:$0x2], $0x40, s28, s16, $0xb8;
	[tilespmem:$0x19000] =	vst v63  }
0x4e: {  	s29 =	simm.s32 $0x2880  }
0x4f: {  	[spmem:s2] =	stream.indirect.scatter.add.bf16 [tilespmem:s18], [sflag:$0x2], $0x40, s29, s16, $0xb8;
	[tilespmem:$0x19000] =	vst v63  }
0x50: {  	s30 =	simm.s32 $0x2900  }
0x51: {  	[spmem:s2] =	stream.indirect.scatter.add.bf16 [tilespmem:s19], [sflag:$0x2], $0x40, s30, s16, $0xb8;
	[tilespmem:$0x19000] =	vst v63  }
0x52: {  	s31 =	simm.s32 $0x2980  }
0x53: {  	[spmem:s2] =	stream.indirect.scatter.add.bf16 [tilespmem:s20], [sflag:$0x2], $0x40, s31, s16, $0xb8;
	[tilespmem:$0x19000] =	vst v63  }
0x54: {  	_ =	swait.ge [sflag:s22], $0x2000  }
0x55: {  	[sflag:s22] =	ssyncset.done $0x0  }
0x56: {  	[sflag:s22] =	ssyncadd.s32 $0xFFFFE000  }
0x57: {  	_ =	swait.ge [sflag:s22], $0x2000  }
0x58: {  	[sflag:s22] =	ssyncset.done $0x0  }
0x59: {  	[sflag:s22] =	ssyncadd.s32 $0xFFFFE000  }
0x5a: {  	_ =	swait.ge [sflag:s22], $0x2000  }
0x5b: {  	[sflag:s22] =	ssyncset.done $0x0  }
0x5c: {  	[sflag:s22] =	ssyncadd.s32 $0xFFFFE000  }
0x5d: {  	_ =	swait.ge [sflag:s22], $0x2000  }
0x5e: {  	s24 =	simm.s32 $0x800;
	s26 =	simm.s32 $0x1000;
	[sflag:s22] =	ssyncset.done $0x0  }
.LBB2_4:
0x5f: {  	s28 =	sshra.s32 s24, $0x2  }
0x60: {  	[sflag:s22] =	ssyncadd.s32 $0xFFFFE000;
	s24 =	smov.u32 s26;
	s25 =	sadd.s32 $0x800, s26  }
0x61: {  	[tilespmem:s17], [sflag:$0x1] =	stream.indirect.gather [hbm4b:s12+s16], $0x40, s28, s16, $0xb8;
	[tilespmem:$0x19000] =	vst v63  }
0x62: {  	p0 =	sne.s32 s26, $0x9800;
	s26 =	sadd.s32 $0x80, s28  }
0x63: {  	[tilespmem:s18], [sflag:$0x1] =	stream.indirect.gather [hbm4b:s12+s16], $0x40, s26, s16, $0xb8;
	[tilespmem:$0x19000] =	vst v63  }
0x64: {  	s26 =	sadd.s32 $0x100, s28  }
0x65: {  	[tilespmem:s19], [sflag:$0x1] =	stream.indirect.gather [hbm4b:s12+s16], $0x40, s26, s16, $0xb8;
	[tilespmem:$0x19000] =	vst v63  }
0x66: {  	s26 =	sadd.s32 $0x180, s28  }
0x67: {  	[tilespmem:s20], [sflag:$0x1] =	stream.indirect.gather [hbm4b:s12+s16], $0x40, s26, s16, $0xb8;
	[tilespmem:$0x19000] =	vst v63  }
0x68: {  	_ =	swait.ge [sflag:s21], $0x2000  }
0x69: {  	[sflag:s21] =	ssyncset.done $0x0  }
0x6a: {  	[sflag:s21] =	ssyncadd.s32 $0xFFFFE000  }
0x6b: {  	_ =	swait.ge [sflag:s21], $0x2000  }
0x6c: {  	[sflag:s21] =	ssyncset.done $0x0  }
0x6d: {  	[sflag:s21] =	ssyncadd.s32 $0xFFFFE000  }
0x6e: {  	_ =	swait.ge [sflag:s21], $0x2000  }
0x6f: {  	[sflag:s21] =	ssyncset.done $0x0  }
0x70: {  	[sflag:s21] =	ssyncadd.s32 $0xFFFFE000  }
0x71: {  	_ =	swait.ge [sflag:s21], $0x2000  }
0x72: {  	[sflag:s21] =	ssyncset.done $0x0  }
0x73: {  	s26 =	sadd.s32 $0x2800, s28;
	[sflag:s21] =	ssyncadd.s32 $0xFFFFE000  }
0x74: {  	[spmem:s2] =	stream.indirect.scatter.add.bf16 [tilespmem:s17], [sflag:$0x2], $0x40, s26, s16, $0xb8;
	[tilespmem:$0x19000] =	vst v63  }
0x75: {  	s26 =	sadd.s32 $0x2880, s28  }
0x76: {  	[spmem:s2] =	stream.indirect.scatter.add.bf16 [tilespmem:s18], [sflag:$0x2], $0x40, s26, s16, $0xb8;
	[tilespmem:$0x19000] =	vst v63  }
0x77: {  	s26 =	sadd.s32 $0x2900, s28  }
0x78: {  	[spmem:s2] =	stream.indirect.scatter.add.bf16 [tilespmem:s19], [sflag:$0x2], $0x40, s26, s16, $0xb8;
	[tilespmem:$0x19000] =	vst v63  }
0x79: {  	s26 =	sadd.s32 $0x2980, s28  }
0x7a: {  	[spmem:s2] =	stream.indirect.scatter.add.bf16 [tilespmem:s20], [sflag:$0x2], $0x40, s26, s16, $0xb8;
	[tilespmem:$0x19000] =	vst v63  }
0x7b: {  	_ =	swait.ge [sflag:s22], $0x2000  }
0x7c: {  	[sflag:s22] =	ssyncset.done $0x0  }
0x7d: {  	[sflag:s22] =	ssyncadd.s32 $0xFFFFE000  }
0x7e: {  	_ =	swait.ge [sflag:s22], $0x2000  }
0x7f: {  	[sflag:s22] =	ssyncset.done $0x0  }
0x80: {  	[sflag:s22] =	ssyncadd.s32 $0xFFFFE000  }
.Ltmp1:
0x81: {  	_ =	swait.ge [sflag:s22], $0x2000;
	(pc) =	sbr.rel @p0 .LBB2_4-.Ltmp1, $4  }
0x82: {  	[sflag:s22] =	ssyncset.done $0x0  }
0x83: {  	[sflag:s22] =	ssyncadd.s32 $0xFFFFE000  }
0x84: {  	_ =	swait.ge [sflag:s22], $0x2000  }
0x85: {  	s26 =	smov.u32 s25;
	[sflag:s22] =	ssyncset.done $0x0  }
0x86: {  	s24 =	sshra.s32 s24, $0x2;
	[sflag:s22] =	ssyncadd.s32 $0xFFFFE000  }
0x87: {  	[tilespmem:s17], [sflag:$0x1] =	stream.indirect.gather [hbm4b:s12+s16], $0x40, s24, s16, $0xb8;
	[tilespmem:$0x19000] =	vst v63  }
0x88: {  	s25 =	sadd.s32 $0x80, s24  }
0x89: {  	[tilespmem:s18], [sflag:$0x1] =	stream.indirect.gather [hbm4b:s12+s16], $0x40, s25, s16, $0xb8;
	[tilespmem:$0x19000] =	vst v63  }
0x8a: {  	s30 =	sadd.s32 $0x100, s24  }
0x8b: {  	[tilespmem:s19], [sflag:$0x1] =	stream.indirect.gather [hbm4b:s12+s16], $0x40, s30, s16, $0xb8;
	[tilespmem:$0x19000] =	vst v63  }
0x8c: {  	s31 =	sadd.s32 $0x180, s24  }
0x8d: {  	[tilespmem:s20], [sflag:$0x1] =	stream.indirect.gather [hbm4b:s12+s16], $0x40, s31, s16, $0xb8;
	[tilespmem:$0x19000] =	vst v63  }
0x8e: {  	_ =	swait.ge [sflag:s21], $0x2000  }
0x8f: {  	[sflag:s21] =	ssyncset.done $0x0  }
0x90: {  	[sflag:s21] =	ssyncadd.s32 $0xFFFFE000  }
0x91: {  	_ =	swait.ge [sflag:s21], $0x2000  }
0x92: {  	[sflag:s21] =	ssyncset.done $0x0  }
0x93: {  	[sflag:s21] =	ssyncadd.s32 $0xFFFFE000  }
0x94: {  	_ =	swait.ge [sflag:s21], $0x2000  }
0x95: {  	[sflag:s21] =	ssyncset.done $0x0  }
0x96: {  	[sflag:s21] =	ssyncadd.s32 $0xFFFFE000  }
0x97: {  	_ =	swait.ge [sflag:s21], $0x2000  }
0x98: {  	[sflag:s21] =	ssyncset.done $0x0  }
0x99: {  	s26 =	sadd.s32 $0x2800, s24;
	[sflag:s21] =	ssyncadd.s32 $0xFFFFE000  }
0x9a: {  	[spmem:s2] =	stream.indirect.scatter.add.bf16 [tilespmem:s17], [sflag:$0x2], $0x40, s26, s16, $0xb8;
	[tilespmem:$0x19000] =	vst v63  }
0x9b: {  	s28 =	sadd.s32 $0x2880, s24  }
0x9c: {  	[spmem:s2] =	stream.indirect.scatter.add.bf16 [tilespmem:s18], [sflag:$0x2], $0x40, s28, s16, $0xb8;
	[tilespmem:$0x19000] =	vst v63  }
0x9d: {  	s29 =	sadd.s32 $0x2900, s24  }
0x9e: {  	[spmem:s2] =	stream.indirect.scatter.add.bf16 [tilespmem:s19], [sflag:$0x2], $0x40, s29, s16, $0xb8;
	[tilespmem:$0x19000] =	vst v63  }
0x9f: {  	s24 =	sadd.s32 $0x2980, s24  }
0xa0: {  	[spmem:s2] =	stream.indirect.scatter.add.bf16 [tilespmem:s20], [sflag:$0x2], $0x40, s24, s16, $0xb8;
	[tilespmem:$0x19000] =	vst v63  }
0xa1: {  	_ =	swait.ge [sflag:s22], $0x2000  }
0xa2: {  	[sflag:s22] =	ssyncset.done $0x0  }
0xa3: {  	[sflag:s22] =	ssyncadd.s32 $0xFFFFE000  }
0xa4: {  	_ =	swait.ge [sflag:s22], $0x2000  }
0xa5: {  	[sflag:s22] =	ssyncset.done $0x0  }
0xa6: {  	[sflag:s22] =	ssyncadd.s32 $0xFFFFE000  }
0xa7: {  	_ =	swait.ge [sflag:s22], $0x2000  }
0xa8: {  	[sflag:s22] =	ssyncset.done $0x0  }
0xa9: {  	[sflag:s22] =	ssyncadd.s32 $0xFFFFE000  }
0xaa: {  	s3 =	sadd.s32 $0x1, s3;
	_ =	swait.ge [sflag:s22], $0x2000  }
0xab: {  	p0 =	sne.s32 s3, s11;
	[sflag:s22] =	ssyncset.done $0x0  }
0xac: {  	s30 =	sshll.u32 s1, $0x6;
	s31 =	sshrl.u32 s6, $0x3;
	[sflag:s22] =	ssyncadd.s32 $0xFFFFE000  }
.Ltmp2:
0xad: {  	s24 =	sor.u32 $0x1C03, s30;
	[bflag:$0x0] =	sbarrier.arrive $0xFFFF;
	(pc) =	sbr.rel @p0 .LBB2_1-.Ltmp2, $4  }
0xae: {  	[hbm:s23], [sflag:s24] =	dma.local [spmem:s31], $0x1400  }
0xaf: {  	_ =	swait.ge [sflag:s13], $0x1400  }
0xb0: {  	[sflag:s13] =	ssyncset.done $0x0  }
0xb1: {  	[sflag:s13] =	ssyncadd.s32 $0xFFFFEC00  }
0xb2: {  	_ =	sfence.sel $0x180000  }
0xb3: {  	[bflag:$0x0] =	sbarrier.arrive $0xFFFF  }
0xb4: {  	p0 =	sne.s32 s1, $0x0;
	_ =	strace $0x90000050  }
0xb5: {  	s0 =	sadd.s32 @!p0 $0x100000, s0;
	[bflag:$0x2] =	sbarrier.arrive $0xFFFF  }
0xb6: {  	[sflag:s0] =	ssyncadd.tile.s32 @!p0 $0x1;
	_ =	shalt  }
.Lfunc_end2:
_tile_overlayer_lowered:
.L_overlay_start_2:
0xb7: {  	(tag) =	ssettag $0x2  }
0xb8: {  	s0 =	rddreg [dreg:$0x0];
	s2 =	stileid.u32  }
0xb9: {  	s1 =	rddreg [dreg:$0x1];
	p0 =	sne.s32 s2, $0x0  }
0xba: {  	s3 =	rddreg [dreg:$0x2];
	[bflag:$0x3] =	sbarrier.arrive $0xFFFF;
	s2 =	simm.s32 @!p0 $0x1C03  }
0xbb: {  	[timem:s3], [sflag:s2] =	dma.local @!p0 [hbm:s0], s1  }
0xbc: {  	s0 =	simm.s32 @!p0 $0x3  }
0xbd: {  	_ =	swait.ge @!p0 [sflag:s0], s1  }
0xbe: {  	s1 =	ssub.s32 @!p0 $0x0, s1;
	[sflag:s0] =	ssyncset.done @!p0 $0x0  }
0xbf: {  	[sflag:s0] =	ssyncadd.s32 @!p0 s1  }
0xc0: {  	[bflag:$0x3] =	sbarrier.arrive $0xFFFF  }
0xc1: {  	_ =	shalt  }

</sc_bundles>
